<compile_context>
chip_gen: v7x
topology: tpu7x:2x2x1
jax: 0.10.2.dev20260603
libtpu: 0.0.44.dev20260713+nightly
codegen_flags: <defaults>
</compile_context>

<pallas_src>
import functools

import jax
import jax.numpy as jnp
from jax import lax
from jax.experimental import pallas as pl
from jax.experimental.pallas import tpu as pltpu
from jax.experimental.pallas import tpu_sc as plsc

N = 10000
H = 128
E = 320000

NC = 2
NS = 16
NW = NC * NS

N2 = 10240
RPW = N2 // NW
RPS = N2 // NS
CS = 128
CH_CORE = (120, 40)
CHMAX = max(CH_CORE)
E0 = NS * CH_CORE[0] * CS
E1 = NS * CH_CORE[1] * CS
EPAD = E0 + E1

_mesh = plsc.VectorSubcoreMesh(
    core_axis_name="c", subcore_axis_name="s", num_cores=NC, num_subcores=NS)


CH_CNT = (EPAD // (2 * NS * CS), EPAD // (2 * NS * CS))


def _prep_body(emb_h, nid_h, d0_h, d1_h, zr_h, ones_h, x0_h, pc_h,
               nid_v, rows_v, didx_v, ones_v, cnt_sh):
    c = lax.axis_index("c")
    s = lax.axis_index("s")
    pltpu.sync_copy(nid_h.at[c, s], nid_v)
    pltpu.sync_copy(ones_h, ones_v)
    pltpu.sync_copy(zr_h, cnt_sh.at[pl.ds(s * RPS, RPS)])

    @pl.when(c == 0)
    def _():
        pltpu.sync_copy(d0_h.at[s], didx_v.at[pl.ds(0, CH_CNT[0])])

    @pl.when(c == 1)
    def _():
        pltpu.sync_copy(d1_h.at[s], didx_v.at[pl.ds(0, CH_CNT[1])])

    plsc.subcore_barrier()
    w = c * NS + s
    for j in range(5):
        pltpu.sync_copy(emb_h.at[nid_v.at[j]], rows_v)
        pltpu.sync_copy(rows_v, x0_h.at[pl.ds(w * RPW + j * 64, 64)])

    def count_loop(nch):
        def body(k, _):
            pltpu.sync_copy(ones_v, cnt_sh.at[didx_v.at[k]], add=True)
            return 0
        lax.fori_loop(0, nch, body, 0)

    @pl.when(c == 0)
    def _():
        count_loop(CH_CNT[0])

    @pl.when(c == 1)
    def _():
        count_loop(CH_CNT[1])

    plsc.subcore_barrier()
    pltpu.sync_copy(cnt_sh.at[pl.ds(s * RPS, RPS)],
                    pc_h.at[c, pl.ds(s * RPS, RPS)])


_prep_kernel = pl.kernel(
    _prep_body,
    out_type=(jax.ShapeDtypeStruct((N2, H), jnp.float32),
              jax.ShapeDtypeStruct((NC, N2, H), jnp.float32)),
    mesh=_mesh,
    scratch_types=[
        pltpu.VMEM((5, 64), jnp.int32),
        pltpu.VMEM((64, H), jnp.float32),
        pltpu.VMEM((CHMAX, CS), jnp.int32),
        pltpu.VMEM((CS, H), jnp.float32),
        pltpu.VMEM_SHARED((N2, H), jnp.float32),
    ],
)


def _seg_body(x_h, s0_h, d0_h, s1_h, d1_h, zr_h, p_h,
              sidx_v, didx_v, rows_v, acc_sh):
    c = lax.axis_index("c")
    s = lax.axis_index("s")
    pltpu.sync_copy(zr_h, acc_sh.at[pl.ds(s * RPS, RPS)])

    @pl.when(c == 0)
    def _():
        pltpu.sync_copy(s0_h.at[s], sidx_v.at[pl.ds(0, CH_CORE[0])])
        pltpu.sync_copy(d0_h.at[s], didx_v.at[pl.ds(0, CH_CORE[0])])

    @pl.when(c == 1)
    def _():
        pltpu.sync_copy(s1_h.at[s], sidx_v.at[pl.ds(0, CH_CORE[1])])
        pltpu.sync_copy(d1_h.at[s], didx_v.at[pl.ds(0, CH_CORE[1])])

    plsc.subcore_barrier()

    def edge_loop(nch):
        def body(k, _):
            pltpu.sync_copy(x_h.at[sidx_v.at[k]], rows_v)
            pltpu.sync_copy(rows_v, acc_sh.at[didx_v.at[k]], add=True)
            return 0
        lax.fori_loop(0, nch, body, 0)

    @pl.when(c == 0)
    def _():
        edge_loop(CH_CORE[0])

    @pl.when(c == 1)
    def _():
        edge_loop(CH_CORE[1])

    plsc.subcore_barrier()
    pltpu.sync_copy(acc_sh.at[pl.ds(s * RPS, RPS)],
                    p_h.at[c, pl.ds(s * RPS, RPS)])


_seg_kernel = pl.kernel(
    _seg_body,
    out_type=jax.ShapeDtypeStruct((NC, N2, H), jnp.float32),
    mesh=_mesh,
    scratch_types=[
        pltpu.VMEM((CHMAX, CS), jnp.int32),
        pltpu.VMEM((CHMAX, CS), jnp.int32),
        pltpu.VMEM((CS, H), jnp.float32),
        pltpu.VMEM_SHARED((N2, H), jnp.float32),
    ],
)

BLK = 1280


def _tc_body(p_ref, pc_ref, x_ref, wl_ref, wr_ref, bl_ref, o_ref, *, relu):
    cnt = (pc_ref[0] + pc_ref[1])[:, 0:1]
    inv = 1.0 / jnp.maximum(cnt, 1.0)
    agg = (p_ref[0] + p_ref[1]) * inv
    out = lax.dot_general(agg, wl_ref[...], (((1,), (1,)), ((), ())),
                          preferred_element_type=jnp.float32)
    out = out + lax.dot_general(x_ref[...], wr_ref[...],
                                (((1,), (1,)), ((), ())),
                                preferred_element_type=jnp.float32)
    out = out + bl_ref[...]
    if relu:
        out = jnp.maximum(out, 0.0)
    o_ref[...] = out


def _tc_layer(p, pc, x, wl, wr, bl2, relu):
    return pl.pallas_call(
        functools.partial(_tc_body, relu=relu),
        grid=(N2 // BLK,),
        in_specs=[
            pl.BlockSpec((NC, BLK, H), lambda i: (0, i, 0)),
            pl.BlockSpec((NC, BLK, H), lambda i: (0, i, 0)),
            pl.BlockSpec((BLK, H), lambda i: (i, 0)),
            pl.BlockSpec((H, H), lambda i: (0, 0)),
            pl.BlockSpec((H, H), lambda i: (0, 0)),
            pl.BlockSpec((1, H), lambda i: (0, 0)),
        ],
        out_specs=pl.BlockSpec((BLK, H), lambda i: (i, 0)),
        out_shape=jax.ShapeDtypeStruct((N2, H), jnp.float32),
    )(p, pc, x, wl, wr, bl2)


def kernel(node_id, edge_index, emb, Wl1, bl1, Wr1, Wl2, bl2, Wr2,
           Wl3, bl3, Wr3):
    src = edge_index[0]
    dst = edge_index[1]
    src_f = jnp.concatenate([src, jnp.zeros((EPAD - E,), jnp.int32)])
    dst_f = jnp.concatenate([dst, jnp.full((EPAD - E,), N, jnp.int32)])
    s0 = src_f[:E0].reshape(NS, CH_CORE[0], CS)
    d0 = dst_f[:E0].reshape(NS, CH_CORE[0], CS)
    s1 = src_f[E0:].reshape(NS, CH_CORE[1], CS)
    d1 = dst_f[E0:].reshape(NS, CH_CORE[1], CS)
    nid_p = jnp.concatenate(
        [node_id, jnp.zeros((N2 - N,), jnp.int32)]).reshape(NC, NS, 5, 64)
    zr = jnp.zeros((RPS, H), jnp.float32)
    ones = jnp.ones((CS, H), jnp.float32)

    dc = dst_f.reshape(NC, NS, CH_CNT[0], CS)
    x0, pc = _prep_kernel(emb, nid_p, dc[0], dc[1], zr, ones)

    x = x0
    for wl, bl, wr, relu in ((Wl1, bl1, Wr1, True),
                             (Wl2, bl2, Wr2, True),
                             (Wl3, bl3, Wr3, False)):
        p = _seg_kernel(x, s0, d0, s1, d1, zr)
        x = _tc_layer(p, pc, x, wl, wr, bl.reshape(1, H), relu)
    return x[:N]

# --- scband reference (transcript-rebuilt; emitter-appended) ---
"""Pipeline reference for scband-sage-35802847379700 (READ-ONLY COPY).

The authoritative reference and input builder live on the scoring server;
editing this copy changes nothing except your own understanding.
"""

import jax, jax.numpy as jnp
import numpy as np

N = 10000
H = 128
E = 320000


def _sage_conv(x, src, dst, Wl, bl, Wr, n_nodes):
    # PyG SAGEConv with aggr='mean': out = lin_l(mean_j x_j) + lin_r(x_i)
    msgs = jnp.take(x, src, axis=0)
    agg = jax.ops.segment_sum(msgs, dst, num_segments=n_nodes)
    cnt = jax.ops.segment_sum(jnp.ones((src.shape[0],), dtype=x.dtype), dst, num_segments=n_nodes)
    cnt = jnp.clip(cnt, 1.0, None)[:, None]
    agg = agg / cnt
    return agg @ Wl.T + bl + x @ Wr.T


def setup_inputs(seed: int = 0) -> dict:
    key = jax.random.key(seed)
    ks = jax.random.split(key, 16)
    node_id = jnp.arange(N, dtype=jnp.int32)
    edge_index = jax.random.randint(ks[0], (2, E), 0, N, dtype=jnp.int32)
    emb = jax.random.normal(ks[1], (N, H), dtype=jnp.float32)
    s = 1.0 / np.sqrt(H)
    inp = {"node_id": node_id, "edge_index": edge_index, "emb": emb}
    for i, l in enumerate((1, 2, 3)):
        inp[f"Wl{l}"] = jax.random.normal(ks[2 + 3 * i], (H, H), dtype=jnp.float32) * s
        inp[f"bl{l}"] = jnp.zeros((H,), dtype=jnp.float32)
        inp[f"Wr{l}"] = jax.random.normal(ks[3 + 3 * i], (H, H), dtype=jnp.float32) * s
    return inp


def reference(node_id, edge_index, emb, Wl1, bl1, Wr1, Wl2, bl2, Wr2, Wl3, bl3, Wr3):
    src = edge_index[0]
    dst = edge_index[1]
    x = jnp.take(emb, node_id, axis=0)  # embedding lookup
    x = _sage_conv(x, src, dst, Wl1, bl1, Wr1, N)
    x = jax.nn.relu(x)
    # dropout is identity in eval mode
    x = _sage_conv(x, src, dst, Wl2, bl2, Wr2, N)
    x = jax.nn.relu(x)
    return _sage_conv(x, src, dst, Wl3, bl3, Wr3, N)

if __name__ == "__main__":
    import jax
    _d = setup_inputs()
    print(jax.jit(kernel)(*tuple(_d.values())))

</pallas_src>

<mosaic_0001>
#map = affine_map<(d0, d1) -> (0, 0)>
#map1 = affine_map<(d0, d1) -> (0, 0, 0)>
module attributes {stable_mosaic.version = 14 : i64} {
  func.func @_seg_body(%arg0: i32, %arg1: i32, %arg2: memref<10240x128xf32, #tpu.memory_space<hbm>>, %arg3: memref<16x120x128xi32, #tpu.memory_space<hbm>>, %arg4: memref<16x120x128xi32, #tpu.memory_space<hbm>>, %arg5: memref<16x40x128xi32, #tpu.memory_space<hbm>>, %arg6: memref<16x40x128xi32, #tpu.memory_space<hbm>>, %arg7: memref<640x128xf32, #tpu.memory_space<hbm>>, %arg8: memref<2x10240x128xf32, #tpu.memory_space<hbm>>, %arg9: memref<120x128xi32, #tpu.memory_space<vmem>>, %arg10: memref<120x128xi32, #tpu.memory_space<vmem>>, %arg11: memref<128x128xf32, #tpu.memory_space<vmem>>, %arg12: memref<10240x128xf32, #tpu.memory_space<vmem_shared>>) attributes {dimension_semantics = [#tpu.dimension_semantics<core_parallel>, #tpu.dimension_semantics<subcore_parallel>], iteration_bounds = array<i64: 2, 16>, scalar_prefetch = 0 : i64, scratch_operands = 4 : i64, tpu.core_type = #tpu.core_type<sc_vector_subcore>, window_params = [{transform_indices = #map}, {transform_indices = #map1}, {transform_indices = #map1}, {transform_indices = #map1}, {transform_indices = #map1}, {transform_indices = #map}, {transform_indices = #map1}]} {
    %mul3A = arith.constant 640 : i32
    %mul3A_0 = arith.muli %arg1, %mul3A : i32
    "tpu.region"() ({
      %run_scoped3A = tpu.sem_alloc : memref<!tpu.dma_semaphore, #tpu.memory_space<semaphore_mem>>
      %dma_start3A = arith.constant 0 : i32
      %dma_start3A_23 = tpu.memref_slice %arg12[%mul3A_0, %dma_start3A] : memref<10240x128xf32, #tpu.memory_space<vmem_shared>> -> memref<640x128xf32, #tpu.memory_space<vmem_shared>>
      tpu.enqueue_dma source(%arg7 : memref<640x128xf32, #tpu.memory_space<hbm>>) target(%dma_start3A_23 : memref<640x128xf32, #tpu.memory_space<vmem_shared>>) target_semaphore(%run_scoped3A : memref<!tpu.dma_semaphore, #tpu.memory_space<semaphore_mem>>)
      %dma_wait3A = arith.constant 0 : i32
      %dma_wait3A_24 = tpu.memref_slice %arg12[%mul3A_0, %dma_wait3A] : memref<10240x128xf32, #tpu.memory_space<vmem_shared>> -> memref<640x128xf32, #tpu.memory_space<vmem_shared>>
      tpu.wait_dma2 semaphore(%run_scoped3A : memref<!tpu.dma_semaphore, #tpu.memory_space<semaphore_mem>>) src(%arg7 : memref<640x128xf32, #tpu.memory_space<hbm>>) dst(%dma_wait3A_24 : memref<640x128xf32, #tpu.memory_space<vmem_shared>>)
      tpu.yield
    }) : () -> ()
    %eq3A = arith.constant 0 : i32
    %eq3A_1 = arith.cmpi eq, %arg0, %eq3A : i32
    %convert_element_type3A = arith.extui %eq3A_1 : i1 to i32
    %cond3A = arith.constant 0 : i32
    %cond3A_2 = arith.cmpi ne, %convert_element_type3A, %cond3A : i32
    scf.if %cond3A_2 {
      "tpu.region"() ({
        %run_scoped3A = tpu.sem_alloc : memref<!tpu.dma_semaphore, #tpu.memory_space<semaphore_mem>>
        %dma_start3A = arith.constant 0 : i32
        %dma_start3A_23 = arith.constant 0 : i32
        %dma_start3A_24 = tpu.memref_slice %arg9[%dma_start3A, %dma_start3A_23] : memref<120x128xi32, #tpu.memory_space<vmem>> -> memref<120x128xi32, #tpu.memory_space<vmem>>
        %dma_start3A_25 = arith.constant 0 : i32
        %dma_start3A_26 = arith.constant 0 : i32
        %dma_start3A_27 = tpu.memref_slice %arg3[%arg1, %dma_start3A_25, %dma_start3A_26] : memref<16x120x128xi32, #tpu.memory_space<hbm>> -> memref<1x120x128xi32, #tpu.memory_space<hbm>>
        %dma_start3A_28 = tpu.memref_squeeze %dma_start3A_27 : memref<1x120x128xi32, #tpu.memory_space<hbm>> -> memref<120x128xi32, #tpu.memory_space<hbm>>
        %dma_start3A_29 = arith.constant 0 : i32
        %dma_start3A_30 = arith.constant 0 : i32
        %dma_start3A_31 = tpu.memref_slice %arg9[%dma_start3A_29, %dma_start3A_30] : memref<120x128xi32, #tpu.memory_space<vmem>> -> memref<120x128xi32, #tpu.memory_space<vmem>>
        %dma_start3A_32 = arith.constant 0 : i32
        %dma_start3A_33 = arith.constant 0 : i32
        %dma_start3A_34 = tpu.memref_slice %arg3[%arg1, %dma_start3A_32, %dma_start3A_33] : memref<16x120x128xi32, #tpu.memory_space<hbm>> -> memref<1x120x128xi32, #tpu.memory_space<hbm>>
        %dma_start3A_35 = tpu.memref_squeeze %dma_start3A_34 : memref<1x120x128xi32, #tpu.memory_space<hbm>> -> memref<120x128xi32, #tpu.memory_space<hbm>>
        tpu.enqueue_dma source(%dma_start3A_35 : memref<120x128xi32, #tpu.memory_space<hbm>>) target(%dma_start3A_31 : memref<120x128xi32, #tpu.memory_space<vmem>>) target_semaphore(%run_scoped3A : memref<!tpu.dma_semaphore, #tpu.memory_space<semaphore_mem>>)
        %dma_wait3A = arith.constant 0 : i32
        %dma_wait3A_36 = arith.constant 0 : i32
        %dma_wait3A_37 = tpu.memref_slice %arg9[%dma_wait3A, %dma_wait3A_36] : memref<120x128xi32, #tpu.memory_space<vmem>> -> memref<120x128xi32, #tpu.memory_space<vmem>>
        %dma_wait3A_38 = arith.constant 0 : i32
        %dma_wait3A_39 = arith.constant 0 : i32
        %dma_wait3A_40 = tpu.memref_slice %arg3[%arg1, %dma_wait3A_38, %dma_wait3A_39] : memref<16x120x128xi32, #tpu.memory_space<hbm>> -> memref<1x120x128xi32, #tpu.memory_space<hbm>>
        %dma_wait3A_41 = tpu.memref_squeeze %dma_wait3A_40 : memref<1x120x128xi32, #tpu.memory_space<hbm>> -> memref<120x128xi32, #tpu.memory_space<hbm>>
        %dma_wait3A_42 = arith.constant 0 : i32
        %dma_wait3A_43 = arith.constant 0 : i32
        %dma_wait3A_44 = tpu.memref_slice %arg9[%dma_wait3A_42, %dma_wait3A_43] : memref<120x128xi32, #tpu.memory_space<vmem>> -> memref<120x128xi32, #tpu.memory_space<vmem>>
        %dma_wait3A_45 = arith.constant 0 : i32
        %dma_wait3A_46 = arith.constant 0 : i32
        %dma_wait3A_47 = tpu.memref_slice %arg3[%arg1, %dma_wait3A_45, %dma_wait3A_46] : memref<16x120x128xi32, #tpu.memory_space<hbm>> -> memref<1x120x128xi32, #tpu.memory_space<hbm>>
        %dma_wait3A_48 = tpu.memref_squeeze %dma_wait3A_47 : memref<1x120x128xi32, #tpu.memory_space<hbm>> -> memref<120x128xi32, #tpu.memory_space<hbm>>
        tpu.wait_dma2 semaphore(%run_scoped3A : memref<!tpu.dma_semaphore, #tpu.memory_space<semaphore_mem>>) src(%dma_wait3A_48 : memref<120x128xi32, #tpu.memory_space<hbm>>) dst(%dma_wait3A_44 : memref<120x128xi32, #tpu.memory_space<vmem>>)
        tpu.yield
      }) : () -> ()
      "tpu.region"() ({
        %run_scoped3A = tpu.sem_alloc : memref<!tpu.dma_semaphore, #tpu.memory_space<semaphore_mem>>
        %dma_start3A = arith.constant 0 : i32
        %dma_start3A_23 = arith.constant 0 : i32
        %dma_start3A_24 = tpu.memref_slice %arg10[%dma_start3A, %dma_start3A_23] : memref<120x128xi32, #tpu.memory_space<vmem>> -> memref<120x128xi32, #tpu.memory_space<vmem>>
        %dma_start3A_25 = arith.constant 0 : i32
        %dma_start3A_26 = arith.constant 0 : i32
        %dma_start3A_27 = tpu.memref_slice %arg4[%arg1, %dma_start3A_25, %dma_start3A_26] : memref<16x120x128xi32, #tpu.memory_space<hbm>> -> memref<1x120x128xi32, #tpu.memory_space<hbm>>
        %dma_start3A_28 = tpu.memref_squeeze %dma_start3A_27 : memref<1x120x128xi32, #tpu.memory_space<hbm>> -> memref<120x128xi32, #tpu.memory_space<hbm>>
        %dma_start3A_29 = arith.constant 0 : i32
        %dma_start3A_30 = arith.constant 0 : i32
        %dma_start3A_31 = tpu.memref_slice %arg10[%dma_start3A_29, %dma_start3A_30] : memref<120x128xi32, #tpu.memory_space<vmem>> -> memref<120x128xi32, #tpu.memory_space<vmem>>
        %dma_start3A_32 = arith.constant 0 : i32
        %dma_start3A_33 = arith.constant 0 : i32
        %dma_start3A_34 = tpu.memref_slice %arg4[%arg1, %dma_start3A_32, %dma_start3A_33] : memref<16x120x128xi32, #tpu.memory_space<hbm>> -> memref<1x120x128xi32, #tpu.memory_space<hbm>>
        %dma_start3A_35 = tpu.memref_squeeze %dma_start3A_34 : memref<1x120x128xi32, #tpu.memory_space<hbm>> -> memref<120x128xi32, #tpu.memory_space<hbm>>
        tpu.enqueue_dma source(%dma_start3A_35 : memref<120x128xi32, #tpu.memory_space<hbm>>) target(%dma_start3A_31 : memref<120x128xi32, #tpu.memory_space<vmem>>) target_semaphore(%run_scoped3A : memref<!tpu.dma_semaphore, #tpu.memory_space<semaphore_mem>>)
        %dma_wait3A = arith.constant 0 : i32
        %dma_wait3A_36 = arith.constant 0 : i32
        %dma_wait3A_37 = tpu.memref_slice %arg10[%dma_wait3A, %dma_wait3A_36] : memref<120x128xi32, #tpu.memory_space<vmem>> -> memref<120x128xi32, #tpu.memory_space<vmem>>
        %dma_wait3A_38 = arith.constant 0 : i32
        %dma_wait3A_39 = arith.constant 0 : i32
        %dma_wait3A_40 = tpu.memref_slice %arg4[%arg1, %dma_wait3A_38, %dma_wait3A_39] : memref<16x120x128xi32, #tpu.memory_space<hbm>> -> memref<1x120x128xi32, #tpu.memory_space<hbm>>
        %dma_wait3A_41 = tpu.memref_squeeze %dma_wait3A_40 : memref<1x120x128xi32, #tpu.memory_space<hbm>> -> memref<120x128xi32, #tpu.memory_space<hbm>>
        %dma_wait3A_42 = arith.constant 0 : i32
        %dma_wait3A_43 = arith.constant 0 : i32
        %dma_wait3A_44 = tpu.memref_slice %arg10[%dma_wait3A_42, %dma_wait3A_43] : memref<120x128xi32, #tpu.memory_space<vmem>> -> memref<120x128xi32, #tpu.memory_space<vmem>>
        %dma_wait3A_45 = arith.constant 0 : i32
        %dma_wait3A_46 = arith.constant 0 : i32
        %dma_wait3A_47 = tpu.memref_slice %arg4[%arg1, %dma_wait3A_45, %dma_wait3A_46] : memref<16x120x128xi32, #tpu.memory_space<hbm>> -> memref<1x120x128xi32, #tpu.memory_space<hbm>>
        %dma_wait3A_48 = tpu.memref_squeeze %dma_wait3A_47 : memref<1x120x128xi32, #tpu.memory_space<hbm>> -> memref<120x128xi32, #tpu.memory_space<hbm>>
        tpu.wait_dma2 semaphore(%run_scoped3A : memref<!tpu.dma_semaphore, #tpu.memory_space<semaphore_mem>>) src(%dma_wait3A_48 : memref<120x128xi32, #tpu.memory_space<hbm>>) dst(%dma_wait3A_44 : memref<120x128xi32, #tpu.memory_space<vmem>>)
        tpu.yield
      }) : () -> ()
    } else {
    }
    %eq3A_3 = arith.constant 1 : i32
    %eq3A_4 = arith.cmpi eq, %arg0, %eq3A_3 : i32
    %convert_element_type3A_5 = arith.extui %eq3A_4 : i1 to i32
    %cond3A_6 = arith.constant 0 : i32
    %cond3A_7 = arith.cmpi ne, %convert_element_type3A_5, %cond3A_6 : i32
    scf.if %cond3A_7 {
      "tpu.region"() ({
        %run_scoped3A = tpu.sem_alloc : memref<!tpu.dma_semaphore, #tpu.memory_space<semaphore_mem>>
        %dma_start3A = arith.constant 0 : i32
        %dma_start3A_23 = arith.constant 0 : i32
        %dma_start3A_24 = tpu.memref_slice %arg9[%dma_start3A, %dma_start3A_23] : memref<120x128xi32, #tpu.memory_space<vmem>> -> memref<40x128xi32, #tpu.memory_space<vmem>>
        %dma_start3A_25 = arith.constant 0 : i32
        %dma_start3A_26 = arith.constant 0 : i32
        %dma_start3A_27 = tpu.memref_slice %arg5[%arg1, %dma_start3A_25, %dma_start3A_26] : memref<16x40x128xi32, #tpu.memory_space<hbm>> -> memref<1x40x128xi32, #tpu.memory_space<hbm>>
        %dma_start3A_28 = tpu.memref_squeeze %dma_start3A_27 : memref<1x40x128xi32, #tpu.memory_space<hbm>> -> memref<40x128xi32, #tpu.memory_space<hbm>>
        %dma_start3A_29 = arith.constant 0 : i32
        %dma_start3A_30 = arith.constant 0 : i32
        %dma_start3A_31 = tpu.memref_slice %arg9[%dma_start3A_29, %dma_start3A_30] : memref<120x128xi32, #tpu.memory_space<vmem>> -> memref<40x128xi32, #tpu.memory_space<vmem>>
        %dma_start3A_32 = arith.constant 0 : i32
        %dma_start3A_33 = arith.constant 0 : i32
        %dma_start3A_34 = tpu.memref_slice %arg5[%arg1, %dma_start3A_32, %dma_start3A_33] : memref<16x40x128xi32, #tpu.memory_space<hbm>> -> memref<1x40x128xi32, #tpu.memory_space<hbm>>
        %dma_start3A_35 = tpu.memref_squeeze %dma_start3A_34 : memref<1x40x128xi32, #tpu.memory_space<hbm>> -> memref<40x128xi32, #tpu.memory_space<hbm>>
        tpu.enqueue_dma source(%dma_start3A_35 : memref<40x128xi32, #tpu.memory_space<hbm>>) target(%dma_start3A_31 : memref<40x128xi32, #tpu.memory_space<vmem>>) target_semaphore(%run_scoped3A : memref<!tpu.dma_semaphore, #tpu.memory_space<semaphore_mem>>)
        %dma_wait3A = arith.constant 0 : i32
        %dma_wait3A_36 = arith.constant 0 : i32
        %dma_wait3A_37 = tpu.memref_slice %arg9[%dma_wait3A, %dma_wait3A_36] : memref<120x128xi32, #tpu.memory_space<vmem>> -> memref<40x128xi32, #tpu.memory_space<vmem>>
        %dma_wait3A_38 = arith.constant 0 : i32
        %dma_wait3A_39 = arith.constant 0 : i32
        %dma_wait3A_40 = tpu.memref_slice %arg5[%arg1, %dma_wait3A_38, %dma_wait3A_39] : memref<16x40x128xi32, #tpu.memory_space<hbm>> -> memref<1x40x128xi32, #tpu.memory_space<hbm>>
        %dma_wait3A_41 = tpu.memref_squeeze %dma_wait3A_40 : memref<1x40x128xi32, #tpu.memory_space<hbm>> -> memref<40x128xi32, #tpu.memory_space<hbm>>
        %dma_wait3A_42 = arith.constant 0 : i32
        %dma_wait3A_43 = arith.constant 0 : i32
        %dma_wait3A_44 = tpu.memref_slice %arg9[%dma_wait3A_42, %dma_wait3A_43] : memref<120x128xi32, #tpu.memory_space<vmem>> -> memref<40x128xi32, #tpu.memory_space<vmem>>
        %dma_wait3A_45 = arith.constant 0 : i32
        %dma_wait3A_46 = arith.constant 0 : i32
        %dma_wait3A_47 = tpu.memref_slice %arg5[%arg1, %dma_wait3A_45, %dma_wait3A_46] : memref<16x40x128xi32, #tpu.memory_space<hbm>> -> memref<1x40x128xi32, #tpu.memory_space<hbm>>
        %dma_wait3A_48 = tpu.memref_squeeze %dma_wait3A_47 : memref<1x40x128xi32, #tpu.memory_space<hbm>> -> memref<40x128xi32, #tpu.memory_space<hbm>>
        tpu.wait_dma2 semaphore(%run_scoped3A : memref<!tpu.dma_semaphore, #tpu.memory_space<semaphore_mem>>) src(%dma_wait3A_48 : memref<40x128xi32, #tpu.memory_space<hbm>>) dst(%dma_wait3A_44 : memref<40x128xi32, #tpu.memory_space<vmem>>)
        tpu.yield
      }) : () -> ()
      "tpu.region"() ({
        %run_scoped3A = tpu.sem_alloc : memref<!tpu.dma_semaphore, #tpu.memory_space<semaphore_mem>>
        %dma_start3A = arith.constant 0 : i32
        %dma_start3A_23 = arith.constant 0 : i32
        %dma_start3A_24 = tpu.memref_slice %arg10[%dma_start3A, %dma_start3A_23] : memref<120x128xi32, #tpu.memory_space<vmem>> -> memref<40x128xi32, #tpu.memory_space<vmem>>
        %dma_start3A_25 = arith.constant 0 : i32
        %dma_start3A_26 = arith.constant 0 : i32
        %dma_start3A_27 = tpu.memref_slice %arg6[%arg1, %dma_start3A_25, %dma_start3A_26] : memref<16x40x128xi32, #tpu.memory_space<hbm>> -> memref<1x40x128xi32, #tpu.memory_space<hbm>>
        %dma_start3A_28 = tpu.memref_squeeze %dma_start3A_27 : memref<1x40x128xi32, #tpu.memory_space<hbm>> -> memref<40x128xi32, #tpu.memory_space<hbm>>
        %dma_start3A_29 = arith.constant 0 : i32
        %dma_start3A_30 = arith.constant 0 : i32
        %dma_start3A_31 = tpu.memref_slice %arg10[%dma_start3A_29, %dma_start3A_30] : memref<120x128xi32, #tpu.memory_space<vmem>> -> memref<40x128xi32, #tpu.memory_space<vmem>>
        %dma_start3A_32 = arith.constant 0 : i32
        %dma_start3A_33 = arith.constant 0 : i32
        %dma_start3A_34 = tpu.memref_slice %arg6[%arg1, %dma_start3A_32, %dma_start3A_33] : memref<16x40x128xi32, #tpu.memory_space<hbm>> -> memref<1x40x128xi32, #tpu.memory_space<hbm>>
        %dma_start3A_35 = tpu.memref_squeeze %dma_start3A_34 : memref<1x40x128xi32, #tpu.memory_space<hbm>> -> memref<40x128xi32, #tpu.memory_space<hbm>>
        tpu.enqueue_dma source(%dma_start3A_35 : memref<40x128xi32, #tpu.memory_space<hbm>>) target(%dma_start3A_31 : memref<40x128xi32, #tpu.memory_space<vmem>>) target_semaphore(%run_scoped3A : memref<!tpu.dma_semaphore, #tpu.memory_space<semaphore_mem>>)
        %dma_wait3A = arith.constant 0 : i32
        %dma_wait3A_36 = arith.constant 0 : i32
        %dma_wait3A_37 = tpu.memref_slice %arg10[%dma_wait3A, %dma_wait3A_36] : memref<120x128xi32, #tpu.memory_space<vmem>> -> memref<40x128xi32, #tpu.memory_space<vmem>>
        %dma_wait3A_38 = arith.constant 0 : i32
        %dma_wait3A_39 = arith.constant 0 : i32
        %dma_wait3A_40 = tpu.memref_slice %arg6[%arg1, %dma_wait3A_38, %dma_wait3A_39] : memref<16x40x128xi32, #tpu.memory_space<hbm>> -> memref<1x40x128xi32, #tpu.memory_space<hbm>>
        %dma_wait3A_41 = tpu.memref_squeeze %dma_wait3A_40 : memref<1x40x128xi32, #tpu.memory_space<hbm>> -> memref<40x128xi32, #tpu.memory_space<hbm>>
        %dma_wait3A_42 = arith.constant 0 : i32
        %dma_wait3A_43 = arith.constant 0 : i32
        %dma_wait3A_44 = tpu.memref_slice %arg10[%dma_wait3A_42, %dma_wait3A_43] : memref<120x128xi32, #tpu.memory_space<vmem>> -> memref<40x128xi32, #tpu.memory_space<vmem>>
        %dma_wait3A_45 = arith.constant 0 : i32
        %dma_wait3A_46 = arith.constant 0 : i32
        %dma_wait3A_47 = tpu.memref_slice %arg6[%arg1, %dma_wait3A_45, %dma_wait3A_46] : memref<16x40x128xi32, #tpu.memory_space<hbm>> -> memref<1x40x128xi32, #tpu.memory_space<hbm>>
        %dma_wait3A_48 = tpu.memref_squeeze %dma_wait3A_47 : memref<1x40x128xi32, #tpu.memory_space<hbm>> -> memref<40x128xi32, #tpu.memory_space<hbm>>
        tpu.wait_dma2 semaphore(%run_scoped3A : memref<!tpu.dma_semaphore, #tpu.memory_space<semaphore_mem>>) src(%dma_wait3A_48 : memref<40x128xi32, #tpu.memory_space<hbm>>) dst(%dma_wait3A_44 : memref<40x128xi32, #tpu.memory_space<vmem>>)
        tpu.yield
      }) : () -> ()
    } else {
    }
    %barrier3A = arith.constant 0 : index
    tpu.barrier barrier_id(%barrier3A)
    %eq3A_8 = arith.constant 0 : i32
    %eq3A_9 = arith.cmpi eq, %arg0, %eq3A_8 : i32
    %convert_element_type3A_10 = arith.extui %eq3A_9 : i1 to i32
    %cond3A_11 = arith.constant 0 : i32
    %cond3A_12 = arith.cmpi ne, %convert_element_type3A_10, %cond3A_11 : i32
    scf.if %cond3A_12 {
      %scan3A = arith.constant 0 : i32
      %scan3A_23 = arith.constant 0 : i32
      %scan3A_24 = arith.constant 120 : i32
      %scan3A_25 = arith.addi %scan3A_23, %scan3A_24 : i32
      %scan3A_26 = arith.constant 1 : i32
      %scan3A_27 = scf.for %scan3A_29 = %scan3A_23 to %scan3A_25 step %scan3A_26 iter_args(%scan3A_30 = %scan3A) -> (i32)  : i32 {
        "tpu.region"() ({
          %run_scoped3A = tpu.sem_alloc : memref<!tpu.dma_semaphore, #tpu.memory_space<semaphore_mem>>
          %dma_start3A = arith.constant 0 : i32
          %dma_start3A_32 = tpu.memref_slice %arg9[%scan3A_29, %dma_start3A] : memref<120x128xi32, #tpu.memory_space<vmem>> -> memref<1x128xi32, #tpu.memory_space<vmem>>
          %dma_start3A_33 = tpu.memref_squeeze %dma_start3A_32 : memref<1x128xi32, #tpu.memory_space<vmem>> -> memref<128xi32, #tpu.memory_space<vmem>>
          %dma_start3A_34 = arith.constant 0 : i32
          %dma_start3A_35 = arith.constant 0 : i32
          %dma_start3A_36 = tpu.memref_slice %arg2[%dma_start3A_34, %dma_start3A_35] : memref<10240x128xf32, #tpu.memory_space<hbm>> -> memref<10240x128xf32, #tpu.memory_space<hbm>>
          tpu.enqueue_indirect_dma source(%dma_start3A_36 : memref<10240x128xf32, #tpu.memory_space<hbm>>) target(%arg11 : memref<128x128xf32, #tpu.memory_space<vmem>>) offsets(%dma_start3A_33 : memref<128xi32, #tpu.memory_space<vmem>>) semaphore(%run_scoped3A : memref<!tpu.dma_semaphore, #tpu.memory_space<semaphore_mem>>)
          %dma_wait3A = arith.constant 0 : i32
          %dma_wait3A_37 = tpu.memref_slice %arg9[%scan3A_29, %dma_wait3A] : memref<120x128xi32, #tpu.memory_space<vmem>> -> memref<1x128xi32, #tpu.memory_space<vmem>>
          %dma_wait3A_38 = tpu.memref_squeeze %dma_wait3A_37 : memref<1x128xi32, #tpu.memory_space<vmem>> -> memref<128xi32, #tpu.memory_space<vmem>>
          %dma_wait3A_39 = arith.constant 0 : i32
          %dma_wait3A_40 = arith.constant 0 : i32
          %dma_wait3A_41 = tpu.memref_slice %arg2[%dma_wait3A_39, %dma_wait3A_40] : memref<10240x128xf32, #tpu.memory_space<hbm>> -> memref<10240x128xf32, #tpu.memory_space<hbm>>
          tpu.wait_indirect_dma semaphore(%run_scoped3A : memref<!tpu.dma_semaphore, #tpu.memory_space<semaphore_mem>>) src(%dma_wait3A_41 : memref<10240x128xf32, #tpu.memory_space<hbm>>) dst(%arg11 : memref<128x128xf32, #tpu.memory_space<vmem>>)
          tpu.yield
        }) : () -> ()
        "tpu.region"() ({
          %run_scoped3A = tpu.sem_alloc : memref<!tpu.dma_semaphore, #tpu.memory_space<semaphore_mem>>
          %dma_start3A = arith.constant 0 : i32
          %dma_start3A_32 = tpu.memref_slice %arg10[%scan3A_29, %dma_start3A] : memref<120x128xi32, #tpu.memory_space<vmem>> -> memref<1x128xi32, #tpu.memory_space<vmem>>
          %dma_start3A_33 = tpu.memref_squeeze %dma_start3A_32 : memref<1x128xi32, #tpu.memory_space<vmem>> -> memref<128xi32, #tpu.memory_space<vmem>>
          %dma_start3A_34 = arith.constant 0 : i32
          %dma_start3A_35 = arith.constant 0 : i32
          %dma_start3A_36 = tpu.memref_slice %arg12[%dma_start3A_34, %dma_start3A_35] : memref<10240x128xf32, #tpu.memory_space<vmem_shared>> -> memref<10240x128xf32, #tpu.memory_space<vmem_shared>>
          tpu.enqueue_indirect_dma source(%arg11 : memref<128x128xf32, #tpu.memory_space<vmem>>) target(%dma_start3A_36 : memref<10240x128xf32, #tpu.memory_space<vmem_shared>>) offsets(%dma_start3A_33 : memref<128xi32, #tpu.memory_space<vmem>>) semaphore(%run_scoped3A : memref<!tpu.dma_semaphore, #tpu.memory_space<semaphore_mem>>) {add = true}
          %dma_wait3A = arith.constant 0 : i32
          %dma_wait3A_37 = tpu.memref_slice %arg10[%scan3A_29, %dma_wait3A] : memref<120x128xi32, #tpu.memory_space<vmem>> -> memref<1x128xi32, #tpu.memory_space<vmem>>
          %dma_wait3A_38 = tpu.memref_squeeze %dma_wait3A_37 : memref<1x128xi32, #tpu.memory_space<vmem>> -> memref<128xi32, #tpu.memory_space<vmem>>
          %dma_wait3A_39 = arith.constant 0 : i32
          %dma_wait3A_40 = arith.constant 0 : i32
          %dma_wait3A_41 = tpu.memref_slice %arg12[%dma_wait3A_39, %dma_wait3A_40] : memref<10240x128xf32, #tpu.memory_space<vmem_shared>> -> memref<10240x128xf32, #tpu.memory_space<vmem_shared>>
          tpu.wait_indirect_dma semaphore(%run_scoped3A : memref<!tpu.dma_semaphore, #tpu.memory_space<semaphore_mem>>) src(%arg11 : memref<128x128xf32, #tpu.memory_space<vmem>>) dst(%dma_wait3A_41 : memref<10240x128xf32, #tpu.memory_space<vmem_shared>>)
          tpu.yield
        }) : () -> ()
        %scan3A_31 = arith.constant 0 : i32
        scf.yield %scan3A_31 : i32
      }
      %scan3A_28 = arith.constant 120 : i32
    } else {
    }
    %eq3A_13 = arith.constant 1 : i32
    %eq3A_14 = arith.cmpi eq, %arg0, %eq3A_13 : i32
    %convert_element_type3A_15 = arith.extui %eq3A_14 : i1 to i32
    %cond3A_16 = arith.constant 0 : i32
    %cond3A_17 = arith.cmpi ne, %convert_element_type3A_15, %cond3A_16 : i32
    scf.if %cond3A_17 {
      %scan3A = arith.constant 0 : i32
      %scan3A_23 = arith.constant 0 : i32
      %scan3A_24 = arith.constant 40 : i32
      %scan3A_25 = arith.addi %scan3A_23, %scan3A_24 : i32
      %scan3A_26 = arith.constant 1 : i32
      %scan3A_27 = scf.for %scan3A_29 = %scan3A_23 to %scan3A_25 step %scan3A_26 iter_args(%scan3A_30 = %scan3A) -> (i32)  : i32 {
        "tpu.region"() ({
          %run_scoped3A = tpu.sem_alloc : memref<!tpu.dma_semaphore, #tpu.memory_space<semaphore_mem>>
          %dma_start3A = arith.constant 0 : i32
          %dma_start3A_32 = tpu.memref_slice %arg9[%scan3A_29, %dma_start3A] : memref<120x128xi32, #tpu.memory_space<vmem>> -> memref<1x128xi32, #tpu.memory_space<vmem>>
          %dma_start3A_33 = tpu.memref_squeeze %dma_start3A_32 : memref<1x128xi32, #tpu.memory_space<vmem>> -> memref<128xi32, #tpu.memory_space<vmem>>
          %dma_start3A_34 = arith.constant 0 : i32
          %dma_start3A_35 = arith.constant 0 : i32
          %dma_start3A_36 = tpu.memref_slice %arg2[%dma_start3A_34, %dma_start3A_35] : memref<10240x128xf32, #tpu.memory_space<hbm>> -> memref<10240x128xf32, #tpu.memory_space<hbm>>
          tpu.enqueue_indirect_dma source(%dma_start3A_36 : memref<10240x128xf32, #tpu.memory_space<hbm>>) target(%arg11 : memref<128x128xf32, #tpu.memory_space<vmem>>) offsets(%dma_start3A_33 : memref<128xi32, #tpu.memory_space<vmem>>) semaphore(%run_scoped3A : memref<!tpu.dma_semaphore, #tpu.memory_space<semaphore_mem>>)
          %dma_wait3A = arith.constant 0 : i32
          %dma_wait3A_37 = tpu.memref_slice %arg9[%scan3A_29, %dma_wait3A] : memref<120x128xi32, #tpu.memory_space<vmem>> -> memref<1x128xi32, #tpu.memory_space<vmem>>
          %dma_wait3A_38 = tpu.memref_squeeze %dma_wait3A_37 : memref<1x128xi32, #tpu.memory_space<vmem>> -> memref<128xi32, #tpu.memory_space<vmem>>
          %dma_wait3A_39 = arith.constant 0 : i32
          %dma_wait3A_40 = arith.constant 0 : i32
          %dma_wait3A_41 = tpu.memref_slice %arg2[%dma_wait3A_39, %dma_wait3A_40] : memref<10240x128xf32, #tpu.memory_space<hbm>> -> memref<10240x128xf32, #tpu.memory_space<hbm>>
          tpu.wait_indirect_dma semaphore(%run_scoped3A : memref<!tpu.dma_semaphore, #tpu.memory_space<semaphore_mem>>) src(%dma_wait3A_41 : memref<10240x128xf32, #tpu.memory_space<hbm>>) dst(%arg11 : memref<128x128xf32, #tpu.memory_space<vmem>>)
          tpu.yield
        }) : () -> ()
        "tpu.region"() ({
          %run_scoped3A = tpu.sem_alloc : memref<!tpu.dma_semaphore, #tpu.memory_space<semaphore_mem>>
          %dma_start3A = arith.constant 0 : i32
          %dma_start3A_32 = tpu.memref_slice %arg10[%scan3A_29, %dma_start3A] : memref<120x128xi32, #tpu.memory_space<vmem>> -> memref<1x128xi32, #tpu.memory_space<vmem>>
          %dma_start3A_33 = tpu.memref_squeeze %dma_start3A_32 : memref<1x128xi32, #tpu.memory_space<vmem>> -> memref<128xi32, #tpu.memory_space<vmem>>
          %dma_start3A_34 = arith.constant 0 : i32
          %dma_start3A_35 = arith.constant 0 : i32
          %dma_start3A_36 = tpu.memref_slice %arg12[%dma_start3A_34, %dma_start3A_35] : memref<10240x128xf32, #tpu.memory_space<vmem_shared>> -> memref<10240x128xf32, #tpu.memory_space<vmem_shared>>
          tpu.enqueue_indirect_dma source(%arg11 : memref<128x128xf32, #tpu.memory_space<vmem>>) target(%dma_start3A_36 : memref<10240x128xf32, #tpu.memory_space<vmem_shared>>) offsets(%dma_start3A_33 : memref<128xi32, #tpu.memory_space<vmem>>) semaphore(%run_scoped3A : memref<!tpu.dma_semaphore, #tpu.memory_space<semaphore_mem>>) {add = true}
          %dma_wait3A = arith.constant 0 : i32
          %dma_wait3A_37 = tpu.memref_slice %arg10[%scan3A_29, %dma_wait3A] : memref<120x128xi32, #tpu.memory_space<vmem>> -> memref<1x128xi32, #tpu.memory_space<vmem>>
          %dma_wait3A_38 = tpu.memref_squeeze %dma_wait3A_37 : memref<1x128xi32, #tpu.memory_space<vmem>> -> memref<128xi32, #tpu.memory_space<vmem>>
          %dma_wait3A_39 = arith.constant 0 : i32
          %dma_wait3A_40 = arith.constant 0 : i32
          %dma_wait3A_41 = tpu.memref_slice %arg12[%dma_wait3A_39, %dma_wait3A_40] : memref<10240x128xf32, #tpu.memory_space<vmem_shared>> -> memref<10240x128xf32, #tpu.memory_space<vmem_shared>>
          tpu.wait_indirect_dma semaphore(%run_scoped3A : memref<!tpu.dma_semaphore, #tpu.memory_space<semaphore_mem>>) src(%arg11 : memref<128x128xf32, #tpu.memory_space<vmem>>) dst(%dma_wait3A_41 : memref<10240x128xf32, #tpu.memory_space<vmem_shared>>)
          tpu.yield
        }) : () -> ()
        %scan3A_31 = arith.constant 0 : i32
        scf.yield %scan3A_31 : i32
      }
      %scan3A_28 = arith.constant 40 : i32
    } else {
    }
    %barrier3A_18 = arith.constant 0 : index
    tpu.barrier barrier_id(%barrier3A_18)
    %mul3A_19 = arith.constant 640 : i32
    %mul3A_20 = arith.muli %arg1, %mul3A_19 : i32
    %mul3A_21 = arith.constant 640 : i32
    %mul3A_22 = arith.muli %arg1, %mul3A_21 : i32
    "tpu.region"() ({
      %run_scoped3A = tpu.sem_alloc : memref<!tpu.dma_semaphore, #tpu.memory_space<semaphore_mem>>
      %dma_start3A = arith.constant 0 : i32
      %dma_start3A_23 = tpu.memref_slice %arg8[%arg0, %mul3A_22, %dma_start3A] : memref<2x10240x128xf32, #tpu.memory_space<hbm>> -> memref<1x640x128xf32, #tpu.memory_space<hbm>>
      %dma_start3A_24 = tpu.memref_squeeze %dma_start3A_23 : memref<1x640x128xf32, #tpu.memory_space<hbm>> -> memref<640x128xf32, #tpu.memory_space<hbm>>
      %dma_start3A_25 = arith.constant 0 : i32
      %dma_start3A_26 = tpu.memref_slice %arg12[%mul3A_20, %dma_start3A_25] : memref<10240x128xf32, #tpu.memory_space<vmem_shared>> -> memref<640x128xf32, #tpu.memory_space<vmem_shared>>
      tpu.enqueue_dma source(%dma_start3A_26 : memref<640x128xf32, #tpu.memory_space<vmem_shared>>) target(%dma_start3A_24 : memref<640x128xf32, #tpu.memory_space<hbm>>) target_semaphore(%run_scoped3A : memref<!tpu.dma_semaphore, #tpu.memory_space<semaphore_mem>>)
      %dma_wait3A = arith.constant 0 : i32
      %dma_wait3A_27 = tpu.memref_slice %arg8[%arg0, %mul3A_22, %dma_wait3A] : memref<2x10240x128xf32, #tpu.memory_space<hbm>> -> memref<1x640x128xf32, #tpu.memory_space<hbm>>
      %dma_wait3A_28 = tpu.memref_squeeze %dma_wait3A_27 : memref<1x640x128xf32, #tpu.memory_space<hbm>> -> memref<640x128xf32, #tpu.memory_space<hbm>>
      %dma_wait3A_29 = arith.constant 0 : i32
      %dma_wait3A_30 = tpu.memref_slice %arg12[%mul3A_20, %dma_wait3A_29] : memref<10240x128xf32, #tpu.memory_space<vmem_shared>> -> memref<640x128xf32, #tpu.memory_space<vmem_shared>>
      tpu.wait_dma2 semaphore(%run_scoped3A : memref<!tpu.dma_semaphore, #tpu.memory_space<semaphore_mem>>) src(%dma_wait3A_30 : memref<640x128xf32, #tpu.memory_space<vmem_shared>>) dst(%dma_wait3A_28 : memref<640x128xf32, #tpu.memory_space<hbm>>)
      tpu.yield
    }) : () -> ()
    return
  }
}

#map = affine_map<(d0, d1) -> (0, 0)>
#map1 = affine_map<(d0, d1) -> (0, 0, 0)>
module attributes {stable_mosaic.version = 14 : i64} {
  func.func @_seg_body(%arg0: i32, %arg1: i32, %arg2: memref<10240x128xf32, #tpu.memory_space<hbm>>, %arg3: memref<16x120x128xi32, #tpu.memory_space<hbm>>, %arg4: memref<16x120x128xi32, #tpu.memory_space<hbm>>, %arg5: memref<16x40x128xi32, #tpu.memory_space<hbm>>, %arg6: memref<16x40x128xi32, #tpu.memory_space<hbm>>, %arg7: memref<640x128xf32, #tpu.memory_space<hbm>>, %arg8: memref<2x10240x128xf32, #tpu.memory_space<hbm>>, %arg9: memref<120x128xi32, #tpu.memory_space<vmem>>, %arg10: memref<120x128xi32, #tpu.memory_space<vmem>>, %arg11: memref<128x128xf32, #tpu.memory_space<vmem>>, %arg12: memref<10240x128xf32, #tpu.memory_space<vmem_shared>>) attributes {dimension_semantics = [#tpu.dimension_semantics<core_parallel>, #tpu.dimension_semantics<subcore_parallel>], iteration_bounds = array<i64: 2, 16>, scalar_prefetch = 0 : i64, scratch_operands = 4 : i64, tpu.core_type = #tpu.core_type<sc_vector_subcore>, window_params = [{transform_indices = #map}, {transform_indices = #map1}, {transform_indices = #map1}, {transform_indices = #map1}, {transform_indices = #map1}, {transform_indices = #map}, {transform_indices = #map1}]} {
    %mul3A = arith.constant 640 : i32
    %mul3A_0 = arith.muli %arg1, %mul3A : i32
    "tpu.region"() ({
      %run_scoped3A = tpu.sem_alloc : memref<!tpu.dma_semaphore, #tpu.memory_space<semaphore_mem>>
      %dma_start3A = arith.constant 0 : i32
      %dma_start3A_23 = tpu.memref_slice %arg12[%mul3A_0, %dma_start3A] : memref<10240x128xf32, #tpu.memory_space<vmem_shared>> -> memref<640x128xf32, #tpu.memory_space<vmem_shared>>
      tpu.enqueue_dma source(%arg7 : memref<640x128xf32, #tpu.memory_space<hbm>>) target(%dma_start3A_23 : memref<640x128xf32, #tpu.memory_space<vmem_shared>>) target_semaphore(%run_scoped3A : memref<!tpu.dma_semaphore, #tpu.memory_space<semaphore_mem>>)
      %dma_wait3A = arith.constant 0 : i32
      %dma_wait3A_24 = tpu.memref_slice %arg12[%mul3A_0, %dma_wait3A] : memref<10240x128xf32, #tpu.memory_space<vmem_shared>> -> memref<640x128xf32, #tpu.memory_space<vmem_shared>>
      tpu.wait_dma2 semaphore(%run_scoped3A : memref<!tpu.dma_semaphore, #tpu.memory_space<semaphore_mem>>) src(%arg7 : memref<640x128xf32, #tpu.memory_space<hbm>>) dst(%dma_wait3A_24 : memref<640x128xf32, #tpu.memory_space<vmem_shared>>)
      tpu.yield
    }) : () -> ()
    %eq3A = arith.constant 0 : i32
    %eq3A_1 = arith.cmpi eq, %arg0, %eq3A : i32
    %convert_element_type3A = arith.extui %eq3A_1 : i1 to i32
    %cond3A = arith.constant 0 : i32
    %cond3A_2 = arith.cmpi ne, %convert_element_type3A, %cond3A : i32
    scf.if %cond3A_2 {
      "tpu.region"() ({
        %run_scoped3A = tpu.sem_alloc : memref<!tpu.dma_semaphore, #tpu.memory_space<semaphore_mem>>
        %dma_start3A = arith.constant 0 : i32
        %dma_start3A_23 = arith.constant 0 : i32
        %dma_start3A_24 = tpu.memref_slice %arg9[%dma_start3A, %dma_start3A_23] : memref<120x128xi32, #tpu.memory_space<vmem>> -> memref<120x128xi32, #tpu.memory_space<vmem>>
        %dma_start3A_25 = arith.constant 0 : i32
        %dma_start3A_26 = arith.constant 0 : i32
        %dma_start3A_27 = tpu.memref_slice %arg3[%arg1, %dma_start3A_25, %dma_start3A_26] : memref<16x120x128xi32, #tpu.memory_space<hbm>> -> memref<1x120x128xi32, #tpu.memory_space<hbm>>
        %dma_start3A_28 = tpu.memref_squeeze %dma_start3A_27 : memref<1x120x128xi32, #tpu.memory_space<hbm>> -> memref<120x128xi32, #tpu.memory_space<hbm>>
        %dma_start3A_29 = arith.constant 0 : i32
        %dma_start3A_30 = arith.constant 0 : i32
        %dma_start3A_31 = tpu.memref_slice %arg9[%dma_start3A_29, %dma_start3A_30] : memref<120x128xi32, #tpu.memory_space<vmem>> -> memref<120x128xi32, #tpu.memory_space<vmem>>
        %dma_start3A_32 = arith.constant 0 : i32
        %dma_start3A_33 = arith.constant 0 : i32
        %dma_start3A_34 = tpu.memref_slice %arg3[%arg1, %dma_start3A_32, %dma_start3A_33] : memref<16x120x128xi32, #tpu.memory_space<hbm>> -> memref<1x120x128xi32, #tpu.memory_space<hbm>>
        %dma_start3A_35 = tpu.memref_squeeze %dma_start3A_34 : memref<1x120x128xi32, #tpu.memory_space<hbm>> -> memref<120x128xi32, #tpu.memory_space<hbm>>
        tpu.enqueue_dma source(%dma_start3A_35 : memref<120x128xi32, #tpu.memory_space<hbm>>) target(%dma_start3A_31 : memref<120x128xi32, #tpu.memory_space<vmem>>) target_semaphore(%run_scoped3A : memref<!tpu.dma_semaphore, #tpu.memory_space<semaphore_mem>>)
        %dma_wait3A = arith.constant 0 : i32
        %dma_wait3A_36 = arith.constant 0 : i32
        %dma_wait3A_37 = tpu.memref_slice %arg9[%dma_wait3A, %dma_wait3A_36] : memref<120x128xi32, #tpu.memory_space<vmem>> -> memref<120x128xi32, #tpu.memory_space<vmem>>
        %dma_wait3A_38 = arith.constant 0 : i32
        %dma_wait3A_39 = arith.constant 0 : i32
        %dma_wait3A_40 = tpu.memref_slice %arg3[%arg1, %dma_wait3A_38, %dma_wait3A_39] : memref<16x120x128xi32, #tpu.memory_space<hbm>> -> memref<1x120x128xi32, #tpu.memory_space<hbm>>
        %dma_wait3A_41 = tpu.memref_squeeze %dma_wait3A_40 : memref<1x120x128xi32, #tpu.memory_space<hbm>> -> memref<120x128xi32, #tpu.memory_space<hbm>>
        %dma_wait3A_42 = arith.constant 0 : i32
        %dma_wait3A_43 = arith.constant 0 : i32
        %dma_wait3A_44 = tpu.memref_slice %arg9[%dma_wait3A_42, %dma_wait3A_43] : memref<120x128xi32, #tpu.memory_space<vmem>> -> memref<120x128xi32, #tpu.memory_space<vmem>>
        %dma_wait3A_45 = arith.constant 0 : i32
        %dma_wait3A_46 = arith.constant 0 : i32
        %dma_wait3A_47 = tpu.memref_slice %arg3[%arg1, %dma_wait3A_45, %dma_wait3A_46] : memref<16x120x128xi32, #tpu.memory_space<hbm>> -> memref<1x120x128xi32, #tpu.memory_space<hbm>>
        %dma_wait3A_48 = tpu.memref_squeeze %dma_wait3A_47 : memref<1x120x128xi32, #tpu.memory_space<hbm>> -> memref<120x128xi32, #tpu.memory_space<hbm>>
        tpu.wait_dma2 semaphore(%run_scoped3A : memref<!tpu.dma_semaphore, #tpu.memory_space<semaphore_mem>>) src(%dma_wait3A_48 : memref<120x128xi32, #tpu.memory_space<hbm>>) dst(%dma_wait3A_44 : memref<120x128xi32, #tpu.memory_space<vmem>>)
        tpu.yield
      }) : () -> ()
      "tpu.region"() ({
        %run_scoped3A = tpu.sem_alloc : memref<!tpu.dma_semaphore, #tpu.memory_space<semaphore_mem>>
        %dma_start3A = arith.constant 0 : i32
        %dma_start3A_23 = arith.constant 0 : i32
        %dma_start3A_24 = tpu.memref_slice %arg10[%dma_start3A, %dma_start3A_23] : memref<120x128xi32, #tpu.memory_space<vmem>> -> memref<120x128xi32, #tpu.memory_space<vmem>>
        %dma_start3A_25 = arith.constant 0 : i32
        %dma_start3A_26 = arith.constant 0 : i32
        %dma_start3A_27 = tpu.memref_slice %arg4[%arg1, %dma_start3A_25, %dma_start3A_26] : memref<16x120x128xi32, #tpu.memory_space<hbm>> -> memref<1x120x128xi32, #tpu.memory_space<hbm>>
        %dma_start3A_28 = tpu.memref_squeeze %dma_start3A_27 : memref<1x120x128xi32, #tpu.memory_space<hbm>> -> memref<120x128xi32, #tpu.memory_space<hbm>>
        %dma_start3A_29 = arith.constant 0 : i32
        %dma_start3A_30 = arith.constant 0 : i32
        %dma_start3A_31 = tpu.memref_slice %arg10[%dma_start3A_29, %dma_start3A_30] : memref<120x128xi32, #tpu.memory_space<vmem>> -> memref<120x128xi32, #tpu.memory_space<vmem>>
        %dma_start3A_32 = arith.constant 0 : i32
        %dma_start3A_33 = arith.constant 0 : i32
        %dma_start3A_34 = tpu.memref_slice %arg4[%arg1, %dma_start3A_32, %dma_start3A_33] : memref<16x120x128xi32, #tpu.memory_space<hbm>> -> memref<1x120x128xi32, #tpu.memory_space<hbm>>
        %dma_start3A_35 = tpu.memref_squeeze %dma_start3A_34 : memref<1x120x128xi32, #tpu.memory_space<hbm>> -> memref<120x128xi32, #tpu.memory_space<hbm>>
        tpu.enqueue_dma source(%dma_start3A_35 : memref<120x128xi32, #tpu.memory_space<hbm>>) target(%dma_start3A_31 : memref<120x128xi32, #tpu.memory_space<vmem>>) target_semaphore(%run_scoped3A : memref<!tpu.dma_semaphore, #tpu.memory_space<semaphore_mem>>)
        %dma_wait3A = arith.constant 0 : i32
        %dma_wait3A_36 = arith.constant 0 : i32
        %dma_wait3A_37 = tpu.memref_slice %arg10[%dma_wait3A, %dma_wait3A_36] : memref<120x128xi32, #tpu.memory_space<vmem>> -> memref<120x128xi32, #tpu.memory_space<vmem>>
        %dma_wait3A_38 = arith.constant 0 : i32
        %dma_wait3A_39 = arith.constant 0 : i32
        %dma_wait3A_40 = tpu.memref_slice %arg4[%arg1, %dma_wait3A_38, %dma_wait3A_39] : memref<16x120x128xi32, #tpu.memory_space<hbm>> -> memref<1x120x128xi32, #tpu.memory_space<hbm>>
        %dma_wait3A_41 = tpu.memref_squeeze %dma_wait3A_40 : memref<1x120x128xi32, #tpu.memory_space<hbm>> -> memref<120x128xi32, #tpu.memory_space<hbm>>
        %dma_wait3A_42 = arith.constant 0 : i32
        %dma_wait3A_43 = arith.constant 0 : i32
        %dma_wait3A_44 = tpu.memref_slice %arg10[%dma_wait3A_42, %dma_wait3A_43] : memref<120x128xi32, #tpu.memory_space<vmem>> -> memref<120x128xi32, #tpu.memory_space<vmem>>
        %dma_wait3A_45 = arith.constant 0 : i32
        %dma_wait3A_46 = arith.constant 0 : i32
        %dma_wait3A_47 = tpu.memref_slice %arg4[%arg1, %dma_wait3A_45, %dma_wait3A_46] : memref<16x120x128xi32, #tpu.memory_space<hbm>> -> memref<1x120x128xi32, #tpu.memory_space<hbm>>
        %dma_wait3A_48 = tpu.memref_squeeze %dma_wait3A_47 : memref<1x120x128xi32, #tpu.memory_space<hbm>> -> memref<120x128xi32, #tpu.memory_space<hbm>>
        tpu.wait_dma2 semaphore(%run_scoped3A : memref<!tpu.dma_semaphore, #tpu.memory_space<semaphore_mem>>) src(%dma_wait3A_48 : memref<120x128xi32, #tpu.memory_space<hbm>>) dst(%dma_wait3A_44 : memref<120x128xi32, #tpu.memory_space<vmem>>)
        tpu.yield
      }) : () -> ()
    } else {
    }
    %eq3A_3 = arith.constant 1 : i32
    %eq3A_4 = arith.cmpi eq, %arg0, %eq3A_3 : i32
    %convert_element_type3A_5 = arith.extui %eq3A_4 : i1 to i32
    %cond3A_6 = arith.constant 0 : i32
    %cond3A_7 = arith.cmpi ne, %convert_element_type3A_5, %cond3A_6 : i32
    scf.if %cond3A_7 {
      "tpu.region"() ({
        %run_scoped3A = tpu.sem_alloc : memref<!tpu.dma_semaphore, #tpu.memory_space<semaphore_mem>>
        %dma_start3A = arith.constant 0 : i32
        %dma_start3A_23 = arith.constant 0 : i32
        %dma_start3A_24 = tpu.memref_slice %arg9[%dma_start3A, %dma_start3A_23] : memref<120x128xi32, #tpu.memory_space<vmem>> -> memref<40x128xi32, #tpu.memory_space<vmem>>
        %dma_start3A_25 = arith.constant 0 : i32
        %dma_start3A_26 = arith.constant 0 : i32
        %dma_start3A_27 = tpu.memref_slice %arg5[%arg1, %dma_start3A_25, %dma_start3A_26] : memref<16x40x128xi32, #tpu.memory_space<hbm>> -> memref<1x40x128xi32, #tpu.memory_space<hbm>>
        %dma_start3A_28 = tpu.memref_squeeze %dma_start3A_27 : memref<1x40x128xi32, #tpu.memory_space<hbm>> -> memref<40x128xi32, #tpu.memory_space<hbm>>
        %dma_start3A_29 = arith.constant 0 : i32
        %dma_start3A_30 = arith.constant 0 : i32
        %dma_start3A_31 = tpu.memref_slice %arg9[%dma_start3A_29, %dma_start3A_30] : memref<120x128xi32, #tpu.memory_space<vmem>> -> memref<40x128xi32, #tpu.memory_space<vmem>>
        %dma_start3A_32 = arith.constant 0 : i32
        %dma_start3A_33 = arith.constant 0 : i32
        %dma_start3A_34 = tpu.memref_slice %arg5[%arg1, %dma_start3A_32, %dma_start3A_33] : memref<16x40x128xi32, #tpu.memory_space<hbm>> -> memref<1x40x128xi32, #tpu.memory_space<hbm>>
        %dma_start3A_35 = tpu.memref_squeeze %dma_start3A_34 : memref<1x40x128xi32, #tpu.memory_space<hbm>> -> memref<40x128xi32, #tpu.memory_space<hbm>>
        tpu.enqueue_dma source(%dma_start3A_35 : memref<40x128xi32, #tpu.memory_space<hbm>>) target(%dma_start3A_31 : memref<40x128xi32, #tpu.memory_space<vmem>>) target_semaphore(%run_scoped3A : memref<!tpu.dma_semaphore, #tpu.memory_space<semaphore_mem>>)
        %dma_wait3A = arith.constant 0 : i32
        %dma_wait3A_36 = arith.constant 0 : i32
        %dma_wait3A_37 = tpu.memref_slice %arg9[%dma_wait3A, %dma_wait3A_36] : memref<120x128xi32, #tpu.memory_space<vmem>> -> memref<40x128xi32, #tpu.memory_space<vmem>>
        %dma_wait3A_38 = arith.constant 0 : i32
        %dma_wait3A_39 = arith.constant 0 : i32
        %dma_wait3A_40 = tpu.memref_slice %arg5[%arg1, %dma_wait3A_38, %dma_wait3A_39] : memref<16x40x128xi32, #tpu.memory_space<hbm>> -> memref<1x40x128xi32, #tpu.memory_space<hbm>>
        %dma_wait3A_41 = tpu.memref_squeeze %dma_wait3A_40 : memref<1x40x128xi32, #tpu.memory_space<hbm>> -> memref<40x128xi32, #tpu.memory_space<hbm>>
        %dma_wait3A_42 = arith.constant 0 : i32
        %dma_wait3A_43 = arith.constant 0 : i32
        %dma_wait3A_44 = tpu.memref_slice %arg9[%dma_wait3A_42, %dma_wait3A_43] : memref<120x128xi32, #tpu.memory_space<vmem>> -> memref<40x128xi32, #tpu.memory_space<vmem>>
        %dma_wait3A_45 = arith.constant 0 : i32
        %dma_wait3A_46 = arith.constant 0 : i32
        %dma_wait3A_47 = tpu.memref_slice %arg5[%arg1, %dma_wait3A_45, %dma_wait3A_46] : memref<16x40x128xi32, #tpu.memory_space<hbm>> -> memref<1x40x128xi32, #tpu.memory_space<hbm>>
        %dma_wait3A_48 = tpu.memref_squeeze %dma_wait3A_47 : memref<1x40x128xi32, #tpu.memory_space<hbm>> -> memref<40x128xi32, #tpu.memory_space<hbm>>
        tpu.wait_dma2 semaphore(%run_scoped3A : memref<!tpu.dma_semaphore, #tpu.memory_space<semaphore_mem>>) src(%dma_wait3A_48 : memref<40x128xi32, #tpu.memory_space<hbm>>) dst(%dma_wait3A_44 : memref<40x128xi32, #tpu.memory_space<vmem>>)
        tpu.yield
      }) : () -> ()
      "tpu.region"() ({
        %run_scoped3A = tpu.sem_alloc : memref<!tpu.dma_semaphore, #tpu.memory_space<semaphore_mem>>
        %dma_start3A = arith.constant 0 : i32
        %dma_start3A_23 = arith.constant 0 : i32
        %dma_start3A_24 = tpu.memref_slice %arg10[%dma_start3A, %dma_start3A_23] : memref<120x128xi32, #tpu.memory_space<vmem>> -> memref<40x128xi32, #tpu.memory_space<vmem>>
        %dma_start3A_25 = arith.constant 0 : i32
        %dma_start3A_26 = arith.constant 0 : i32
        %dma_start3A_27 = tpu.memref_slice %arg6[%arg1, %dma_start3A_25, %dma_start3A_26] : memref<16x40x128xi32, #tpu.memory_space<hbm>> -> memref<1x40x128xi32, #tpu.memory_space<hbm>>
        %dma_start3A_28 = tpu.memref_squeeze %dma_start3A_27 : memref<1x40x128xi32, #tpu.memory_space<hbm>> -> memref<40x128xi32, #tpu.memory_space<hbm>>
        %dma_start3A_29 = arith.constant 0 : i32
        %dma_start3A_30 = arith.constant 0 : i32
        %dma_start3A_31 = tpu.memref_slice %arg10[%dma_start3A_29, %dma_start3A_30] : memref<120x128xi32, #tpu.memory_space<vmem>> -> memref<40x128xi32, #tpu.memory_space<vmem>>
        %dma_start3A_32 = arith.constant 0 : i32
        %dma_start3A_33 = arith.constant 0 : i32
        %dma_start3A_34 = tpu.memref_slice %arg6[%arg1, %dma_start3A_32, %dma_start3A_33] : memref<16x40x128xi32, #tpu.memory_space<hbm>> -> memref<1x40x128xi32, #tpu.memory_space<hbm>>
        %dma_start3A_35 = tpu.memref_squeeze %dma_start3A_34 : memref<1x40x128xi32, #tpu.memory_space<hbm>> -> memref<40x128xi32, #tpu.memory_space<hbm>>
        tpu.enqueue_dma source(%dma_start3A_35 : memref<40x128xi32, #tpu.memory_space<hbm>>) target(%dma_start3A_31 : memref<40x128xi32, #tpu.memory_space<vmem>>) target_semaphore(%run_scoped3A : memref<!tpu.dma_semaphore, #tpu.memory_space<semaphore_mem>>)
        %dma_wait3A = arith.constant 0 : i32
        %dma_wait3A_36 = arith.constant 0 : i32
        %dma_wait3A_37 = tpu.memref_slice %arg10[%dma_wait3A, %dma_wait3A_36] : memref<120x128xi32, #tpu.memory_space<vmem>> -> memref<40x128xi32, #tpu.memory_space<vmem>>
        %dma_wait3A_38 = arith.constant 0 : i32
        %dma_wait3A_39 = arith.constant 0 : i32
        %dma_wait3A_40 = tpu.memref_slice %arg6[%arg1, %dma_wait3A_38, %dma_wait3A_39] : memref<16x40x128xi32, #tpu.memory_space<hbm>> -> memref<1x40x128xi32, #tpu.memory_space<hbm>>
        %dma_wait3A_41 = tpu.memref_squeeze %dma_wait3A_40 : memref<1x40x128xi32, #tpu.memory_space<hbm>> -> memref<40x128xi32, #tpu.memory_space<hbm>>
        %dma_wait3A_42 = arith.constant 0 : i32
        %dma_wait3A_43 = arith.constant 0 : i32
        %dma_wait3A_44 = tpu.memref_slice %arg10[%dma_wait3A_42, %dma_wait3A_43] : memref<120x128xi32, #tpu.memory_space<vmem>> -> memref<40x128xi32, #tpu.memory_space<vmem>>
        %dma_wait3A_45 = arith.constant 0 : i32
        %dma_wait3A_46 = arith.constant 0 : i32
        %dma_wait3A_47 = tpu.memref_slice %arg6[%arg1, %dma_wait3A_45, %dma_wait3A_46] : memref<16x40x128xi32, #tpu.memory_space<hbm>> -> memref<1x40x128xi32, #tpu.memory_space<hbm>>
        %dma_wait3A_48 = tpu.memref_squeeze %dma_wait3A_47 : memref<1x40x128xi32, #tpu.memory_space<hbm>> -> memref<40x128xi32, #tpu.memory_space<hbm>>
        tpu.wait_dma2 semaphore(%run_scoped3A : memref<!tpu.dma_semaphore, #tpu.memory_space<semaphore_mem>>) src(%dma_wait3A_48 : memref<40x128xi32, #tpu.memory_space<hbm>>) dst(%dma_wait3A_44 : memref<40x128xi32, #tpu.memory_space<vmem>>)
        tpu.yield
      }) : () -> ()
    } else {
    }
    %barrier3A = arith.constant 0 : index
    tpu.barrier barrier_id(%barrier3A)
    %eq3A_8 = arith.constant 0 : i32
    %eq3A_9 = arith.cmpi eq, %arg0, %eq3A_8 : i32
    %convert_element_type3A_10 = arith.extui %eq3A_9 : i1 to i32
    %cond3A_11 = arith.constant 0 : i32
    %cond3A_12 = arith.cmpi ne, %convert_element_type3A_10, %cond3A_11 : i32
    scf.if %cond3A_12 {
      %scan3A = arith.constant 0 : i32
      %scan3A_23 = arith.constant 0 : i32
      %scan3A_24 = arith.constant 120 : i32
      %scan3A_25 = arith.addi %scan3A_23, %scan3A_24 : i32
      %scan3A_26 = arith.constant 1 : i32
      %scan3A_27 = scf.for %scan3A_29 = %scan3A_23 to %scan3A_25 step %scan3A_26 iter_args(%scan3A_30 = %scan3A) -> (i32)  : i32 {
        "tpu.region"() ({
          %run_scoped3A = tpu.sem_alloc : memref<!tpu.dma_semaphore, #tpu.memory_space<semaphore_mem>>
          %dma_start3A = arith.constant 0 : i32
          %dma_start3A_32 = tpu.memref_slice %arg9[%scan3A_29, %dma_start3A] : memref<120x128xi32, #tpu.memory_space<vmem>> -> memref<1x128xi32, #tpu.memory_space<vmem>>
          %dma_start3A_33 = tpu.memref_squeeze %dma_start3A_32 : memref<1x128xi32, #tpu.memory_space<vmem>> -> memref<128xi32, #tpu.memory_space<vmem>>
          %dma_start3A_34 = arith.constant 0 : i32
          %dma_start3A_35 = arith.constant 0 : i32
          %dma_start3A_36 = tpu.memref_slice %arg2[%dma_start3A_34, %dma_start3A_35] : memref<10240x128xf32, #tpu.memory_space<hbm>> -> memref<10240x128xf32, #tpu.memory_space<hbm>>
          tpu.enqueue_indirect_dma source(%dma_start3A_36 : memref<10240x128xf32, #tpu.memory_space<hbm>>) target(%arg11 : memref<128x128xf32, #tpu.memory_space<vmem>>) offsets(%dma_start3A_33 : memref<128xi32, #tpu.memory_space<vmem>>) semaphore(%run_scoped3A : memref<!tpu.dma_semaphore, #tpu.memory_space<semaphore_mem>>)
          %dma_wait3A = arith.constant 0 : i32
          %dma_wait3A_37 = tpu.memref_slice %arg9[%scan3A_29, %dma_wait3A] : memref<120x128xi32, #tpu.memory_space<vmem>> -> memref<1x128xi32, #tpu.memory_space<vmem>>
          %dma_wait3A_38 = tpu.memref_squeeze %dma_wait3A_37 : memref<1x128xi32, #tpu.memory_space<vmem>> -> memref<128xi32, #tpu.memory_space<vmem>>
          %dma_wait3A_39 = arith.constant 0 : i32
          %dma_wait3A_40 = arith.constant 0 : i32
          %dma_wait3A_41 = tpu.memref_slice %arg2[%dma_wait3A_39, %dma_wait3A_40] : memref<10240x128xf32, #tpu.memory_space<hbm>> -> memref<10240x128xf32, #tpu.memory_space<hbm>>
          tpu.wait_indirect_dma semaphore(%run_scoped3A : memref<!tpu.dma_semaphore, #tpu.memory_space<semaphore_mem>>) src(%dma_wait3A_41 : memref<10240x128xf32, #tpu.memory_space<hbm>>) dst(%arg11 : memref<128x128xf32, #tpu.memory_space<vmem>>)
          tpu.yield
        }) : () -> ()
        "tpu.region"() ({
          %run_scoped3A = tpu.sem_alloc : memref<!tpu.dma_semaphore, #tpu.memory_space<semaphore_mem>>
          %dma_start3A = arith.constant 0 : i32
          %dma_start3A_32 = tpu.memref_slice %arg10[%scan3A_29, %dma_start3A] : memref<120x128xi32, #tpu.memory_space<vmem>> -> memref<1x128xi32, #tpu.memory_space<vmem>>
          %dma_start3A_33 = tpu.memref_squeeze %dma_start3A_32 : memref<1x128xi32, #tpu.memory_space<vmem>> -> memref<128xi32, #tpu.memory_space<vmem>>
          %dma_start3A_34 = arith.constant 0 : i32
          %dma_start3A_35 = arith.constant 0 : i32
          %dma_start3A_36 = tpu.memref_slice %arg12[%dma_start3A_34, %dma_start3A_35] : memref<10240x128xf32, #tpu.memory_space<vmem_shared>> -> memref<10240x128xf32, #tpu.memory_space<vmem_shared>>
          tpu.enqueue_indirect_dma source(%arg11 : memref<128x128xf32, #tpu.memory_space<vmem>>) target(%dma_start3A_36 : memref<10240x128xf32, #tpu.memory_space<vmem_shared>>) offsets(%dma_start3A_33 : memref<128xi32, #tpu.memory_space<vmem>>) semaphore(%run_scoped3A : memref<!tpu.dma_semaphore, #tpu.memory_space<semaphore_mem>>) {add = true}
          %dma_wait3A = arith.constant 0 : i32
          %dma_wait3A_37 = tpu.memref_slice %arg10[%scan3A_29, %dma_wait3A] : memref<120x128xi32, #tpu.memory_space<vmem>> -> memref<1x128xi32, #tpu.memory_space<vmem>>
          %dma_wait3A_38 = tpu.memref_squeeze %dma_wait3A_37 : memref<1x128xi32, #tpu.memory_space<vmem>> -> memref<128xi32, #tpu.memory_space<vmem>>
          %dma_wait3A_39 = arith.constant 0 : i32
          %dma_wait3A_40 = arith.constant 0 : i32
          %dma_wait3A_41 = tpu.memref_slice %arg12[%dma_wait3A_39, %dma_wait3A_40] : memref<10240x128xf32, #tpu.memory_space<vmem_shared>> -> memref<10240x128xf32, #tpu.memory_space<vmem_shared>>
          tpu.wait_indirect_dma semaphore(%run_scoped3A : memref<!tpu.dma_semaphore, #tpu.memory_space<semaphore_mem>>) src(%arg11 : memref<128x128xf32, #tpu.memory_space<vmem>>) dst(%dma_wait3A_41 : memref<10240x128xf32, #tpu.memory_space<vmem_shared>>)
          tpu.yield
        }) : () -> ()
        %scan3A_31 = arith.constant 0 : i32
        scf.yield %scan3A_31 : i32
      }
      %scan3A_28 = arith.constant 120 : i32
    } else {
    }
    %eq3A_13 = arith.constant 1 : i32
    %eq3A_14 = arith.cmpi eq, %arg0, %eq3A_13 : i32
    %convert_element_type3A_15 = arith.extui %eq3A_14 : i1 to i32
    %cond3A_16 = arith.constant 0 : i32
    %cond3A_17 = arith.cmpi ne, %convert_element_type3A_15, %cond3A_16 : i32
    scf.if %cond3A_17 {
      %scan3A = arith.constant 0 : i32
      %scan3A_23 = arith.constant 0 : i32
      %scan3A_24 = arith.constant 40 : i32
      %scan3A_25 = arith.addi %scan3A_23, %scan3A_24 : i32
      %scan3A_26 = arith.constant 1 : i32
      %scan3A_27 = scf.for %scan3A_29 = %scan3A_23 to %scan3A_25 step %scan3A_26 iter_args(%scan3A_30 = %scan3A) -> (i32)  : i32 {
        "tpu.region"() ({
          %run_scoped3A = tpu.sem_alloc : memref<!tpu.dma_semaphore, #tpu.memory_space<semaphore_mem>>
          %dma_start3A = arith.constant 0 : i32
          %dma_start3A_32 = tpu.memref_slice %arg9[%scan3A_29, %dma_start3A] : memref<120x128xi32, #tpu.memory_space<vmem>> -> memref<1x128xi32, #tpu.memory_space<vmem>>
          %dma_start3A_33 = tpu.memref_squeeze %dma_start3A_32 : memref<1x128xi32, #tpu.memory_space<vmem>> -> memref<128xi32, #tpu.memory_space<vmem>>
          %dma_start3A_34 = arith.constant 0 : i32
          %dma_start3A_35 = arith.constant 0 : i32
          %dma_start3A_36 = tpu.memref_slice %arg2[%dma_start3A_34, %dma_start3A_35] : memref<10240x128xf32, #tpu.memory_space<hbm>> -> memref<10240x128xf32, #tpu.memory_space<hbm>>
          tpu.enqueue_indirect_dma source(%dma_start3A_36 : memref<10240x128xf32, #tpu.memory_space<hbm>>) target(%arg11 : memref<128x128xf32, #tpu.memory_space<vmem>>) offsets(%dma_start3A_33 : memref<128xi32, #tpu.memory_space<vmem>>) semaphore(%run_scoped3A : memref<!tpu.dma_semaphore, #tpu.memory_space<semaphore_mem>>)
          %dma_wait3A = arith.constant 0 : i32
          %dma_wait3A_37 = tpu.memref_slice %arg9[%scan3A_29, %dma_wait3A] : memref<120x128xi32, #tpu.memory_space<vmem>> -> memref<1x128xi32, #tpu.memory_space<vmem>>
          %dma_wait3A_38 = tpu.memref_squeeze %dma_wait3A_37 : memref<1x128xi32, #tpu.memory_space<vmem>> -> memref<128xi32, #tpu.memory_space<vmem>>
          %dma_wait3A_39 = arith.constant 0 : i32
          %dma_wait3A_40 = arith.constant 0 : i32
          %dma_wait3A_41 = tpu.memref_slice %arg2[%dma_wait3A_39, %dma_wait3A_40] : memref<10240x128xf32, #tpu.memory_space<hbm>> -> memref<10240x128xf32, #tpu.memory_space<hbm>>
          tpu.wait_indirect_dma semaphore(%run_scoped3A : memref<!tpu.dma_semaphore, #tpu.memory_space<semaphore_mem>>) src(%dma_wait3A_41 : memref<10240x128xf32, #tpu.memory_space<hbm>>) dst(%arg11 : memref<128x128xf32, #tpu.memory_space<vmem>>)
          tpu.yield
        }) : () -> ()
        "tpu.region"() ({
          %run_scoped3A = tpu.sem_alloc : memref<!tpu.dma_semaphore, #tpu.memory_space<semaphore_mem>>
          %dma_start3A = arith.constant 0 : i32
          %dma_start3A_32 = tpu.memref_slice %arg10[%scan3A_29, %dma_start3A] : memref<120x128xi32, #tpu.memory_space<vmem>> -> memref<1x128xi32, #tpu.memory_space<vmem>>
          %dma_start3A_33 = tpu.memref_squeeze %dma_start3A_32 : memref<1x128xi32, #tpu.memory_space<vmem>> -> memref<128xi32, #tpu.memory_space<vmem>>
          %dma_start3A_34 = arith.constant 0 : i32
          %dma_start3A_35 = arith.constant 0 : i32
          %dma_start3A_36 = tpu.memref_slice %arg12[%dma_start3A_34, %dma_start3A_35] : memref<10240x128xf32, #tpu.memory_space<vmem_shared>> -> memref<10240x128xf32, #tpu.memory_space<vmem_shared>>
          tpu.enqueue_indirect_dma source(%arg11 : memref<128x128xf32, #tpu.memory_space<vmem>>) target(%dma_start3A_36 : memref<10240x128xf32, #tpu.memory_space<vmem_shared>>) offsets(%dma_start3A_33 : memref<128xi32, #tpu.memory_space<vmem>>) semaphore(%run_scoped3A : memref<!tpu.dma_semaphore, #tpu.memory_space<semaphore_mem>>) {add = true}
          %dma_wait3A = arith.constant 0 : i32
          %dma_wait3A_37 = tpu.memref_slice %arg10[%scan3A_29, %dma_wait3A] : memref<120x128xi32, #tpu.memory_space<vmem>> -> memref<1x128xi32, #tpu.memory_space<vmem>>
          %dma_wait3A_38 = tpu.memref_squeeze %dma_wait3A_37 : memref<1x128xi32, #tpu.memory_space<vmem>> -> memref<128xi32, #tpu.memory_space<vmem>>
          %dma_wait3A_39 = arith.constant 0 : i32
          %dma_wait3A_40 = arith.constant 0 : i32
          %dma_wait3A_41 = tpu.memref_slice %arg12[%dma_wait3A_39, %dma_wait3A_40] : memref<10240x128xf32, #tpu.memory_space<vmem_shared>> -> memref<10240x128xf32, #tpu.memory_space<vmem_shared>>
          tpu.wait_indirect_dma semaphore(%run_scoped3A : memref<!tpu.dma_semaphore, #tpu.memory_space<semaphore_mem>>) src(%arg11 : memref<128x128xf32, #tpu.memory_space<vmem>>) dst(%dma_wait3A_41 : memref<10240x128xf32, #tpu.memory_space<vmem_shared>>)
          tpu.yield
        }) : () -> ()
        %scan3A_31 = arith.constant 0 : i32
        scf.yield %scan3A_31 : i32
      }
      %scan3A_28 = arith.constant 40 : i32
    } else {
    }
    %barrier3A_18 = arith.constant 0 : index
    tpu.barrier barrier_id(%barrier3A_18)
    %mul3A_19 = arith.constant 640 : i32
    %mul3A_20 = arith.muli %arg1, %mul3A_19 : i32
    %mul3A_21 = arith.constant 640 : i32
    %mul3A_22 = arith.muli %arg1, %mul3A_21 : i32
    "tpu.region"() ({
      %run_scoped3A = tpu.sem_alloc : memref<!tpu.dma_semaphore, #tpu.memory_space<semaphore_mem>>
      %dma_start3A = arith.constant 0 : i32
      %dma_start3A_23 = tpu.memref_slice %arg8[%arg0, %mul3A_22, %dma_start3A] : memref<2x10240x128xf32, #tpu.memory_space<hbm>> -> memref<1x640x128xf32, #tpu.memory_space<hbm>>
      %dma_start3A_24 = tpu.memref_squeeze %dma_start3A_23 : memref<1x640x128xf32, #tpu.memory_space<hbm>> -> memref<640x128xf32, #tpu.memory_space<hbm>>
      %dma_start3A_25 = arith.constant 0 : i32
      %dma_start3A_26 = tpu.memref_slice %arg12[%mul3A_20, %dma_start3A_25] : memref<10240x128xf32, #tpu.memory_space<vmem_shared>> -> memref<640x128xf32, #tpu.memory_space<vmem_shared>>
      tpu.enqueue_dma source(%dma_start3A_26 : memref<640x128xf32, #tpu.memory_space<vmem_shared>>) target(%dma_start3A_24 : memref<640x128xf32, #tpu.memory_space<hbm>>) target_semaphore(%run_scoped3A : memref<!tpu.dma_semaphore, #tpu.memory_space<semaphore_mem>>)
      %dma_wait3A = arith.constant 0 : i32
      %dma_wait3A_27 = tpu.memref_slice %arg8[%arg0, %mul3A_22, %dma_wait3A] : memref<2x10240x128xf32, #tpu.memory_space<hbm>> -> memref<1x640x128xf32, #tpu.memory_space<hbm>>
      %dma_wait3A_28 = tpu.memref_squeeze %dma_wait3A_27 : memref<1x640x128xf32, #tpu.memory_space<hbm>> -> memref<640x128xf32, #tpu.memory_space<hbm>>
      %dma_wait3A_29 = arith.constant 0 : i32
      %dma_wait3A_30 = tpu.memref_slice %arg12[%mul3A_20, %dma_wait3A_29] : memref<10240x128xf32, #tpu.memory_space<vmem_shared>> -> memref<640x128xf32, #tpu.memory_space<vmem_shared>>
      tpu.wait_dma2 semaphore(%run_scoped3A : memref<!tpu.dma_semaphore, #tpu.memory_space<semaphore_mem>>) src(%dma_wait3A_30 : memref<640x128xf32, #tpu.memory_space<vmem_shared>>) dst(%dma_wait3A_28 : memref<640x128xf32, #tpu.memory_space<hbm>>)
      tpu.yield
    }) : () -> ()
    return
  }
}

#map = affine_map<(d0, d1) -> (0, 0)>
#map1 = affine_map<(d0, d1) -> (0, 0, 0, 0)>
#map2 = affine_map<(d0, d1) -> (0, 0, 0)>
module attributes {stable_mosaic.version = 14 : i64} {
  func.func @_prep_body(%arg0: i32, %arg1: i32, %arg2: memref<10000x128xf32, #tpu.memory_space<hbm>>, %arg3: memref<2x16x5x64xi32, #tpu.memory_space<hbm>>, %arg4: memref<16x80x128xi32, #tpu.memory_space<hbm>>, %arg5: memref<16x80x128xi32, #tpu.memory_space<hbm>>, %arg6: memref<640x128xf32, #tpu.memory_space<hbm>>, %arg7: memref<128x128xf32, #tpu.memory_space<hbm>>, %arg8: memref<10240x128xf32, #tpu.memory_space<hbm>>, %arg9: memref<2x10240x128xf32, #tpu.memory_space<hbm>>, %arg10: memref<5x64xi32, #tpu.memory_space<vmem>>, %arg11: memref<64x128xf32, #tpu.memory_space<vmem>>, %arg12: memref<120x128xi32, #tpu.memory_space<vmem>>, %arg13: memref<128x128xf32, #tpu.memory_space<vmem>>, %arg14: memref<10240x128xf32, #tpu.memory_space<vmem_shared>>) attributes {dimension_semantics = [#tpu.dimension_semantics<core_parallel>, #tpu.dimension_semantics<subcore_parallel>], iteration_bounds = array<i64: 2, 16>, scalar_prefetch = 0 : i64, scratch_operands = 5 : i64, tpu.core_type = #tpu.core_type<sc_vector_subcore>, window_params = [{transform_indices = #map}, {transform_indices = #map1}, {transform_indices = #map2}, {transform_indices = #map2}, {transform_indices = #map}, {transform_indices = #map}, {transform_indices = #map}, {transform_indices = #map2}]} {
    "tpu.region"() ({
      %run_scoped3A_49 = tpu.sem_alloc : memref<!tpu.dma_semaphore, #tpu.memory_space<semaphore_mem>>
      %dma_start3A = arith.constant 0 : i32
      %dma_start3A_50 = arith.constant 0 : i32
      %dma_start3A_51 = tpu.memref_slice %arg3[%arg0, %arg1, %dma_start3A, %dma_start3A_50] : memref<2x16x5x64xi32, #tpu.memory_space<hbm>> -> memref<1x1x5x64xi32, #tpu.memory_space<hbm>>
      %dma_start3A_52 = tpu.memref_squeeze %dma_start3A_51 : memref<1x1x5x64xi32, #tpu.memory_space<hbm>> -> memref<5x64xi32, #tpu.memory_space<hbm>>
      %dma_start3A_53 = arith.constant 0 : i32
      %dma_start3A_54 = arith.constant 0 : i32
      %dma_start3A_55 = tpu.memref_slice %arg3[%arg0, %arg1, %dma_start3A_53, %dma_start3A_54] : memref<2x16x5x64xi32, #tpu.memory_space<hbm>> -> memref<1x1x5x64xi32, #tpu.memory_space<hbm>>
      %dma_start3A_56 = tpu.memref_squeeze %dma_start3A_55 : memref<1x1x5x64xi32, #tpu.memory_space<hbm>> -> memref<5x64xi32, #tpu.memory_space<hbm>>
      tpu.enqueue_dma source(%dma_start3A_56 : memref<5x64xi32, #tpu.memory_space<hbm>>) target(%arg10 : memref<5x64xi32, #tpu.memory_space<vmem>>) target_semaphore(%run_scoped3A_49 : memref<!tpu.dma_semaphore, #tpu.memory_space<semaphore_mem>>)
      %dma_wait3A = arith.constant 0 : i32
      %dma_wait3A_57 = arith.constant 0 : i32
      %dma_wait3A_58 = tpu.memref_slice %arg3[%arg0, %arg1, %dma_wait3A, %dma_wait3A_57] : memref<2x16x5x64xi32, #tpu.memory_space<hbm>> -> memref<1x1x5x64xi32, #tpu.memory_space<hbm>>
      %dma_wait3A_59 = tpu.memref_squeeze %dma_wait3A_58 : memref<1x1x5x64xi32, #tpu.memory_space<hbm>> -> memref<5x64xi32, #tpu.memory_space<hbm>>
      %dma_wait3A_60 = arith.constant 0 : i32
      %dma_wait3A_61 = arith.constant 0 : i32
      %dma_wait3A_62 = tpu.memref_slice %arg3[%arg0, %arg1, %dma_wait3A_60, %dma_wait3A_61] : memref<2x16x5x64xi32, #tpu.memory_space<hbm>> -> memref<1x1x5x64xi32, #tpu.memory_space<hbm>>
      %dma_wait3A_63 = tpu.memref_squeeze %dma_wait3A_62 : memref<1x1x5x64xi32, #tpu.memory_space<hbm>> -> memref<5x64xi32, #tpu.memory_space<hbm>>
      tpu.wait_dma2 semaphore(%run_scoped3A_49 : memref<!tpu.dma_semaphore, #tpu.memory_space<semaphore_mem>>) src(%dma_wait3A_63 : memref<5x64xi32, #tpu.memory_space<hbm>>) dst(%arg10 : memref<5x64xi32, #tpu.memory_space<vmem>>)
      tpu.yield
    }) : () -> ()
    "tpu.region"() ({
      %run_scoped3A_49 = tpu.sem_alloc : memref<!tpu.dma_semaphore, #tpu.memory_space<semaphore_mem>>
      tpu.enqueue_dma source(%arg7 : memref<128x128xf32, #tpu.memory_space<hbm>>) target(%arg13 : memref<128x128xf32, #tpu.memory_space<vmem>>) target_semaphore(%run_scoped3A_49 : memref<!tpu.dma_semaphore, #tpu.memory_space<semaphore_mem>>)
      tpu.wait_dma2 semaphore(%run_scoped3A_49 : memref<!tpu.dma_semaphore, #tpu.memory_space<semaphore_mem>>) src(%arg7 : memref<128x128xf32, #tpu.memory_space<hbm>>) dst(%arg13 : memref<128x128xf32, #tpu.memory_space<vmem>>)
      tpu.yield
    }) : () -> ()
    %mul3A = arith.constant 640 : i32
    %mul3A_0 = arith.muli %arg1, %mul3A : i32
    "tpu.region"() ({
      %run_scoped3A_49 = tpu.sem_alloc : memref<!tpu.dma_semaphore, #tpu.memory_space<semaphore_mem>>
      %dma_start3A = arith.constant 0 : i32
      %dma_start3A_50 = tpu.memref_slice %arg14[%mul3A_0, %dma_start3A] : memref<10240x128xf32, #tpu.memory_space<vmem_shared>> -> memref<640x128xf32, #tpu.memory_space<vmem_shared>>
      tpu.enqueue_dma source(%arg6 : memref<640x128xf32, #tpu.memory_space<hbm>>) target(%dma_start3A_50 : memref<640x128xf32, #tpu.memory_space<vmem_shared>>) target_semaphore(%run_scoped3A_49 : memref<!tpu.dma_semaphore, #tpu.memory_space<semaphore_mem>>)
      %dma_wait3A = arith.constant 0 : i32
      %dma_wait3A_51 = tpu.memref_slice %arg14[%mul3A_0, %dma_wait3A] : memref<10240x128xf32, #tpu.memory_space<vmem_shared>> -> memref<640x128xf32, #tpu.memory_space<vmem_shared>>
      tpu.wait_dma2 semaphore(%run_scoped3A_49 : memref<!tpu.dma_semaphore, #tpu.memory_space<semaphore_mem>>) src(%arg6 : memref<640x128xf32, #tpu.memory_space<hbm>>) dst(%dma_wait3A_51 : memref<640x128xf32, #tpu.memory_space<vmem_shared>>)
      tpu.yield
    }) : () -> ()
    %eq3A = arith.constant 0 : i32
    %eq3A_1 = arith.cmpi eq, %arg0, %eq3A : i32
    %convert_element_type3A = arith.extui %eq3A_1 : i1 to i32
    %cond3A = arith.constant 0 : i32
    %cond3A_2 = arith.cmpi ne, %convert_element_type3A, %cond3A : i32
    scf.if %cond3A_2 {
      "tpu.region"() ({
        %run_scoped3A_49 = tpu.sem_alloc : memref<!tpu.dma_semaphore, #tpu.memory_space<semaphore_mem>>
        %dma_start3A = arith.constant 0 : i32
        %dma_start3A_50 = arith.constant 0 : i32
        %dma_start3A_51 = tpu.memref_slice %arg12[%dma_start3A, %dma_start3A_50] : memref<120x128xi32, #tpu.memory_space<vmem>> -> memref<80x128xi32, #tpu.memory_space<vmem>>
        %dma_start3A_52 = arith.constant 0 : i32
        %dma_start3A_53 = arith.constant 0 : i32
        %dma_start3A_54 = tpu.memref_slice %arg4[%arg1, %dma_start3A_52, %dma_start3A_53] : memref<16x80x128xi32, #tpu.memory_space<hbm>> -> memref<1x80x128xi32, #tpu.memory_space<hbm>>
        %dma_start3A_55 = tpu.memref_squeeze %dma_start3A_54 : memref<1x80x128xi32, #tpu.memory_space<hbm>> -> memref<80x128xi32, #tpu.memory_space<hbm>>
        %dma_start3A_56 = arith.constant 0 : i32
        %dma_start3A_57 = arith.constant 0 : i32
        %dma_start3A_58 = tpu.memref_slice %arg12[%dma_start3A_56, %dma_start3A_57] : memref<120x128xi32, #tpu.memory_space<vmem>> -> memref<80x128xi32, #tpu.memory_space<vmem>>
        %dma_start3A_59 = arith.constant 0 : i32
        %dma_start3A_60 = arith.constant 0 : i32
        %dma_start3A_61 = tpu.memref_slice %arg4[%arg1, %dma_start3A_59, %dma_start3A_60] : memref<16x80x128xi32, #tpu.memory_space<hbm>> -> memref<1x80x128xi32, #tpu.memory_space<hbm>>
        %dma_start3A_62 = tpu.memref_squeeze %dma_start3A_61 : memref<1x80x128xi32, #tpu.memory_space<hbm>> -> memref<80x128xi32, #tpu.memory_space<hbm>>
        tpu.enqueue_dma source(%dma_start3A_62 : memref<80x128xi32, #tpu.memory_space<hbm>>) target(%dma_start3A_58 : memref<80x128xi32, #tpu.memory_space<vmem>>) target_semaphore(%run_scoped3A_49 : memref<!tpu.dma_semaphore, #tpu.memory_space<semaphore_mem>>)
        %dma_wait3A = arith.constant 0 : i32
        %dma_wait3A_63 = arith.constant 0 : i32
        %dma_wait3A_64 = tpu.memref_slice %arg12[%dma_wait3A, %dma_wait3A_63] : memref<120x128xi32, #tpu.memory_space<vmem>> -> memref<80x128xi32, #tpu.memory_space<vmem>>
        %dma_wait3A_65 = arith.constant 0 : i32
        %dma_wait3A_66 = arith.constant 0 : i32
        %dma_wait3A_67 = tpu.memref_slice %arg4[%arg1, %dma_wait3A_65, %dma_wait3A_66] : memref<16x80x128xi32, #tpu.memory_space<hbm>> -> memref<1x80x128xi32, #tpu.memory_space<hbm>>
        %dma_wait3A_68 = tpu.memref_squeeze %dma_wait3A_67 : memref<1x80x128xi32, #tpu.memory_space<hbm>> -> memref<80x128xi32, #tpu.memory_space<hbm>>
        %dma_wait3A_69 = arith.constant 0 : i32
        %dma_wait3A_70 = arith.constant 0 : i32
        %dma_wait3A_71 = tpu.memref_slice %arg12[%dma_wait3A_69, %dma_wait3A_70] : memref<120x128xi32, #tpu.memory_space<vmem>> -> memref<80x128xi32, #tpu.memory_space<vmem>>
        %dma_wait3A_72 = arith.constant 0 : i32
        %dma_wait3A_73 = arith.constant 0 : i32
        %dma_wait3A_74 = tpu.memref_slice %arg4[%arg1, %dma_wait3A_72, %dma_wait3A_73] : memref<16x80x128xi32, #tpu.memory_space<hbm>> -> memref<1x80x128xi32, #tpu.memory_space<hbm>>
        %dma_wait3A_75 = tpu.memref_squeeze %dma_wait3A_74 : memref<1x80x128xi32, #tpu.memory_space<hbm>> -> memref<80x128xi32, #tpu.memory_space<hbm>>
        tpu.wait_dma2 semaphore(%run_scoped3A_49 : memref<!tpu.dma_semaphore, #tpu.memory_space<semaphore_mem>>) src(%dma_wait3A_75 : memref<80x128xi32, #tpu.memory_space<hbm>>) dst(%dma_wait3A_71 : memref<80x128xi32, #tpu.memory_space<vmem>>)
        tpu.yield
      }) : () -> ()
    } else {
    }
    %eq3A_3 = arith.constant 1 : i32
    %eq3A_4 = arith.cmpi eq, %arg0, %eq3A_3 : i32
    %convert_element_type3A_5 = arith.extui %eq3A_4 : i1 to i32
    %cond3A_6 = arith.constant 0 : i32
    %cond3A_7 = arith.cmpi ne, %convert_element_type3A_5, %cond3A_6 : i32
    scf.if %cond3A_7 {
      "tpu.region"() ({
        %run_scoped3A_49 = tpu.sem_alloc : memref<!tpu.dma_semaphore, #tpu.memory_space<semaphore_mem>>
        %dma_start3A = arith.constant 0 : i32
        %dma_start3A_50 = arith.constant 0 : i32
        %dma_start3A_51 = tpu.memref_slice %arg12[%dma_start3A, %dma_start3A_50] : memref<120x128xi32, #tpu.memory_space<vmem>> -> memref<80x128xi32, #tpu.memory_space<vmem>>
        %dma_start3A_52 = arith.constant 0 : i32
        %dma_start3A_53 = arith.constant 0 : i32
        %dma_start3A_54 = tpu.memref_slice %arg5[%arg1, %dma_start3A_52, %dma_start3A_53] : memref<16x80x128xi32, #tpu.memory_space<hbm>> -> memref<1x80x128xi32, #tpu.memory_space<hbm>>
        %dma_start3A_55 = tpu.memref_squeeze %dma_start3A_54 : memref<1x80x128xi32, #tpu.memory_space<hbm>> -> memref<80x128xi32, #tpu.memory_space<hbm>>
        %dma_start3A_56 = arith.constant 0 : i32
        %dma_start3A_57 = arith.constant 0 : i32
        %dma_start3A_58 = tpu.memref_slice %arg12[%dma_start3A_56, %dma_start3A_57] : memref<120x128xi32, #tpu.memory_space<vmem>> -> memref<80x128xi32, #tpu.memory_space<vmem>>
        %dma_start3A_59 = arith.constant 0 : i32
        %dma_start3A_60 = arith.constant 0 : i32
        %dma_start3A_61 = tpu.memref_slice %arg5[%arg1, %dma_start3A_59, %dma_start3A_60] : memref<16x80x128xi32, #tpu.memory_space<hbm>> -> memref<1x80x128xi32, #tpu.memory_space<hbm>>
        %dma_start3A_62 = tpu.memref_squeeze %dma_start3A_61 : memref<1x80x128xi32, #tpu.memory_space<hbm>> -> memref<80x128xi32, #tpu.memory_space<hbm>>
        tpu.enqueue_dma source(%dma_start3A_62 : memref<80x128xi32, #tpu.memory_space<hbm>>) target(%dma_start3A_58 : memref<80x128xi32, #tpu.memory_space<vmem>>) target_semaphore(%run_scoped3A_49 : memref<!tpu.dma_semaphore, #tpu.memory_space<semaphore_mem>>)
        %dma_wait3A = arith.constant 0 : i32
        %dma_wait3A_63 = arith.constant 0 : i32
        %dma_wait3A_64 = tpu.memref_slice %arg12[%dma_wait3A, %dma_wait3A_63] : memref<120x128xi32, #tpu.memory_space<vmem>> -> memref<80x128xi32, #tpu.memory_space<vmem>>
        %dma_wait3A_65 = arith.constant 0 : i32
        %dma_wait3A_66 = arith.constant 0 : i32
        %dma_wait3A_67 = tpu.memref_slice %arg5[%arg1, %dma_wait3A_65, %dma_wait3A_66] : memref<16x80x128xi32, #tpu.memory_space<hbm>> -> memref<1x80x128xi32, #tpu.memory_space<hbm>>
        %dma_wait3A_68 = tpu.memref_squeeze %dma_wait3A_67 : memref<1x80x128xi32, #tpu.memory_space<hbm>> -> memref<80x128xi32, #tpu.memory_space<hbm>>
        %dma_wait3A_69 = arith.constant 0 : i32
        %dma_wait3A_70 = arith.constant 0 : i32
        %dma_wait3A_71 = tpu.memref_slice %arg12[%dma_wait3A_69, %dma_wait3A_70] : memref<120x128xi32, #tpu.memory_space<vmem>> -> memref<80x128xi32, #tpu.memory_space<vmem>>
        %dma_wait3A_72 = arith.constant 0 : i32
        %dma_wait3A_73 = arith.constant 0 : i32
        %dma_wait3A_74 = tpu.memref_slice %arg5[%arg1, %dma_wait3A_72, %dma_wait3A_73] : memref<16x80x128xi32, #tpu.memory_space<hbm>> -> memref<1x80x128xi32, #tpu.memory_space<hbm>>
        %dma_wait3A_75 = tpu.memref_squeeze %dma_wait3A_74 : memref<1x80x128xi32, #tpu.memory_space<hbm>> -> memref<80x128xi32, #tpu.memory_space<hbm>>
        tpu.wait_dma2 semaphore(%run_scoped3A_49 : memref<!tpu.dma_semaphore, #tpu.memory_space<semaphore_mem>>) src(%dma_wait3A_75 : memref<80x128xi32, #tpu.memory_space<hbm>>) dst(%dma_wait3A_71 : memref<80x128xi32, #tpu.memory_space<vmem>>)
        tpu.yield
      }) : () -> ()
    } else {
    }
    %barrier3A = arith.constant 0 : index
    tpu.barrier barrier_id(%barrier3A)
    %mul3A_8 = arith.constant 16 : i32
    %mul3A_9 = arith.muli %arg0, %mul3A_8 : i32
    %add3A = arith.addi %mul3A_9, %arg1 : i32
    %run_scoped3A = arith.constant 0 : i32
    "tpu.region"() ({
      %run_scoped3A_49 = tpu.sem_alloc : memref<!tpu.dma_semaphore, #tpu.memory_space<semaphore_mem>>
      %dma_start3A = arith.constant 0 : i32
      %dma_start3A_50 = tpu.memref_slice %arg10[%run_scoped3A, %dma_start3A] : memref<5x64xi32, #tpu.memory_space<vmem>> -> memref<1x64xi32, #tpu.memory_space<vmem>>
      %dma_start3A_51 = tpu.memref_squeeze %dma_start3A_50 : memref<1x64xi32, #tpu.memory_space<vmem>> -> memref<64xi32, #tpu.memory_space<vmem>>
      %dma_start3A_52 = arith.constant 0 : i32
      %dma_start3A_53 = arith.constant 0 : i32
      %dma_start3A_54 = tpu.memref_slice %arg2[%dma_start3A_52, %dma_start3A_53] : memref<10000x128xf32, #tpu.memory_space<hbm>> -> memref<10000x128xf32, #tpu.memory_space<hbm>>
      tpu.enqueue_indirect_dma source(%dma_start3A_54 : memref<10000x128xf32, #tpu.memory_space<hbm>>) target(%arg11 : memref<64x128xf32, #tpu.memory_space<vmem>>) offsets(%dma_start3A_51 : memref<64xi32, #tpu.memory_space<vmem>>) semaphore(%run_scoped3A_49 : memref<!tpu.dma_semaphore, #tpu.memory_space<semaphore_mem>>)
      %dma_wait3A = arith.constant 0 : i32
      %dma_wait3A_55 = tpu.memref_slice %arg10[%run_scoped3A, %dma_wait3A] : memref<5x64xi32, #tpu.memory_space<vmem>> -> memref<1x64xi32, #tpu.memory_space<vmem>>
      %dma_wait3A_56 = tpu.memref_squeeze %dma_wait3A_55 : memref<1x64xi32, #tpu.memory_space<vmem>> -> memref<64xi32, #tpu.memory_space<vmem>>
      %dma_wait3A_57 = arith.constant 0 : i32
      %dma_wait3A_58 = arith.constant 0 : i32
      %dma_wait3A_59 = tpu.memref_slice %arg2[%dma_wait3A_57, %dma_wait3A_58] : memref<10000x128xf32, #tpu.memory_space<hbm>> -> memref<10000x128xf32, #tpu.memory_space<hbm>>
      tpu.wait_indirect_dma semaphore(%run_scoped3A_49 : memref<!tpu.dma_semaphore, #tpu.memory_space<semaphore_mem>>) src(%dma_wait3A_59 : memref<10000x128xf32, #tpu.memory_space<hbm>>) dst(%arg11 : memref<64x128xf32, #tpu.memory_space<vmem>>)
      tpu.yield
    }) : () -> ()
    %mul3A_10 = arith.constant 320 : i32
    %mul3A_11 = arith.muli %add3A, %mul3A_10 : i32
    %add3A_12 = arith.constant 0 : i32
    %add3A_13 = arith.addi %mul3A_11, %add3A_12 : i32
    "tpu.region"() ({
      %run_scoped3A_49 = tpu.sem_alloc : memref<!tpu.dma_semaphore, #tpu.memory_space<semaphore_mem>>
      %dma_start3A = arith.constant 0 : i32
      %dma_start3A_50 = tpu.memref_slice %arg8[%add3A_13, %dma_start3A] : memref<10240x128xf32, #tpu.memory_space<hbm>> -> memref<64x128xf32, #tpu.memory_space<hbm>>
      %dma_start3A_51 = arith.constant 0 : i32
      %dma_start3A_52 = tpu.memref_slice %arg8[%add3A_13, %dma_start3A_51] : memref<10240x128xf32, #tpu.memory_space<hbm>> -> memref<64x128xf32, #tpu.memory_space<hbm>>
      tpu.enqueue_dma source(%arg11 : memref<64x128xf32, #tpu.memory_space<vmem>>) target(%dma_start3A_52 : memref<64x128xf32, #tpu.memory_space<hbm>>) target_semaphore(%run_scoped3A_49 : memref<!tpu.dma_semaphore, #tpu.memory_space<semaphore_mem>>)
      %dma_wait3A = arith.constant 0 : i32
      %dma_wait3A_53 = tpu.memref_slice %arg8[%add3A_13, %dma_wait3A] : memref<10240x128xf32, #tpu.memory_space<hbm>> -> memref<64x128xf32, #tpu.memory_space<hbm>>
      %dma_wait3A_54 = arith.constant 0 : i32
      %dma_wait3A_55 = tpu.memref_slice %arg8[%add3A_13, %dma_wait3A_54] : memref<10240x128xf32, #tpu.memory_space<hbm>> -> memref<64x128xf32, #tpu.memory_space<hbm>>
      tpu.wait_dma2 semaphore(%run_scoped3A_49 : memref<!tpu.dma_semaphore, #tpu.memory_space<semaphore_mem>>) src(%arg11 : memref<64x128xf32, #tpu.memory_space<vmem>>) dst(%dma_wait3A_55 : memref<64x128xf32, #tpu.memory_space<hbm>>)
      tpu.yield
    }) : () -> ()
    %run_scoped3A_14 = arith.constant 1 : i32
    "tpu.region"() ({
      %run_scoped3A_49 = tpu.sem_alloc : memref<!tpu.dma_semaphore, #tpu.memory_space<semaphore_mem>>
      %dma_start3A = arith.constant 0 : i32
      %dma_start3A_50 = tpu.memref_slice %arg10[%run_scoped3A_14, %dma_start3A] : memref<5x64xi32, #tpu.memory_space<vmem>> -> memref<1x64xi32, #tpu.memory_space<vmem>>
      %dma_start3A_51 = tpu.memref_squeeze %dma_start3A_50 : memref<1x64xi32, #tpu.memory_space<vmem>> -> memref<64xi32, #tpu.memory_space<vmem>>
      %dma_start3A_52 = arith.constant 0 : i32
      %dma_start3A_53 = arith.constant 0 : i32
      %dma_start3A_54 = tpu.memref_slice %arg2[%dma_start3A_52, %dma_start3A_53] : memref<10000x128xf32, #tpu.memory_space<hbm>> -> memref<10000x128xf32, #tpu.memory_space<hbm>>
      tpu.enqueue_indirect_dma source(%dma_start3A_54 : memref<10000x128xf32, #tpu.memory_space<hbm>>) target(%arg11 : memref<64x128xf32, #tpu.memory_space<vmem>>) offsets(%dma_start3A_51 : memref<64xi32, #tpu.memory_space<vmem>>) semaphore(%run_scoped3A_49 : memref<!tpu.dma_semaphore, #tpu.memory_space<semaphore_mem>>)
      %dma_wait3A = arith.constant 0 : i32
      %dma_wait3A_55 = tpu.memref_slice %arg10[%run_scoped3A_14, %dma_wait3A] : memref<5x64xi32, #tpu.memory_space<vmem>> -> memref<1x64xi32, #tpu.memory_space<vmem>>
      %dma_wait3A_56 = tpu.memref_squeeze %dma_wait3A_55 : memref<1x64xi32, #tpu.memory_space<vmem>> -> memref<64xi32, #tpu.memory_space<vmem>>
      %dma_wait3A_57 = arith.constant 0 : i32
      %dma_wait3A_58 = arith.constant 0 : i32
      %dma_wait3A_59 = tpu.memref_slice %arg2[%dma_wait3A_57, %dma_wait3A_58] : memref<10000x128xf32, #tpu.memory_space<hbm>> -> memref<10000x128xf32, #tpu.memory_space<hbm>>
      tpu.wait_indirect_dma semaphore(%run_scoped3A_49 : memref<!tpu.dma_semaphore, #tpu.memory_space<semaphore_mem>>) src(%dma_wait3A_59 : memref<10000x128xf32, #tpu.memory_space<hbm>>) dst(%arg11 : memref<64x128xf32, #tpu.memory_space<vmem>>)
      tpu.yield
    }) : () -> ()
    %mul3A_15 = arith.constant 320 : i32
    %mul3A_16 = arith.muli %add3A, %mul3A_15 : i32
    %add3A_17 = arith.constant 64 : i32
    %add3A_18 = arith.addi %mul3A_16, %add3A_17 : i32
    "tpu.region"() ({
      %run_scoped3A_49 = tpu.sem_alloc : memref<!tpu.dma_semaphore, #tpu.memory_space<semaphore_mem>>
      %dma_start3A = arith.constant 0 : i32
      %dma_start3A_50 = tpu.memref_slice %arg8[%add3A_18, %dma_start3A] : memref<10240x128xf32, #tpu.memory_space<hbm>> -> memref<64x128xf32, #tpu.memory_space<hbm>>
      %dma_start3A_51 = arith.constant 0 : i32
      %dma_start3A_52 = tpu.memref_slice %arg8[%add3A_18, %dma_start3A_51] : memref<10240x128xf32, #tpu.memory_space<hbm>> -> memref<64x128xf32, #tpu.memory_space<hbm>>
      tpu.enqueue_dma source(%arg11 : memref<64x128xf32, #tpu.memory_space<vmem>>) target(%dma_start3A_52 : memref<64x128xf32, #tpu.memory_space<hbm>>) target_semaphore(%run_scoped3A_49 : memref<!tpu.dma_semaphore, #tpu.memory_space<semaphore_mem>>)
      %dma_wait3A = arith.constant 0 : i32
      %dma_wait3A_53 = tpu.memref_slice %arg8[%add3A_18, %dma_wait3A] : memref<10240x128xf32, #tpu.memory_space<hbm>> -> memref<64x128xf32, #tpu.memory_space<hbm>>
      %dma_wait3A_54 = arith.constant 0 : i32
      %dma_wait3A_55 = tpu.memref_slice %arg8[%add3A_18, %dma_wait3A_54] : memref<10240x128xf32, #tpu.memory_space<hbm>> -> memref<64x128xf32, #tpu.memory_space<hbm>>
      tpu.wait_dma2 semaphore(%run_scoped3A_49 : memref<!tpu.dma_semaphore, #tpu.memory_space<semaphore_mem>>) src(%arg11 : memref<64x128xf32, #tpu.memory_space<vmem>>) dst(%dma_wait3A_55 : memref<64x128xf32, #tpu.memory_space<hbm>>)
      tpu.yield
    }) : () -> ()
    %run_scoped3A_19 = arith.constant 2 : i32
    "tpu.region"() ({
      %run_scoped3A_49 = tpu.sem_alloc : memref<!tpu.dma_semaphore, #tpu.memory_space<semaphore_mem>>
      %dma_start3A = arith.constant 0 : i32
      %dma_start3A_50 = tpu.memref_slice %arg10[%run_scoped3A_19, %dma_start3A] : memref<5x64xi32, #tpu.memory_space<vmem>> -> memref<1x64xi32, #tpu.memory_space<vmem>>
      %dma_start3A_51 = tpu.memref_squeeze %dma_start3A_50 : memref<1x64xi32, #tpu.memory_space<vmem>> -> memref<64xi32, #tpu.memory_space<vmem>>
      %dma_start3A_52 = arith.constant 0 : i32
      %dma_start3A_53 = arith.constant 0 : i32
      %dma_start3A_54 = tpu.memref_slice %arg2[%dma_start3A_52, %dma_start3A_53] : memref<10000x128xf32, #tpu.memory_space<hbm>> -> memref<10000x128xf32, #tpu.memory_space<hbm>>
      tpu.enqueue_indirect_dma source(%dma_start3A_54 : memref<10000x128xf32, #tpu.memory_space<hbm>>) target(%arg11 : memref<64x128xf32, #tpu.memory_space<vmem>>) offsets(%dma_start3A_51 : memref<64xi32, #tpu.memory_space<vmem>>) semaphore(%run_scoped3A_49 : memref<!tpu.dma_semaphore, #tpu.memory_space<semaphore_mem>>)
      %dma_wait3A = arith.constant 0 : i32
      %dma_wait3A_55 = tpu.memref_slice %arg10[%run_scoped3A_19, %dma_wait3A] : memref<5x64xi32, #tpu.memory_space<vmem>> -> memref<1x64xi32, #tpu.memory_space<vmem>>
      %dma_wait3A_56 = tpu.memref_squeeze %dma_wait3A_55 : memref<1x64xi32, #tpu.memory_space<vmem>> -> memref<64xi32, #tpu.memory_space<vmem>>
      %dma_wait3A_57 = arith.constant 0 : i32
      %dma_wait3A_58 = arith.constant 0 : i32
      %dma_wait3A_59 = tpu.memref_slice %arg2[%dma_wait3A_57, %dma_wait3A_58] : memref<10000x128xf32, #tpu.memory_space<hbm>> -> memref<10000x128xf32, #tpu.memory_space<hbm>>
      tpu.wait_indirect_dma semaphore(%run_scoped3A_49 : memref<!tpu.dma_semaphore, #tpu.memory_space<semaphore_mem>>) src(%dma_wait3A_59 : memref<10000x128xf32, #tpu.memory_space<hbm>>) dst(%arg11 : memref<64x128xf32, #tpu.memory_space<vmem>>)
      tpu.yield
    }) : () -> ()
    %mul3A_20 = arith.constant 320 : i32
    %mul3A_21 = arith.muli %add3A, %mul3A_20 : i32
    %add3A_22 = arith.constant 128 : i32
    %add3A_23 = arith.addi %mul3A_21, %add3A_22 : i32
    "tpu.region"() ({
      %run_scoped3A_49 = tpu.sem_alloc : memref<!tpu.dma_semaphore, #tpu.memory_space<semaphore_mem>>
      %dma_start3A = arith.constant 0 : i32
      %dma_start3A_50 = tpu.memref_slice %arg8[%add3A_23, %dma_start3A] : memref<10240x128xf32, #tpu.memory_space<hbm>> -> memref<64x128xf32, #tpu.memory_space<hbm>>
      %dma_start3A_51 = arith.constant 0 : i32
      %dma_start3A_52 = tpu.memref_slice %arg8[%add3A_23, %dma_start3A_51] : memref<10240x128xf32, #tpu.memory_space<hbm>> -> memref<64x128xf32, #tpu.memory_space<hbm>>
      tpu.enqueue_dma source(%arg11 : memref<64x128xf32, #tpu.memory_space<vmem>>) target(%dma_start3A_52 : memref<64x128xf32, #tpu.memory_space<hbm>>) target_semaphore(%run_scoped3A_49 : memref<!tpu.dma_semaphore, #tpu.memory_space<semaphore_mem>>)
      %dma_wait3A = arith.constant 0 : i32
      %dma_wait3A_53 = tpu.memref_slice %arg8[%add3A_23, %dma_wait3A] : memref<10240x128xf32, #tpu.memory_space<hbm>> -> memref<64x128xf32, #tpu.memory_space<hbm>>
      %dma_wait3A_54 = arith.constant 0 : i32
      %dma_wait3A_55 = tpu.memref_slice %arg8[%add3A_23, %dma_wait3A_54] : memref<10240x128xf32, #tpu.memory_space<hbm>> -> memref<64x128xf32, #tpu.memory_space<hbm>>
      tpu.wait_dma2 semaphore(%run_scoped3A_49 : memref<!tpu.dma_semaphore, #tpu.memory_space<semaphore_mem>>) src(%arg11 : memref<64x128xf32, #tpu.memory_space<vmem>>) dst(%dma_wait3A_55 : memref<64x128xf32, #tpu.memory_space<hbm>>)
      tpu.yield
    }) : () -> ()
    %run_scoped3A_24 = arith.constant 3 : i32
    "tpu.region"() ({
      %run_scoped3A_49 = tpu.sem_alloc : memref<!tpu.dma_semaphore, #tpu.memory_space<semaphore_mem>>
      %dma_start3A = arith.constant 0 : i32
      %dma_start3A_50 = tpu.memref_slice %arg10[%run_scoped3A_24, %dma_start3A] : memref<5x64xi32, #tpu.memory_space<vmem>> -> memref<1x64xi32, #tpu.memory_space<vmem>>
      %dma_start3A_51 = tpu.memref_squeeze %dma_start3A_50 : memref<1x64xi32, #tpu.memory_space<vmem>> -> memref<64xi32, #tpu.memory_space<vmem>>
      %dma_start3A_52 = arith.constant 0 : i32
      %dma_start3A_53 = arith.constant 0 : i32
      %dma_start3A_54 = tpu.memref_slice %arg2[%dma_start3A_52, %dma_start3A_53] : memref<10000x128xf32, #tpu.memory_space<hbm>> -> memref<10000x128xf32, #tpu.memory_space<hbm>>
      tpu.enqueue_indirect_dma source(%dma_start3A_54 : memref<10000x128xf32, #tpu.memory_space<hbm>>) target(%arg11 : memref<64x128xf32, #tpu.memory_space<vmem>>) offsets(%dma_start3A_51 : memref<64xi32, #tpu.memory_space<vmem>>) semaphore(%run_scoped3A_49 : memref<!tpu.dma_semaphore, #tpu.memory_space<semaphore_mem>>)
      %dma_wait3A = arith.constant 0 : i32
      %dma_wait3A_55 = tpu.memref_slice %arg10[%run_scoped3A_24, %dma_wait3A] : memref<5x64xi32, #tpu.memory_space<vmem>> -> memref<1x64xi32, #tpu.memory_space<vmem>>
      %dma_wait3A_56 = tpu.memref_squeeze %dma_wait3A_55 : memref<1x64xi32, #tpu.memory_space<vmem>> -> memref<64xi32, #tpu.memory_space<vmem>>
      %dma_wait3A_57 = arith.constant 0 : i32
      %dma_wait3A_58 = arith.constant 0 : i32
      %dma_wait3A_59 = tpu.memref_slice %arg2[%dma_wait3A_57, %dma_wait3A_58] : memref<10000x128xf32, #tpu.memory_space<hbm>> -> memref<10000x128xf32, #tpu.memory_space<hbm>>
      tpu.wait_indirect_dma semaphore(%run_scoped3A_49 : memref<!tpu.dma_semaphore, #tpu.memory_space<semaphore_mem>>) src(%dma_wait3A_59 : memref<10000x128xf32, #tpu.memory_space<hbm>>) dst(%arg11 : memref<64x128xf32, #tpu.memory_space<vmem>>)
      tpu.yield
    }) : () -> ()
    %mul3A_25 = arith.constant 320 : i32
    %mul3A_26 = arith.muli %add3A, %mul3A_25 : i32
    %add3A_27 = arith.constant 192 : i32
    %add3A_28 = arith.addi %mul3A_26, %add3A_27 : i32
    "tpu.region"() ({
      %run_scoped3A_49 = tpu.sem_alloc : memref<!tpu.dma_semaphore, #tpu.memory_space<semaphore_mem>>
      %dma_start3A = arith.constant 0 : i32
      %dma_start3A_50 = tpu.memref_slice %arg8[%add3A_28, %dma_start3A] : memref<10240x128xf32, #tpu.memory_space<hbm>> -> memref<64x128xf32, #tpu.memory_space<hbm>>
      %dma_start3A_51 = arith.constant 0 : i32
      %dma_start3A_52 = tpu.memref_slice %arg8[%add3A_28, %dma_start3A_51] : memref<10240x128xf32, #tpu.memory_space<hbm>> -> memref<64x128xf32, #tpu.memory_space<hbm>>
      tpu.enqueue_dma source(%arg11 : memref<64x128xf32, #tpu.memory_space<vmem>>) target(%dma_start3A_52 : memref<64x128xf32, #tpu.memory_space<hbm>>) target_semaphore(%run_scoped3A_49 : memref<!tpu.dma_semaphore, #tpu.memory_space<semaphore_mem>>)
      %dma_wait3A = arith.constant 0 : i32
      %dma_wait3A_53 = tpu.memref_slice %arg8[%add3A_28, %dma_wait3A] : memref<10240x128xf32, #tpu.memory_space<hbm>> -> memref<64x128xf32, #tpu.memory_space<hbm>>
      %dma_wait3A_54 = arith.constant 0 : i32
      %dma_wait3A_55 = tpu.memref_slice %arg8[%add3A_28, %dma_wait3A_54] : memref<10240x128xf32, #tpu.memory_space<hbm>> -> memref<64x128xf32, #tpu.memory_space<hbm>>
      tpu.wait_dma2 semaphore(%run_scoped3A_49 : memref<!tpu.dma_semaphore, #tpu.memory_space<semaphore_mem>>) src(%arg11 : memref<64x128xf32, #tpu.memory_space<vmem>>) dst(%dma_wait3A_55 : memref<64x128xf32, #tpu.memory_space<hbm>>)
      tpu.yield
    }) : () -> ()
    %run_scoped3A_29 = arith.constant 4 : i32
    "tpu.region"() ({
      %run_scoped3A_49 = tpu.sem_alloc : memref<!tpu.dma_semaphore, #tpu.memory_space<semaphore_mem>>
      %dma_start3A = arith.constant 0 : i32
      %dma_start3A_50 = tpu.memref_slice %arg10[%run_scoped3A_29, %dma_start3A] : memref<5x64xi32, #tpu.memory_space<vmem>> -> memref<1x64xi32, #tpu.memory_space<vmem>>
      %dma_start3A_51 = tpu.memref_squeeze %dma_start3A_50 : memref<1x64xi32, #tpu.memory_space<vmem>> -> memref<64xi32, #tpu.memory_space<vmem>>
      %dma_start3A_52 = arith.constant 0 : i32
      %dma_start3A_53 = arith.constant 0 : i32
      %dma_start3A_54 = tpu.memref_slice %arg2[%dma_start3A_52, %dma_start3A_53] : memref<10000x128xf32, #tpu.memory_space<hbm>> -> memref<10000x128xf32, #tpu.memory_space<hbm>>
      tpu.enqueue_indirect_dma source(%dma_start3A_54 : memref<10000x128xf32, #tpu.memory_space<hbm>>) target(%arg11 : memref<64x128xf32, #tpu.memory_space<vmem>>) offsets(%dma_start3A_51 : memref<64xi32, #tpu.memory_space<vmem>>) semaphore(%run_scoped3A_49 : memref<!tpu.dma_semaphore, #tpu.memory_space<semaphore_mem>>)
      %dma_wait3A = arith.constant 0 : i32
      %dma_wait3A_55 = tpu.memref_slice %arg10[%run_scoped3A_29, %dma_wait3A] : memref<5x64xi32, #tpu.memory_space<vmem>> -> memref<1x64xi32, #tpu.memory_space<vmem>>
      %dma_wait3A_56 = tpu.memref_squeeze %dma_wait3A_55 : memref<1x64xi32, #tpu.memory_space<vmem>> -> memref<64xi32, #tpu.memory_space<vmem>>
      %dma_wait3A_57 = arith.constant 0 : i32
      %dma_wait3A_58 = arith.constant 0 : i32
      %dma_wait3A_59 = tpu.memref_slice %arg2[%dma_wait3A_57, %dma_wait3A_58] : memref<10000x128xf32, #tpu.memory_space<hbm>> -> memref<10000x128xf32, #tpu.memory_space<hbm>>
      tpu.wait_indirect_dma semaphore(%run_scoped3A_49 : memref<!tpu.dma_semaphore, #tpu.memory_space<semaphore_mem>>) src(%dma_wait3A_59 : memref<10000x128xf32, #tpu.memory_space<hbm>>) dst(%arg11 : memref<64x128xf32, #tpu.memory_space<vmem>>)
      tpu.yield
    }) : () -> ()
    %mul3A_30 = arith.constant 320 : i32
    %mul3A_31 = arith.muli %add3A, %mul3A_30 : i32
    %add3A_32 = arith.constant 256 : i32
    %add3A_33 = arith.addi %mul3A_31, %add3A_32 : i32
    "tpu.region"() ({
      %run_scoped3A_49 = tpu.sem_alloc : memref<!tpu.dma_semaphore, #tpu.memory_space<semaphore_mem>>
      %dma_start3A = arith.constant 0 : i32
      %dma_start3A_50 = tpu.memref_slice %arg8[%add3A_33, %dma_start3A] : memref<10240x128xf32, #tpu.memory_space<hbm>> -> memref<64x128xf32, #tpu.memory_space<hbm>>
      %dma_start3A_51 = arith.constant 0 : i32
      %dma_start3A_52 = tpu.memref_slice %arg8[%add3A_33, %dma_start3A_51] : memref<10240x128xf32, #tpu.memory_space<hbm>> -> memref<64x128xf32, #tpu.memory_space<hbm>>
      tpu.enqueue_dma source(%arg11 : memref<64x128xf32, #tpu.memory_space<vmem>>) target(%dma_start3A_52 : memref<64x128xf32, #tpu.memory_space<hbm>>) target_semaphore(%run_scoped3A_49 : memref<!tpu.dma_semaphore, #tpu.memory_space<semaphore_mem>>)
      %dma_wait3A = arith.constant 0 : i32
      %dma_wait3A_53 = tpu.memref_slice %arg8[%add3A_33, %dma_wait3A] : memref<10240x128xf32, #tpu.memory_space<hbm>> -> memref<64x128xf32, #tpu.memory_space<hbm>>
      %dma_wait3A_54 = arith.constant 0 : i32
      %dma_wait3A_55 = tpu.memref_slice %arg8[%add3A_33, %dma_wait3A_54] : memref<10240x128xf32, #tpu.memory_space<hbm>> -> memref<64x128xf32, #tpu.memory_space<hbm>>
      tpu.wait_dma2 semaphore(%run_scoped3A_49 : memref<!tpu.dma_semaphore, #tpu.memory_space<semaphore_mem>>) src(%arg11 : memref<64x128xf32, #tpu.memory_space<vmem>>) dst(%dma_wait3A_55 : memref<64x128xf32, #tpu.memory_space<hbm>>)
      tpu.yield
    }) : () -> ()
    %eq3A_34 = arith.constant 0 : i32
    %eq3A_35 = arith.cmpi eq, %arg0, %eq3A_34 : i32
    %convert_element_type3A_36 = arith.extui %eq3A_35 : i1 to i32
    %cond3A_37 = arith.constant 0 : i32
    %cond3A_38 = arith.cmpi ne, %convert_element_type3A_36, %cond3A_37 : i32
    scf.if %cond3A_38 {
      %scan3A = arith.constant 0 : i32
      %scan3A_49 = arith.constant 0 : i32
      %scan3A_50 = arith.constant 80 : i32
      %scan3A_51 = arith.addi %scan3A_49, %scan3A_50 : i32
      %scan3A_52 = arith.constant 1 : i32
      %scan3A_53 = scf.for %scan3A_55 = %scan3A_49 to %scan3A_51 step %scan3A_52 iter_args(%scan3A_56 = %scan3A) -> (i32)  : i32 {
        "tpu.region"() ({
          %run_scoped3A_58 = tpu.sem_alloc : memref<!tpu.dma_semaphore, #tpu.memory_space<semaphore_mem>>
          %dma_start3A = arith.constant 0 : i32
          %dma_start3A_59 = tpu.memref_slice %arg12[%scan3A_55, %dma_start3A] : memref<120x128xi32, #tpu.memory_space<vmem>> -> memref<1x128xi32, #tpu.memory_space<vmem>>
          %dma_start3A_60 = tpu.memref_squeeze %dma_start3A_59 : memref<1x128xi32, #tpu.memory_space<vmem>> -> memref<128xi32, #tpu.memory_space<vmem>>
          %dma_start3A_61 = arith.constant 0 : i32
          %dma_start3A_62 = arith.constant 0 : i32
          %dma_start3A_63 = tpu.memref_slice %arg14[%dma_start3A_61, %dma_start3A_62] : memref<10240x128xf32, #tpu.memory_space<vmem_shared>> -> memref<10240x128xf32, #tpu.memory_space<vmem_shared>>
          tpu.enqueue_indirect_dma source(%arg13 : memref<128x128xf32, #tpu.memory_space<vmem>>) target(%dma_start3A_63 : memref<10240x128xf32, #tpu.memory_space<vmem_shared>>) offsets(%dma_start3A_60 : memref<128xi32, #tpu.memory_space<vmem>>) semaphore(%run_scoped3A_58 : memref<!tpu.dma_semaphore, #tpu.memory_space<semaphore_mem>>) {add = true}
          %dma_wait3A = arith.constant 0 : i32
          %dma_wait3A_64 = tpu.memref_slice %arg12[%scan3A_55, %dma_wait3A] : memref<120x128xi32, #tpu.memory_space<vmem>> -> memref<1x128xi32, #tpu.memory_space<vmem>>
          %dma_wait3A_65 = tpu.memref_squeeze %dma_wait3A_64 : memref<1x128xi32, #tpu.memory_space<vmem>> -> memref<128xi32, #tpu.memory_space<vmem>>
          %dma_wait3A_66 = arith.constant 0 : i32
          %dma_wait3A_67 = arith.constant 0 : i32
          %dma_wait3A_68 = tpu.memref_slice %arg14[%dma_wait3A_66, %dma_wait3A_67] : memref<10240x128xf32, #tpu.memory_space<vmem_shared>> -> memref<10240x128xf32, #tpu.memory_space<vmem_shared>>
          tpu.wait_indirect_dma semaphore(%run_scoped3A_58 : memref<!tpu.dma_semaphore, #tpu.memory_space<semaphore_mem>>) src(%arg13 : memref<128x128xf32, #tpu.memory_space<vmem>>) dst(%dma_wait3A_68 : memref<10240x128xf32, #tpu.memory_space<vmem_shared>>)
          tpu.yield
        }) : () -> ()
        %scan3A_57 = arith.constant 0 : i32
        scf.yield %scan3A_57 : i32
      }
      %scan3A_54 = arith.constant 80 : i32
    } else {
    }
    %eq3A_39 = arith.constant 1 : i32
    %eq3A_40 = arith.cmpi eq, %arg0, %eq3A_39 : i32
    %convert_element_type3A_41 = arith.extui %eq3A_40 : i1 to i32
    %cond3A_42 = arith.constant 0 : i32
    %cond3A_43 = arith.cmpi ne, %convert_element_type3A_41, %cond3A_42 : i32
    scf.if %cond3A_43 {
      %scan3A = arith.constant 0 : i32
      %scan3A_49 = arith.constant 0 : i32
      %scan3A_50 = arith.constant 80 : i32
      %scan3A_51 = arith.addi %scan3A_49, %scan3A_50 : i32
      %scan3A_52 = arith.constant 1 : i32
      %scan3A_53 = scf.for %scan3A_55 = %scan3A_49 to %scan3A_51 step %scan3A_52 iter_args(%scan3A_56 = %scan3A) -> (i32)  : i32 {
        "tpu.region"() ({
          %run_scoped3A_58 = tpu.sem_alloc : memref<!tpu.dma_semaphore, #tpu.memory_space<semaphore_mem>>
          %dma_start3A = arith.constant 0 : i32
          %dma_start3A_59 = tpu.memref_slice %arg12[%scan3A_55, %dma_start3A] : memref<120x128xi32, #tpu.memory_space<vmem>> -> memref<1x128xi32, #tpu.memory_space<vmem>>
          %dma_start3A_60 = tpu.memref_squeeze %dma_start3A_59 : memref<1x128xi32, #tpu.memory_space<vmem>> -> memref<128xi32, #tpu.memory_space<vmem>>
          %dma_start3A_61 = arith.constant 0 : i32
          %dma_start3A_62 = arith.constant 0 : i32
          %dma_start3A_63 = tpu.memref_slice %arg14[%dma_start3A_61, %dma_start3A_62] : memref<10240x128xf32, #tpu.memory_space<vmem_shared>> -> memref<10240x128xf32, #tpu.memory_space<vmem_shared>>
          tpu.enqueue_indirect_dma source(%arg13 : memref<128x128xf32, #tpu.memory_space<vmem>>) target(%dma_start3A_63 : memref<10240x128xf32, #tpu.memory_space<vmem_shared>>) offsets(%dma_start3A_60 : memref<128xi32, #tpu.memory_space<vmem>>) semaphore(%run_scoped3A_58 : memref<!tpu.dma_semaphore, #tpu.memory_space<semaphore_mem>>) {add = true}
          %dma_wait3A = arith.constant 0 : i32
          %dma_wait3A_64 = tpu.memref_slice %arg12[%scan3A_55, %dma_wait3A] : memref<120x128xi32, #tpu.memory_space<vmem>> -> memref<1x128xi32, #tpu.memory_space<vmem>>
          %dma_wait3A_65 = tpu.memref_squeeze %dma_wait3A_64 : memref<1x128xi32, #tpu.memory_space<vmem>> -> memref<128xi32, #tpu.memory_space<vmem>>
          %dma_wait3A_66 = arith.constant 0 : i32
          %dma_wait3A_67 = arith.constant 0 : i32
          %dma_wait3A_68 = tpu.memref_slice %arg14[%dma_wait3A_66, %dma_wait3A_67] : memref<10240x128xf32, #tpu.memory_space<vmem_shared>> -> memref<10240x128xf32, #tpu.memory_space<vmem_shared>>
          tpu.wait_indirect_dma semaphore(%run_scoped3A_58 : memref<!tpu.dma_semaphore, #tpu.memory_space<semaphore_mem>>) src(%arg13 : memref<128x128xf32, #tpu.memory_space<vmem>>) dst(%dma_wait3A_68 : memref<10240x128xf32, #tpu.memory_space<vmem_shared>>)
          tpu.yield
        }) : () -> ()
        %scan3A_57 = arith.constant 0 : i32
        scf.yield %scan3A_57 : i32
      }
      %scan3A_54 = arith.constant 80 : i32
    } else {
    }
    %barrier3A_44 = arith.constant 0 : index
    tpu.barrier barrier_id(%barrier3A_44)
    %mul3A_45 = arith.constant 640 : i32
    %mul3A_46 = arith.muli %arg1, %mul3A_45 : i32
    %mul3A_47 = arith.constant 640 : i32
    %mul3A_48 = arith.muli %arg1, %mul3A_47 : i32
    "tpu.region"() ({
      %run_scoped3A_49 = tpu.sem_alloc : memref<!tpu.dma_semaphore, #tpu.memory_space<semaphore_mem>>
      %dma_start3A = arith.constant 0 : i32
      %dma_start3A_50 = tpu.memref_slice %arg9[%arg0, %mul3A_48, %dma_start3A] : memref<2x10240x128xf32, #tpu.memory_space<hbm>> -> memref<1x640x128xf32, #tpu.memory_space<hbm>>
      %dma_start3A_51 = tpu.memref_squeeze %dma_start3A_50 : memref<1x640x128xf32, #tpu.memory_space<hbm>> -> memref<640x128xf32, #tpu.memory_space<hbm>>
      %dma_start3A_52 = arith.constant 0 : i32
      %dma_start3A_53 = tpu.memref_slice %arg14[%mul3A_46, %dma_start3A_52] : memref<10240x128xf32, #tpu.memory_space<vmem_shared>> -> memref<640x128xf32, #tpu.memory_space<vmem_shared>>
      tpu.enqueue_dma source(%dma_start3A_53 : memref<640x128xf32, #tpu.memory_space<vmem_shared>>) target(%dma_start3A_51 : memref<640x128xf32, #tpu.memory_space<hbm>>) target_semaphore(%run_scoped3A_49 : memref<!tpu.dma_semaphore, #tpu.memory_space<semaphore_mem>>)
      %dma_wait3A = arith.constant 0 : i32
      %dma_wait3A_54 = tpu.memref_slice %arg9[%arg0, %mul3A_48, %dma_wait3A] : memref<2x10240x128xf32, #tpu.memory_space<hbm>> -> memref<1x640x128xf32, #tpu.memory_space<hbm>>
      %dma_wait3A_55 = tpu.memref_squeeze %dma_wait3A_54 : memref<1x640x128xf32, #tpu.memory_space<hbm>> -> memref<640x128xf32, #tpu.memory_space<hbm>>
      %dma_wait3A_56 = arith.constant 0 : i32
      %dma_wait3A_57 = tpu.memref_slice %arg14[%mul3A_46, %dma_wait3A_56] : memref<10240x128xf32, #tpu.memory_space<vmem_shared>> -> memref<640x128xf32, #tpu.memory_space<vmem_shared>>
      tpu.wait_dma2 semaphore(%run_scoped3A_49 : memref<!tpu.dma_semaphore, #tpu.memory_space<semaphore_mem>>) src(%dma_wait3A_57 : memref<640x128xf32, #tpu.memory_space<vmem_shared>>) dst(%dma_wait3A_55 : memref<640x128xf32, #tpu.memory_space<hbm>>)
      tpu.yield
    }) : () -> ()
    return
  }
}

#map = affine_map<(d0, d1) -> (0, 0)>
#map1 = affine_map<(d0, d1) -> (0, 0, 0)>
module attributes {stable_mosaic.version = 14 : i64} {
  func.func @_seg_body(%arg0: i32, %arg1: i32, %arg2: memref<10240x128xf32, #tpu.memory_space<hbm>>, %arg3: memref<16x120x128xi32, #tpu.memory_space<hbm>>, %arg4: memref<16x120x128xi32, #tpu.memory_space<hbm>>, %arg5: memref<16x40x128xi32, #tpu.memory_space<hbm>>, %arg6: memref<16x40x128xi32, #tpu.memory_space<hbm>>, %arg7: memref<640x128xf32, #tpu.memory_space<hbm>>, %arg8: memref<2x10240x128xf32, #tpu.memory_space<hbm>>, %arg9: memref<120x128xi32, #tpu.memory_space<vmem>>, %arg10: memref<120x128xi32, #tpu.memory_space<vmem>>, %arg11: memref<128x128xf32, #tpu.memory_space<vmem>>, %arg12: memref<10240x128xf32, #tpu.memory_space<vmem_shared>>) attributes {dimension_semantics = [#tpu.dimension_semantics<core_parallel>, #tpu.dimension_semantics<subcore_parallel>], iteration_bounds = array<i64: 2, 16>, scalar_prefetch = 0 : i64, scratch_operands = 4 : i64, tpu.core_type = #tpu.core_type<sc_vector_subcore>, window_params = [{transform_indices = #map}, {transform_indices = #map1}, {transform_indices = #map1}, {transform_indices = #map1}, {transform_indices = #map1}, {transform_indices = #map}, {transform_indices = #map1}]} {
    %mul3A = arith.constant 640 : i32
    %mul3A_0 = arith.muli %arg1, %mul3A : i32
    "tpu.region"() ({
      %run_scoped3A = tpu.sem_alloc : memref<!tpu.dma_semaphore, #tpu.memory_space<semaphore_mem>>
      %dma_start3A = arith.constant 0 : i32
      %dma_start3A_23 = tpu.memref_slice %arg12[%mul3A_0, %dma_start3A] : memref<10240x128xf32, #tpu.memory_space<vmem_shared>> -> memref<640x128xf32, #tpu.memory_space<vmem_shared>>
      tpu.enqueue_dma source(%arg7 : memref<640x128xf32, #tpu.memory_space<hbm>>) target(%dma_start3A_23 : memref<640x128xf32, #tpu.memory_space<vmem_shared>>) target_semaphore(%run_scoped3A : memref<!tpu.dma_semaphore, #tpu.memory_space<semaphore_mem>>)
      %dma_wait3A = arith.constant 0 : i32
      %dma_wait3A_24 = tpu.memref_slice %arg12[%mul3A_0, %dma_wait3A] : memref<10240x128xf32, #tpu.memory_space<vmem_shared>> -> memref<640x128xf32, #tpu.memory_space<vmem_shared>>
      tpu.wait_dma2 semaphore(%run_scoped3A : memref<!tpu.dma_semaphore, #tpu.memory_space<semaphore_mem>>) src(%arg7 : memref<640x128xf32, #tpu.memory_space<hbm>>) dst(%dma_wait3A_24 : memref<640x128xf32, #tpu.memory_space<vmem_shared>>)
      tpu.yield
    }) : () -> ()
    %eq3A = arith.constant 0 : i32
    %eq3A_1 = arith.cmpi eq, %arg0, %eq3A : i32
    %convert_element_type3A = arith.extui %eq3A_1 : i1 to i32
    %cond3A = arith.constant 0 : i32
    %cond3A_2 = arith.cmpi ne, %convert_element_type3A, %cond3A : i32
    scf.if %cond3A_2 {
      "tpu.region"() ({
        %run_scoped3A = tpu.sem_alloc : memref<!tpu.dma_semaphore, #tpu.memory_space<semaphore_mem>>
        %dma_start3A = arith.constant 0 : i32
        %dma_start3A_23 = arith.constant 0 : i32
        %dma_start3A_24 = tpu.memref_slice %arg9[%dma_start3A, %dma_start3A_23] : memref<120x128xi32, #tpu.memory_space<vmem>> -> memref<120x128xi32, #tpu.memory_space<vmem>>
        %dma_start3A_25 = arith.constant 0 : i32
        %dma_start3A_26 = arith.constant 0 : i32
        %dma_start3A_27 = tpu.memref_slice %arg3[%arg1, %dma_start3A_25, %dma_start3A_26] : memref<16x120x128xi32, #tpu.memory_space<hbm>> -> memref<1x120x128xi32, #tpu.memory_space<hbm>>
        %dma_start3A_28 = tpu.memref_squeeze %dma_start3A_27 : memref<1x120x128xi32, #tpu.memory_space<hbm>> -> memref<120x128xi32, #tpu.memory_space<hbm>>
        %dma_start3A_29 = arith.constant 0 : i32
        %dma_start3A_30 = arith.constant 0 : i32
        %dma_start3A_31 = tpu.memref_slice %arg9[%dma_start3A_29, %dma_start3A_30] : memref<120x128xi32, #tpu.memory_space<vmem>> -> memref<120x128xi32, #tpu.memory_space<vmem>>
        %dma_start3A_32 = arith.constant 0 : i32
        %dma_start3A_33 = arith.constant 0 : i32
        %dma_start3A_34 = tpu.memref_slice %arg3[%arg1, %dma_start3A_32, %dma_start3A_33] : memref<16x120x128xi32, #tpu.memory_space<hbm>> -> memref<1x120x128xi32, #tpu.memory_space<hbm>>
        %dma_start3A_35 = tpu.memref_squeeze %dma_start3A_34 : memref<1x120x128xi32, #tpu.memory_space<hbm>> -> memref<120x128xi32, #tpu.memory_space<hbm>>
        tpu.enqueue_dma source(%dma_start3A_35 : memref<120x128xi32, #tpu.memory_space<hbm>>) target(%dma_start3A_31 : memref<120x128xi32, #tpu.memory_space<vmem>>) target_semaphore(%run_scoped3A : memref<!tpu.dma_semaphore, #tpu.memory_space<semaphore_mem>>)
        %dma_wait3A = arith.constant 0 : i32
        %dma_wait3A_36 = arith.constant 0 : i32
        %dma_wait3A_37 = tpu.memref_slice %arg9[%dma_wait3A, %dma_wait3A_36] : memref<120x128xi32, #tpu.memory_space<vmem>> -> memref<120x128xi32, #tpu.memory_space<vmem>>
        %dma_wait3A_38 = arith.constant 0 : i32
        %dma_wait3A_39 = arith.constant 0 : i32
        %dma_wait3A_40 = tpu.memref_slice %arg3[%arg1, %dma_wait3A_38, %dma_wait3A_39] : memref<16x120x128xi32, #tpu.memory_space<hbm>> -> memref<1x120x128xi32, #tpu.memory_space<hbm>>
        %dma_wait3A_41 = tpu.memref_squeeze %dma_wait3A_40 : memref<1x120x128xi32, #tpu.memory_space<hbm>> -> memref<120x128xi32, #tpu.memory_space<hbm>>
        %dma_wait3A_42 = arith.constant 0 : i32
        %dma_wait3A_43 = arith.constant 0 : i32
        %dma_wait3A_44 = tpu.memref_slice %arg9[%dma_wait3A_42, %dma_wait3A_43] : memref<120x128xi32, #tpu.memory_space<vmem>> -> memref<120x128xi32, #tpu.memory_space<vmem>>
        %dma_wait3A_45 = arith.constant 0 : i32
        %dma_wait3A_46 = arith.constant 0 : i32
        %dma_wait3A_47 = tpu.memref_slice %arg3[%arg1, %dma_wait3A_45, %dma_wait3A_46] : memref<16x120x128xi32, #tpu.memory_space<hbm>> -> memref<1x120x128xi32, #tpu.memory_space<hbm>>
        %dma_wait3A_48 = tpu.memref_squeeze %dma_wait3A_47 : memref<1x120x128xi32, #tpu.memory_space<hbm>> -> memref<120x128xi32, #tpu.memory_space<hbm>>
        tpu.wait_dma2 semaphore(%run_scoped3A : memref<!tpu.dma_semaphore, #tpu.memory_space<semaphore_mem>>) src(%dma_wait3A_48 : memref<120x128xi32, #tpu.memory_space<hbm>>) dst(%dma_wait3A_44 : memref<120x128xi32, #tpu.memory_space<vmem>>)
        tpu.yield
      }) : () -> ()
      "tpu.region"() ({
        %run_scoped3A = tpu.sem_alloc : memref<!tpu.dma_semaphore, #tpu.memory_space<semaphore_mem>>
        %dma_start3A = arith.constant 0 : i32
        %dma_start3A_23 = arith.constant 0 : i32
        %dma_start3A_24 = tpu.memref_slice %arg10[%dma_start3A, %dma_start3A_23] : memref<120x128xi32, #tpu.memory_space<vmem>> -> memref<120x128xi32, #tpu.memory_space<vmem>>
        %dma_start3A_25 = arith.constant 0 : i32
        %dma_start3A_26 = arith.constant 0 : i32
        %dma_start3A_27 = tpu.memref_slice %arg4[%arg1, %dma_start3A_25, %dma_start3A_26] : memref<16x120x128xi32, #tpu.memory_space<hbm>> -> memref<1x120x128xi32, #tpu.memory_space<hbm>>
        %dma_start3A_28 = tpu.memref_squeeze %dma_start3A_27 : memref<1x120x128xi32, #tpu.memory_space<hbm>> -> memref<120x128xi32, #tpu.memory_space<hbm>>
        %dma_start3A_29 = arith.constant 0 : i32
        %dma_start3A_30 = arith.constant 0 : i32
        %dma_start3A_31 = tpu.memref_slice %arg10[%dma_start3A_29, %dma_start3A_30] : memref<120x128xi32, #tpu.memory_space<vmem>> -> memref<120x128xi32, #tpu.memory_space<vmem>>
        %dma_start3A_32 = arith.constant 0 : i32
        %dma_start3A_33 = arith.constant 0 : i32
        %dma_start3A_34 = tpu.memref_slice %arg4[%arg1, %dma_start3A_32, %dma_start3A_33] : memref<16x120x128xi32, #tpu.memory_space<hbm>> -> memref<1x120x128xi32, #tpu.memory_space<hbm>>
        %dma_start3A_35 = tpu.memref_squeeze %dma_start3A_34 : memref<1x120x128xi32, #tpu.memory_space<hbm>> -> memref<120x128xi32, #tpu.memory_space<hbm>>
        tpu.enqueue_dma source(%dma_start3A_35 : memref<120x128xi32, #tpu.memory_space<hbm>>) target(%dma_start3A_31 : memref<120x128xi32, #tpu.memory_space<vmem>>) target_semaphore(%run_scoped3A : memref<!tpu.dma_semaphore, #tpu.memory_space<semaphore_mem>>)
        %dma_wait3A = arith.constant 0 : i32
        %dma_wait3A_36 = arith.constant 0 : i32
        %dma_wait3A_37 = tpu.memref_slice %arg10[%dma_wait3A, %dma_wait3A_36] : memref<120x128xi32, #tpu.memory_space<vmem>> -> memref<120x128xi32, #tpu.memory_space<vmem>>
        %dma_wait3A_38 = arith.constant 0 : i32
        %dma_wait3A_39 = arith.constant 0 : i32
        %dma_wait3A_40 = tpu.memref_slice %arg4[%arg1, %dma_wait3A_38, %dma_wait3A_39] : memref<16x120x128xi32, #tpu.memory_space<hbm>> -> memref<1x120x128xi32, #tpu.memory_space<hbm>>
        %dma_wait3A_41 = tpu.memref_squeeze %dma_wait3A_40 : memref<1x120x128xi32, #tpu.memory_space<hbm>> -> memref<120x128xi32, #tpu.memory_space<hbm>>
        %dma_wait3A_42 = arith.constant 0 : i32
        %dma_wait3A_43 = arith.constant 0 : i32
        %dma_wait3A_44 = tpu.memref_slice %arg10[%dma_wait3A_42, %dma_wait3A_43] : memref<120x128xi32, #tpu.memory_space<vmem>> -> memref<120x128xi32, #tpu.memory_space<vmem>>
        %dma_wait3A_45 = arith.constant 0 : i32
        %dma_wait3A_46 = arith.constant 0 : i32
        %dma_wait3A_47 = tpu.memref_slice %arg4[%arg1, %dma_wait3A_45, %dma_wait3A_46] : memref<16x120x128xi32, #tpu.memory_space<hbm>> -> memref<1x120x128xi32, #tpu.memory_space<hbm>>
        %dma_wait3A_48 = tpu.memref_squeeze %dma_wait3A_47 : memref<1x120x128xi32, #tpu.memory_space<hbm>> -> memref<120x128xi32, #tpu.memory_space<hbm>>
        tpu.wait_dma2 semaphore(%run_scoped3A : memref<!tpu.dma_semaphore, #tpu.memory_space<semaphore_mem>>) src(%dma_wait3A_48 : memref<120x128xi32, #tpu.memory_space<hbm>>) dst(%dma_wait3A_44 : memref<120x128xi32, #tpu.memory_space<vmem>>)
        tpu.yield
      }) : () -> ()
    } else {
    }
    %eq3A_3 = arith.constant 1 : i32
    %eq3A_4 = arith.cmpi eq, %arg0, %eq3A_3 : i32
    %convert_element_type3A_5 = arith.extui %eq3A_4 : i1 to i32
    %cond3A_6 = arith.constant 0 : i32
    %cond3A_7 = arith.cmpi ne, %convert_element_type3A_5, %cond3A_6 : i32
    scf.if %cond3A_7 {
      "tpu.region"() ({
        %run_scoped3A = tpu.sem_alloc : memref<!tpu.dma_semaphore, #tpu.memory_space<semaphore_mem>>
        %dma_start3A = arith.constant 0 : i32
        %dma_start3A_23 = arith.constant 0 : i32
        %dma_start3A_24 = tpu.memref_slice %arg9[%dma_start3A, %dma_start3A_23] : memref<120x128xi32, #tpu.memory_space<vmem>> -> memref<40x128xi32, #tpu.memory_space<vmem>>
        %dma_start3A_25 = arith.constant 0 : i32
        %dma_start3A_26 = arith.constant 0 : i32
        %dma_start3A_27 = tpu.memref_slice %arg5[%arg1, %dma_start3A_25, %dma_start3A_26] : memref<16x40x128xi32, #tpu.memory_space<hbm>> -> memref<1x40x128xi32, #tpu.memory_space<hbm>>
        %dma_start3A_28 = tpu.memref_squeeze %dma_start3A_27 : memref<1x40x128xi32, #tpu.memory_space<hbm>> -> memref<40x128xi32, #tpu.memory_space<hbm>>
        %dma_start3A_29 = arith.constant 0 : i32
        %dma_start3A_30 = arith.constant 0 : i32
        %dma_start3A_31 = tpu.memref_slice %arg9[%dma_start3A_29, %dma_start3A_30] : memref<120x128xi32, #tpu.memory_space<vmem>> -> memref<40x128xi32, #tpu.memory_space<vmem>>
        %dma_start3A_32 = arith.constant 0 : i32
        %dma_start3A_33 = arith.constant 0 : i32
        %dma_start3A_34 = tpu.memref_slice %arg5[%arg1, %dma_start3A_32, %dma_start3A_33] : memref<16x40x128xi32, #tpu.memory_space<hbm>> -> memref<1x40x128xi32, #tpu.memory_space<hbm>>
        %dma_start3A_35 = tpu.memref_squeeze %dma_start3A_34 : memref<1x40x128xi32, #tpu.memory_space<hbm>> -> memref<40x128xi32, #tpu.memory_space<hbm>>
        tpu.enqueue_dma source(%dma_start3A_35 : memref<40x128xi32, #tpu.memory_space<hbm>>) target(%dma_start3A_31 : memref<40x128xi32, #tpu.memory_space<vmem>>) target_semaphore(%run_scoped3A : memref<!tpu.dma_semaphore, #tpu.memory_space<semaphore_mem>>)
        %dma_wait3A = arith.constant 0 : i32
        %dma_wait3A_36 = arith.constant 0 : i32
        %dma_wait3A_37 = tpu.memref_slice %arg9[%dma_wait3A, %dma_wait3A_36] : memref<120x128xi32, #tpu.memory_space<vmem>> -> memref<40x128xi32, #tpu.memory_space<vmem>>
        %dma_wait3A_38 = arith.constant 0 : i32
        %dma_wait3A_39 = arith.constant 0 : i32
        %dma_wait3A_40 = tpu.memref_slice %arg5[%arg1, %dma_wait3A_38, %dma_wait3A_39] : memref<16x40x128xi32, #tpu.memory_space<hbm>> -> memref<1x40x128xi32, #tpu.memory_space<hbm>>
        %dma_wait3A_41 = tpu.memref_squeeze %dma_wait3A_40 : memref<1x40x128xi32, #tpu.memory_space<hbm>> -> memref<40x128xi32, #tpu.memory_space<hbm>>
        %dma_wait3A_42 = arith.constant 0 : i32
        %dma_wait3A_43 = arith.constant 0 : i32
        %dma_wait3A_44 = tpu.memref_slice %arg9[%dma_wait3A_42, %dma_wait3A_43] : memref<120x128xi32, #tpu.memory_space<vmem>> -> memref<40x128xi32, #tpu.memory_space<vmem>>
        %dma_wait3A_45 = arith.constant 0 : i32
        %dma_wait3A_46 = arith.constant 0 : i32
        %dma_wait3A_47 = tpu.memref_slice %arg5[%arg1, %dma_wait3A_45, %dma_wait3A_46] : memref<16x40x128xi32, #tpu.memory_space<hbm>> -> memref<1x40x128xi32, #tpu.memory_space<hbm>>
        %dma_wait3A_48 = tpu.memref_squeeze %dma_wait3A_47 : memref<1x40x128xi32, #tpu.memory_space<hbm>> -> memref<40x128xi32, #tpu.memory_space<hbm>>
        tpu.wait_dma2 semaphore(%run_scoped3A : memref<!tpu.dma_semaphore, #tpu.memory_space<semaphore_mem>>) src(%dma_wait3A_48 : memref<40x128xi32, #tpu.memory_space<hbm>>) dst(%dma_wait3A_44 : memref<40x128xi32, #tpu.memory_space<vmem>>)
        tpu.yield
      }) : () -> ()
      "tpu.region"() ({
        %run_scoped3A = tpu.sem_alloc : memref<!tpu.dma_semaphore, #tpu.memory_space<semaphore_mem>>
        %dma_start3A = arith.constant 0 : i32
        %dma_start3A_23 = arith.constant 0 : i32
        %dma_start3A_24 = tpu.memref_slice %arg10[%dma_start3A, %dma_start3A_23] : memref<120x128xi32, #tpu.memory_space<vmem>> -> memref<40x128xi32, #tpu.memory_space<vmem>>
        %dma_start3A_25 = arith.constant 0 : i32
        %dma_start3A_26 = arith.constant 0 : i32
        %dma_start3A_27 = tpu.memref_slice %arg6[%arg1, %dma_start3A_25, %dma_start3A_26] : memref<16x40x128xi32, #tpu.memory_space<hbm>> -> memref<1x40x128xi32, #tpu.memory_space<hbm>>
        %dma_start3A_28 = tpu.memref_squeeze %dma_start3A_27 : memref<1x40x128xi32, #tpu.memory_space<hbm>> -> memref<40x128xi32, #tpu.memory_space<hbm>>
        %dma_start3A_29 = arith.constant 0 : i32
        %dma_start3A_30 = arith.constant 0 : i32
        %dma_start3A_31 = tpu.memref_slice %arg10[%dma_start3A_29, %dma_start3A_30] : memref<120x128xi32, #tpu.memory_space<vmem>> -> memref<40x128xi32, #tpu.memory_space<vmem>>
        %dma_start3A_32 = arith.constant 0 : i32
        %dma_start3A_33 = arith.constant 0 : i32
        %dma_start3A_34 = tpu.memref_slice %arg6[%arg1, %dma_start3A_32, %dma_start3A_33] : memref<16x40x128xi32, #tpu.memory_space<hbm>> -> memref<1x40x128xi32, #tpu.memory_space<hbm>>
        %dma_start3A_35 = tpu.memref_squeeze %dma_start3A_34 : memref<1x40x128xi32, #tpu.memory_space<hbm>> -> memref<40x128xi32, #tpu.memory_space<hbm>>
        tpu.enqueue_dma source(%dma_start3A_35 : memref<40x128xi32, #tpu.memory_space<hbm>>) target(%dma_start3A_31 : memref<40x128xi32, #tpu.memory_space<vmem>>) target_semaphore(%run_scoped3A : memref<!tpu.dma_semaphore, #tpu.memory_space<semaphore_mem>>)
        %dma_wait3A = arith.constant 0 : i32
        %dma_wait3A_36 = arith.constant 0 : i32
        %dma_wait3A_37 = tpu.memref_slice %arg10[%dma_wait3A, %dma_wait3A_36] : memref<120x128xi32, #tpu.memory_space<vmem>> -> memref<40x128xi32, #tpu.memory_space<vmem>>
        %dma_wait3A_38 = arith.constant 0 : i32
        %dma_wait3A_39 = arith.constant 0 : i32
        %dma_wait3A_40 = tpu.memref_slice %arg6[%arg1, %dma_wait3A_38, %dma_wait3A_39] : memref<16x40x128xi32, #tpu.memory_space<hbm>> -> memref<1x40x128xi32, #tpu.memory_space<hbm>>
        %dma_wait3A_41 = tpu.memref_squeeze %dma_wait3A_40 : memref<1x40x128xi32, #tpu.memory_space<hbm>> -> memref<40x128xi32, #tpu.memory_space<hbm>>
        %dma_wait3A_42 = arith.constant 0 : i32
        %dma_wait3A_43 = arith.constant 0 : i32
        %dma_wait3A_44 = tpu.memref_slice %arg10[%dma_wait3A_42, %dma_wait3A_43] : memref<120x128xi32, #tpu.memory_space<vmem>> -> memref<40x128xi32, #tpu.memory_space<vmem>>
        %dma_wait3A_45 = arith.constant 0 : i32
        %dma_wait3A_46 = arith.constant 0 : i32
        %dma_wait3A_47 = tpu.memref_slice %arg6[%arg1, %dma_wait3A_45, %dma_wait3A_46] : memref<16x40x128xi32, #tpu.memory_space<hbm>> -> memref<1x40x128xi32, #tpu.memory_space<hbm>>
        %dma_wait3A_48 = tpu.memref_squeeze %dma_wait3A_47 : memref<1x40x128xi32, #tpu.memory_space<hbm>> -> memref<40x128xi32, #tpu.memory_space<hbm>>
        tpu.wait_dma2 semaphore(%run_scoped3A : memref<!tpu.dma_semaphore, #tpu.memory_space<semaphore_mem>>) src(%dma_wait3A_48 : memref<40x128xi32, #tpu.memory_space<hbm>>) dst(%dma_wait3A_44 : memref<40x128xi32, #tpu.memory_space<vmem>>)
        tpu.yield
      }) : () -> ()
    } else {
    }
    %barrier3A = arith.constant 0 : index
    tpu.barrier barrier_id(%barrier3A)
    %eq3A_8 = arith.constant 0 : i32
    %eq3A_9 = arith.cmpi eq, %arg0, %eq3A_8 : i32
    %convert_element_type3A_10 = arith.extui %eq3A_9 : i1 to i32
    %cond3A_11 = arith.constant 0 : i32
    %cond3A_12 = arith.cmpi ne, %convert_element_type3A_10, %cond3A_11 : i32
    scf.if %cond3A_12 {
      %scan3A = arith.constant 0 : i32
      %scan3A_23 = arith.constant 0 : i32
      %scan3A_24 = arith.constant 120 : i32
      %scan3A_25 = arith.addi %scan3A_23, %scan3A_24 : i32
      %scan3A_26 = arith.constant 1 : i32
      %scan3A_27 = scf.for %scan3A_29 = %scan3A_23 to %scan3A_25 step %scan3A_26 iter_args(%scan3A_30 = %scan3A) -> (i32)  : i32 {
        "tpu.region"() ({
          %run_scoped3A = tpu.sem_alloc : memref<!tpu.dma_semaphore, #tpu.memory_space<semaphore_mem>>
          %dma_start3A = arith.constant 0 : i32
          %dma_start3A_32 = tpu.memref_slice %arg9[%scan3A_29, %dma_start3A] : memref<120x128xi32, #tpu.memory_space<vmem>> -> memref<1x128xi32, #tpu.memory_space<vmem>>
          %dma_start3A_33 = tpu.memref_squeeze %dma_start3A_32 : memref<1x128xi32, #tpu.memory_space<vmem>> -> memref<128xi32, #tpu.memory_space<vmem>>
          %dma_start3A_34 = arith.constant 0 : i32
          %dma_start3A_35 = arith.constant 0 : i32
          %dma_start3A_36 = tpu.memref_slice %arg2[%dma_start3A_34, %dma_start3A_35] : memref<10240x128xf32, #tpu.memory_space<hbm>> -> memref<10240x128xf32, #tpu.memory_space<hbm>>
          tpu.enqueue_indirect_dma source(%dma_start3A_36 : memref<10240x128xf32, #tpu.memory_space<hbm>>) target(%arg11 : memref<128x128xf32, #tpu.memory_space<vmem>>) offsets(%dma_start3A_33 : memref<128xi32, #tpu.memory_space<vmem>>) semaphore(%run_scoped3A : memref<!tpu.dma_semaphore, #tpu.memory_space<semaphore_mem>>)
          %dma_wait3A = arith.constant 0 : i32
          %dma_wait3A_37 = tpu.memref_slice %arg9[%scan3A_29, %dma_wait3A] : memref<120x128xi32, #tpu.memory_space<vmem>> -> memref<1x128xi32, #tpu.memory_space<vmem>>
          %dma_wait3A_38 = tpu.memref_squeeze %dma_wait3A_37 : memref<1x128xi32, #tpu.memory_space<vmem>> -> memref<128xi32, #tpu.memory_space<vmem>>
          %dma_wait3A_39 = arith.constant 0 : i32
          %dma_wait3A_40 = arith.constant 0 : i32
          %dma_wait3A_41 = tpu.memref_slice %arg2[%dma_wait3A_39, %dma_wait3A_40] : memref<10240x128xf32, #tpu.memory_space<hbm>> -> memref<10240x128xf32, #tpu.memory_space<hbm>>
          tpu.wait_indirect_dma semaphore(%run_scoped3A : memref<!tpu.dma_semaphore, #tpu.memory_space<semaphore_mem>>) src(%dma_wait3A_41 : memref<10240x128xf32, #tpu.memory_space<hbm>>) dst(%arg11 : memref<128x128xf32, #tpu.memory_space<vmem>>)
          tpu.yield
        }) : () -> ()
        "tpu.region"() ({
          %run_scoped3A = tpu.sem_alloc : memref<!tpu.dma_semaphore, #tpu.memory_space<semaphore_mem>>
          %dma_start3A = arith.constant 0 : i32
          %dma_start3A_32 = tpu.memref_slice %arg10[%scan3A_29, %dma_start3A] : memref<120x128xi32, #tpu.memory_space<vmem>> -> memref<1x128xi32, #tpu.memory_space<vmem>>
          %dma_start3A_33 = tpu.memref_squeeze %dma_start3A_32 : memref<1x128xi32, #tpu.memory_space<vmem>> -> memref<128xi32, #tpu.memory_space<vmem>>
          %dma_start3A_34 = arith.constant 0 : i32
          %dma_start3A_35 = arith.constant 0 : i32
          %dma_start3A_36 = tpu.memref_slice %arg12[%dma_start3A_34, %dma_start3A_35] : memref<10240x128xf32, #tpu.memory_space<vmem_shared>> -> memref<10240x128xf32, #tpu.memory_space<vmem_shared>>
          tpu.enqueue_indirect_dma source(%arg11 : memref<128x128xf32, #tpu.memory_space<vmem>>) target(%dma_start3A_36 : memref<10240x128xf32, #tpu.memory_space<vmem_shared>>) offsets(%dma_start3A_33 : memref<128xi32, #tpu.memory_space<vmem>>) semaphore(%run_scoped3A : memref<!tpu.dma_semaphore, #tpu.memory_space<semaphore_mem>>) {add = true}
          %dma_wait3A = arith.constant 0 : i32
          %dma_wait3A_37 = tpu.memref_slice %arg10[%scan3A_29, %dma_wait3A] : memref<120x128xi32, #tpu.memory_space<vmem>> -> memref<1x128xi32, #tpu.memory_space<vmem>>
          %dma_wait3A_38 = tpu.memref_squeeze %dma_wait3A_37 : memref<1x128xi32, #tpu.memory_space<vmem>> -> memref<128xi32, #tpu.memory_space<vmem>>
          %dma_wait3A_39 = arith.constant 0 : i32
          %dma_wait3A_40 = arith.constant 0 : i32
          %dma_wait3A_41 = tpu.memref_slice %arg12[%dma_wait3A_39, %dma_wait3A_40] : memref<10240x128xf32, #tpu.memory_space<vmem_shared>> -> memref<10240x128xf32, #tpu.memory_space<vmem_shared>>
          tpu.wait_indirect_dma semaphore(%run_scoped3A : memref<!tpu.dma_semaphore, #tpu.memory_space<semaphore_mem>>) src(%arg11 : memref<128x128xf32, #tpu.memory_space<vmem>>) dst(%dma_wait3A_41 : memref<10240x128xf32, #tpu.memory_space<vmem_shared>>)
          tpu.yield
        }) : () -> ()
        %scan3A_31 = arith.constant 0 : i32
        scf.yield %scan3A_31 : i32
      }
      %scan3A_28 = arith.constant 120 : i32
    } else {
    }
    %eq3A_13 = arith.constant 1 : i32
    %eq3A_14 = arith.cmpi eq, %arg0, %eq3A_13 : i32
    %convert_element_type3A_15 = arith.extui %eq3A_14 : i1 to i32
    %cond3A_16 = arith.constant 0 : i32
    %cond3A_17 = arith.cmpi ne, %convert_element_type3A_15, %cond3A_16 : i32
    scf.if %cond3A_17 {
      %scan3A = arith.constant 0 : i32
      %scan3A_23 = arith.constant 0 : i32
      %scan3A_24 = arith.constant 40 : i32
      %scan3A_25 = arith.addi %scan3A_23, %scan3A_24 : i32
      %scan3A_26 = arith.constant 1 : i32
      %scan3A_27 = scf.for %scan3A_29 = %scan3A_23 to %scan3A_25 step %scan3A_26 iter_args(%scan3A_30 = %scan3A) -> (i32)  : i32 {
        "tpu.region"() ({
          %run_scoped3A = tpu.sem_alloc : memref<!tpu.dma_semaphore, #tpu.memory_space<semaphore_mem>>
          %dma_start3A = arith.constant 0 : i32
          %dma_start3A_32 = tpu.memref_slice %arg9[%scan3A_29, %dma_start3A] : memref<120x128xi32, #tpu.memory_space<vmem>> -> memref<1x128xi32, #tpu.memory_space<vmem>>
          %dma_start3A_33 = tpu.memref_squeeze %dma_start3A_32 : memref<1x128xi32, #tpu.memory_space<vmem>> -> memref<128xi32, #tpu.memory_space<vmem>>
          %dma_start3A_34 = arith.constant 0 : i32
          %dma_start3A_35 = arith.constant 0 : i32
          %dma_start3A_36 = tpu.memref_slice %arg2[%dma_start3A_34, %dma_start3A_35] : memref<10240x128xf32, #tpu.memory_space<hbm>> -> memref<10240x128xf32, #tpu.memory_space<hbm>>
          tpu.enqueue_indirect_dma source(%dma_start3A_36 : memref<10240x128xf32, #tpu.memory_space<hbm>>) target(%arg11 : memref<128x128xf32, #tpu.memory_space<vmem>>) offsets(%dma_start3A_33 : memref<128xi32, #tpu.memory_space<vmem>>) semaphore(%run_scoped3A : memref<!tpu.dma_semaphore, #tpu.memory_space<semaphore_mem>>)
          %dma_wait3A = arith.constant 0 : i32
          %dma_wait3A_37 = tpu.memref_slice %arg9[%scan3A_29, %dma_wait3A] : memref<120x128xi32, #tpu.memory_space<vmem>> -> memref<1x128xi32, #tpu.memory_space<vmem>>
          %dma_wait3A_38 = tpu.memref_squeeze %dma_wait3A_37 : memref<1x128xi32, #tpu.memory_space<vmem>> -> memref<128xi32, #tpu.memory_space<vmem>>
          %dma_wait3A_39 = arith.constant 0 : i32
          %dma_wait3A_40 = arith.constant 0 : i32
          %dma_wait3A_41 = tpu.memref_slice %arg2[%dma_wait3A_39, %dma_wait3A_40] : memref<10240x128xf32, #tpu.memory_space<hbm>> -> memref<10240x128xf32, #tpu.memory_space<hbm>>
          tpu.wait_indirect_dma semaphore(%run_scoped3A : memref<!tpu.dma_semaphore, #tpu.memory_space<semaphore_mem>>) src(%dma_wait3A_41 : memref<10240x128xf32, #tpu.memory_space<hbm>>) dst(%arg11 : memref<128x128xf32, #tpu.memory_space<vmem>>)
          tpu.yield
        }) : () -> ()
        "tpu.region"() ({
          %run_scoped3A = tpu.sem_alloc : memref<!tpu.dma_semaphore, #tpu.memory_space<semaphore_mem>>
          %dma_start3A = arith.constant 0 : i32
          %dma_start3A_32 = tpu.memref_slice %arg10[%scan3A_29, %dma_start3A] : memref<120x128xi32, #tpu.memory_space<vmem>> -> memref<1x128xi32, #tpu.memory_space<vmem>>
          %dma_start3A_33 = tpu.memref_squeeze %dma_start3A_32 : memref<1x128xi32, #tpu.memory_space<vmem>> -> memref<128xi32, #tpu.memory_space<vmem>>
          %dma_start3A_34 = arith.constant 0 : i32
          %dma_start3A_35 = arith.constant 0 : i32
          %dma_start3A_36 = tpu.memref_slice %arg12[%dma_start3A_34, %dma_start3A_35] : memref<10240x128xf32, #tpu.memory_space<vmem_shared>> -> memref<10240x128xf32, #tpu.memory_space<vmem_shared>>
          tpu.enqueue_indirect_dma source(%arg11 : memref<128x128xf32, #tpu.memory_space<vmem>>) target(%dma_start3A_36 : memref<10240x128xf32, #tpu.memory_space<vmem_shared>>) offsets(%dma_start3A_33 : memref<128xi32, #tpu.memory_space<vmem>>) semaphore(%run_scoped3A : memref<!tpu.dma_semaphore, #tpu.memory_space<semaphore_mem>>) {add = true}
          %dma_wait3A = arith.constant 0 : i32
          %dma_wait3A_37 = tpu.memref_slice %arg10[%scan3A_29, %dma_wait3A] : memref<120x128xi32, #tpu.memory_space<vmem>> -> memref<1x128xi32, #tpu.memory_space<vmem>>
          %dma_wait3A_38 = tpu.memref_squeeze %dma_wait3A_37 : memref<1x128xi32, #tpu.memory_space<vmem>> -> memref<128xi32, #tpu.memory_space<vmem>>
          %dma_wait3A_39 = arith.constant 0 : i32
          %dma_wait3A_40 = arith.constant 0 : i32
          %dma_wait3A_41 = tpu.memref_slice %arg12[%dma_wait3A_39, %dma_wait3A_40] : memref<10240x128xf32, #tpu.memory_space<vmem_shared>> -> memref<10240x128xf32, #tpu.memory_space<vmem_shared>>
          tpu.wait_indirect_dma semaphore(%run_scoped3A : memref<!tpu.dma_semaphore, #tpu.memory_space<semaphore_mem>>) src(%arg11 : memref<128x128xf32, #tpu.memory_space<vmem>>) dst(%dma_wait3A_41 : memref<10240x128xf32, #tpu.memory_space<vmem_shared>>)
          tpu.yield
        }) : () -> ()
        %scan3A_31 = arith.constant 0 : i32
        scf.yield %scan3A_31 : i32
      }
      %scan3A_28 = arith.constant 40 : i32
    } else {
    }
    %barrier3A_18 = arith.constant 0 : index
    tpu.barrier barrier_id(%barrier3A_18)
    %mul3A_19 = arith.constant 640 : i32
    %mul3A_20 = arith.muli %arg1, %mul3A_19 : i32
    %mul3A_21 = arith.constant 640 : i32
    %mul3A_22 = arith.muli %arg1, %mul3A_21 : i32
    "tpu.region"() ({
      %run_scoped3A = tpu.sem_alloc : memref<!tpu.dma_semaphore, #tpu.memory_space<semaphore_mem>>
      %dma_start3A = arith.constant 0 : i32
      %dma_start3A_23 = tpu.memref_slice %arg8[%arg0, %mul3A_22, %dma_start3A] : memref<2x10240x128xf32, #tpu.memory_space<hbm>> -> memref<1x640x128xf32, #tpu.memory_space<hbm>>
      %dma_start3A_24 = tpu.memref_squeeze %dma_start3A_23 : memref<1x640x128xf32, #tpu.memory_space<hbm>> -> memref<640x128xf32, #tpu.memory_space<hbm>>
      %dma_start3A_25 = arith.constant 0 : i32
      %dma_start3A_26 = tpu.memref_slice %arg12[%mul3A_20, %dma_start3A_25] : memref<10240x128xf32, #tpu.memory_space<vmem_shared>> -> memref<640x128xf32, #tpu.memory_space<vmem_shared>>
      tpu.enqueue_dma source(%dma_start3A_26 : memref<640x128xf32, #tpu.memory_space<vmem_shared>>) target(%dma_start3A_24 : memref<640x128xf32, #tpu.memory_space<hbm>>) target_semaphore(%run_scoped3A : memref<!tpu.dma_semaphore, #tpu.memory_space<semaphore_mem>>)
      %dma_wait3A = arith.constant 0 : i32
      %dma_wait3A_27 = tpu.memref_slice %arg8[%arg0, %mul3A_22, %dma_wait3A] : memref<2x10240x128xf32, #tpu.memory_space<hbm>> -> memref<1x640x128xf32, #tpu.memory_space<hbm>>
      %dma_wait3A_28 = tpu.memref_squeeze %dma_wait3A_27 : memref<1x640x128xf32, #tpu.memory_space<hbm>> -> memref<640x128xf32, #tpu.memory_space<hbm>>
      %dma_wait3A_29 = arith.constant 0 : i32
      %dma_wait3A_30 = tpu.memref_slice %arg12[%mul3A_20, %dma_wait3A_29] : memref<10240x128xf32, #tpu.memory_space<vmem_shared>> -> memref<640x128xf32, #tpu.memory_space<vmem_shared>>
      tpu.wait_dma2 semaphore(%run_scoped3A : memref<!tpu.dma_semaphore, #tpu.memory_space<semaphore_mem>>) src(%dma_wait3A_30 : memref<640x128xf32, #tpu.memory_space<vmem_shared>>) dst(%dma_wait3A_28 : memref<640x128xf32, #tpu.memory_space<hbm>>)
      tpu.yield
    }) : () -> ()
    return
  }
}

module attributes {stable_mosaic.version = 14 : i64} {
  func.func @_tc_body(%arg0: i32, %arg1: memref<2x1280x128xf32, #tpu.memory_space<vmem>>, %arg2: memref<2x1280x128xf32, #tpu.memory_space<vmem>>, %arg3: memref<1280x128xf32, #tpu.memory_space<vmem>>, %arg4: memref<128x128xf32, #tpu.memory_space<vmem>>, %arg5: memref<128x128xf32, #tpu.memory_space<vmem>>, %arg6: memref<1x128xf32, #tpu.memory_space<vmem>>, %arg7: memref<1280x128xf32, #tpu.memory_space<vmem>>) attributes {dimension_semantics = [#tpu.dimension_semantics<arbitrary>], iteration_bounds = array<i64: 8>, scalar_prefetch = 0 : i64, scratch_operands = 0 : i64, tpu.core_type = #tpu.core_type<tc>, window_params = [{transform_indices = @transform_0, window_bounds = array<i64: 2, 1280, 128>}, {transform_indices = @transform_1, window_bounds = array<i64: 2, 1280, 128>}, {transform_indices = @transform_2, window_bounds = array<i64: 1280, 128>}, {pipeline_mode = #tpu.pipeline_mode<synchronous>, transform_indices = @transform_3, window_bounds = array<i64: 128, 128>}, {pipeline_mode = #tpu.pipeline_mode<synchronous>, transform_indices = @transform_4, window_bounds = array<i64: 128, 128>}, {pipeline_mode = #tpu.pipeline_mode<synchronous>, transform_indices = @transform_5, window_bounds = array<i64: 1, 128>}, {transform_indices = @transform_6, window_bounds = array<i64: 1280, 128>}]} {
    %get3A = arith.constant 0 : index
    %get3A_0 = arith.constant 0 : index
    %get3A_1 = arith.constant 0 : index
    %get3A_2 = vector.load %arg2[%get3A, %get3A_0, %get3A_1] : memref<2x1280x128xf32, #tpu.memory_space<vmem>>, vector<1x1280x128xf32>
    %get3A_3 = vector.shape_cast %get3A_2 : vector<1x1280x128xf32> to vector<1280x128xf32>
    %get3A_4 = arith.constant 1 : index
    %get3A_5 = arith.constant 0 : index
    %get3A_6 = arith.constant 0 : index
    %get3A_7 = vector.load %arg2[%get3A_4, %get3A_5, %get3A_6] : memref<2x1280x128xf32, #tpu.memory_space<vmem>>, vector<1x1280x128xf32>
    %get3A_8 = vector.shape_cast %get3A_7 : vector<1x1280x128xf32> to vector<1280x128xf32>
    %add3A = arith.addf %get3A_3, %get3A_8 : vector<1280x128xf32>
    %slice3A = vector.extract_strided_slice %add3A {offsets = [0, 0], sizes = [1280, 1], strides = [1, 1]} : vector<1280x128xf32> to vector<1280x1xf32>
    %max3A = arith.constant 1.000000e+00 : f32
    %max3A_9 = vector.broadcast %max3A : f32 to vector<1280x1xf32>
    %max3A_10 = arith.maximumf %slice3A, %max3A_9 : vector<1280x1xf32>
    %div3A = arith.constant 1.000000e+00 : f32
    %div3A_11 = vector.broadcast %div3A : f32 to vector<1280x1xf32>
    %div3A_12 = arith.divf %div3A_11, %max3A_10 : vector<1280x1xf32>
    %get3A_13 = arith.constant 0 : index
    %get3A_14 = arith.constant 0 : index
    %get3A_15 = arith.constant 0 : index
    %get3A_16 = vector.load %arg1[%get3A_13, %get3A_14, %get3A_15] : memref<2x1280x128xf32, #tpu.memory_space<vmem>>, vector<1x1280x128xf32>
    %get3A_17 = vector.shape_cast %get3A_16 : vector<1x1280x128xf32> to vector<1280x128xf32>
    %get3A_18 = arith.constant 1 : index
    %get3A_19 = arith.constant 0 : index
    %get3A_20 = arith.constant 0 : index
    %get3A_21 = vector.load %arg1[%get3A_18, %get3A_19, %get3A_20] : memref<2x1280x128xf32, #tpu.memory_space<vmem>>, vector<1x1280x128xf32>
    %get3A_22 = vector.shape_cast %get3A_21 : vector<1x1280x128xf32> to vector<1280x128xf32>
    %add3A_23 = arith.addf %get3A_17, %get3A_22 : vector<1280x128xf32>
    %mul3A = vector.broadcast %div3A_12 : vector<1280x1xf32> to vector<1280x128xf32>
    %mul3A_24 = arith.mulf %add3A_23, %mul3A : vector<1280x128xf32>
    %get3A_25 = arith.constant 0 : index
    %get3A_26 = arith.constant 0 : index
    %get3A_27 = vector.load %arg4[%get3A_25, %get3A_26] : memref<128x128xf32, #tpu.memory_space<vmem>>, vector<128x128xf32>
    %dot_general3A = arith.constant dense<0.000000e+00> : vector<1280x128xf32>
    %dot_general3A_28 = tpu.matmul %mul3A_24, %get3A_27, %dot_general3A {dimension_numbers = #tpu.dot_dimension_numbers<[1], [1], [0], [0], [0, 0, 1, 0], [], []>, transpose_lhs_hint = false} : vector<1280x128xf32>, vector<128x128xf32>, vector<1280x128xf32> -> vector<1280x128xf32>
    %get3A_29 = arith.constant 0 : index
    %get3A_30 = arith.constant 0 : index
    %get3A_31 = vector.load %arg3[%get3A_29, %get3A_30] : memref<1280x128xf32, #tpu.memory_space<vmem>>, vector<1280x128xf32>
    %get3A_32 = arith.constant 0 : index
    %get3A_33 = arith.constant 0 : index
    %get3A_34 = vector.load %arg5[%get3A_32, %get3A_33] : memref<128x128xf32, #tpu.memory_space<vmem>>, vector<128x128xf32>
    %dot_general3A_35 = arith.constant dense<0.000000e+00> : vector<1280x128xf32>
    %dot_general3A_36 = tpu.matmul %get3A_31, %get3A_34, %dot_general3A_35 {dimension_numbers = #tpu.dot_dimension_numbers<[1], [1], [0], [0], [0, 0, 1, 0], [], []>, transpose_lhs_hint = false} : vector<1280x128xf32>, vector<128x128xf32>, vector<1280x128xf32> -> vector<1280x128xf32>
    %add3A_37 = arith.addf %dot_general3A_28, %dot_general3A_36 : vector<1280x128xf32>
    %get3A_38 = arith.constant 0 : index
    %get3A_39 = arith.constant 0 : index
    %get3A_40 = vector.load %arg6[%get3A_38, %get3A_39] : memref<1x128xf32, #tpu.memory_space<vmem>>, vector<1x128xf32>
    %add3A_41 = vector.broadcast %get3A_40 : vector<1x128xf32> to vector<1280x128xf32>
    %add3A_42 = arith.addf %add3A_37, %add3A_41 : vector<1280x128xf32>
    %max3A_43 = arith.constant 0.000000e+00 : f32
    %max3A_44 = vector.broadcast %max3A_43 : f32 to vector<1280x128xf32>
    %max3A_45 = arith.maximumf %add3A_42, %max3A_44 : vector<1280x128xf32>
    %swap3A = arith.constant 0 : index
    %swap3A_46 = arith.constant 0 : index
    %swap3A_47 = vector.load %arg7[%swap3A, %swap3A_46] : memref<1280x128xf32, #tpu.memory_space<vmem>>, vector<1280x128xf32>
    tpu.vector_store %arg7[%swap3A, %swap3A_46], %max3A_45 {strides = array<i32>} : memref<1280x128xf32, #tpu.memory_space<vmem>>, vector<1280x128xf32>,
    return
  }
  func.func @transform_0(%arg0: i32) -> (i32, i32, i32) {
    %c0_i32 = arith.constant 0 : i32
    %c0_i32_0 = arith.constant 0 : i32
    %c0_i32_1 = arith.constant 0 : i32
    return %c0_i32, %arg0, %c0_i32_0 : i32, i32, i32
  }
  func.func @transform_1(%arg0: i32) -> (i32, i32, i32) {
    %c0_i32 = arith.constant 0 : i32
    %c0_i32_0 = arith.constant 0 : i32
    %c0_i32_1 = arith.constant 0 : i32
    return %c0_i32, %arg0, %c0_i32_0 : i32, i32, i32
  }
  func.func @transform_2(%arg0: i32) -> (i32, i32) {
    %c0_i32 = arith.constant 0 : i32
    %c0_i32_0 = arith.constant 0 : i32
    return %arg0, %c0_i32 : i32, i32
  }
  func.func @transform_3(%arg0: i32) -> (i32, i32) {
    %c0_i32 = arith.constant 0 : i32
    %c0_i32_0 = arith.constant 0 : i32
    %c0_i32_1 = arith.constant 0 : i32
    return %c0_i32, %c0_i32_0 : i32, i32
  }
  func.func @transform_4(%arg0: i32) -> (i32, i32) {
    %c0_i32 = arith.constant 0 : i32
    %c0_i32_0 = arith.constant 0 : i32
    %c0_i32_1 = arith.constant 0 : i32
    return %c0_i32, %c0_i32_0 : i32, i32
  }
  func.func @transform_5(%arg0: i32) -> (i32, i32) {
    %c0_i32 = arith.constant 0 : i32
    %c0_i32_0 = arith.constant 0 : i32
    %c0_i32_1 = arith.constant 0 : i32
    return %c0_i32, %c0_i32_0 : i32, i32
  }
  func.func @transform_6(%arg0: i32) -> (i32, i32) {
    %c0_i32 = arith.constant 0 : i32
    %c0_i32_0 = arith.constant 0 : i32
    return %arg0, %c0_i32 : i32, i32
  }
}

module attributes {stable_mosaic.version = 14 : i64} {
  func.func @_tc_body(%arg0: i32, %arg1: memref<2x1280x128xf32, #tpu.memory_space<vmem>>, %arg2: memref<2x1280x128xf32, #tpu.memory_space<vmem>>, %arg3: memref<1280x128xf32, #tpu.memory_space<vmem>>, %arg4: memref<128x128xf32, #tpu.memory_space<vmem>>, %arg5: memref<128x128xf32, #tpu.memory_space<vmem>>, %arg6: memref<1x128xf32, #tpu.memory_space<vmem>>, %arg7: memref<1280x128xf32, #tpu.memory_space<vmem>>) attributes {dimension_semantics = [#tpu.dimension_semantics<arbitrary>], iteration_bounds = array<i64: 8>, scalar_prefetch = 0 : i64, scratch_operands = 0 : i64, tpu.core_type = #tpu.core_type<tc>, window_params = [{transform_indices = @transform_0, window_bounds = array<i64: 2, 1280, 128>}, {transform_indices = @transform_1, window_bounds = array<i64: 2, 1280, 128>}, {transform_indices = @transform_2, window_bounds = array<i64: 1280, 128>}, {pipeline_mode = #tpu.pipeline_mode<synchronous>, transform_indices = @transform_3, window_bounds = array<i64: 128, 128>}, {pipeline_mode = #tpu.pipeline_mode<synchronous>, transform_indices = @transform_4, window_bounds = array<i64: 128, 128>}, {pipeline_mode = #tpu.pipeline_mode<synchronous>, transform_indices = @transform_5, window_bounds = array<i64: 1, 128>}, {transform_indices = @transform_6, window_bounds = array<i64: 1280, 128>}]} {
    %get3A = arith.constant 0 : index
    %get3A_0 = arith.constant 0 : index
    %get3A_1 = arith.constant 0 : index
    %get3A_2 = vector.load %arg2[%get3A, %get3A_0, %get3A_1] : memref<2x1280x128xf32, #tpu.memory_space<vmem>>, vector<1x1280x128xf32>
    %get3A_3 = vector.shape_cast %get3A_2 : vector<1x1280x128xf32> to vector<1280x128xf32>
    %get3A_4 = arith.constant 1 : index
    %get3A_5 = arith.constant 0 : index
    %get3A_6 = arith.constant 0 : index
    %get3A_7 = vector.load %arg2[%get3A_4, %get3A_5, %get3A_6] : memref<2x1280x128xf32, #tpu.memory_space<vmem>>, vector<1x1280x128xf32>
    %get3A_8 = vector.shape_cast %get3A_7 : vector<1x1280x128xf32> to vector<1280x128xf32>
    %add3A = arith.addf %get3A_3, %get3A_8 : vector<1280x128xf32>
    %slice3A = vector.extract_strided_slice %add3A {offsets = [0, 0], sizes = [1280, 1], strides = [1, 1]} : vector<1280x128xf32> to vector<1280x1xf32>
    %max3A = arith.constant 1.000000e+00 : f32
    %max3A_9 = vector.broadcast %max3A : f32 to vector<1280x1xf32>
    %max3A_10 = arith.maximumf %slice3A, %max3A_9 : vector<1280x1xf32>
    %div3A = arith.constant 1.000000e+00 : f32
    %div3A_11 = vector.broadcast %div3A : f32 to vector<1280x1xf32>
    %div3A_12 = arith.divf %div3A_11, %max3A_10 : vector<1280x1xf32>
    %get3A_13 = arith.constant 0 : index
    %get3A_14 = arith.constant 0 : index
    %get3A_15 = arith.constant 0 : index
    %get3A_16 = vector.load %arg1[%get3A_13, %get3A_14, %get3A_15] : memref<2x1280x128xf32, #tpu.memory_space<vmem>>, vector<1x1280x128xf32>
    %get3A_17 = vector.shape_cast %get3A_16 : vector<1x1280x128xf32> to vector<1280x128xf32>
    %get3A_18 = arith.constant 1 : index
    %get3A_19 = arith.constant 0 : index
    %get3A_20 = arith.constant 0 : index
    %get3A_21 = vector.load %arg1[%get3A_18, %get3A_19, %get3A_20] : memref<2x1280x128xf32, #tpu.memory_space<vmem>>, vector<1x1280x128xf32>
    %get3A_22 = vector.shape_cast %get3A_21 : vector<1x1280x128xf32> to vector<1280x128xf32>
    %add3A_23 = arith.addf %get3A_17, %get3A_22 : vector<1280x128xf32>
    %mul3A = vector.broadcast %div3A_12 : vector<1280x1xf32> to vector<1280x128xf32>
    %mul3A_24 = arith.mulf %add3A_23, %mul3A : vector<1280x128xf32>
    %get3A_25 = arith.constant 0 : index
    %get3A_26 = arith.constant 0 : index
    %get3A_27 = vector.load %arg4[%get3A_25, %get3A_26] : memref<128x128xf32, #tpu.memory_space<vmem>>, vector<128x128xf32>
    %dot_general3A = arith.constant dense<0.000000e+00> : vector<1280x128xf32>
    %dot_general3A_28 = tpu.matmul %mul3A_24, %get3A_27, %dot_general3A {dimension_numbers = #tpu.dot_dimension_numbers<[1], [1], [0], [0], [0, 0, 1, 0], [], []>, transpose_lhs_hint = false} : vector<1280x128xf32>, vector<128x128xf32>, vector<1280x128xf32> -> vector<1280x128xf32>
    %get3A_29 = arith.constant 0 : index
    %get3A_30 = arith.constant 0 : index
    %get3A_31 = vector.load %arg3[%get3A_29, %get3A_30] : memref<1280x128xf32, #tpu.memory_space<vmem>>, vector<1280x128xf32>
    %get3A_32 = arith.constant 0 : index
    %get3A_33 = arith.constant 0 : index
    %get3A_34 = vector.load %arg5[%get3A_32, %get3A_33] : memref<128x128xf32, #tpu.memory_space<vmem>>, vector<128x128xf32>
    %dot_general3A_35 = arith.constant dense<0.000000e+00> : vector<1280x128xf32>
    %dot_general3A_36 = tpu.matmul %get3A_31, %get3A_34, %dot_general3A_35 {dimension_numbers = #tpu.dot_dimension_numbers<[1], [1], [0], [0], [0, 0, 1, 0], [], []>, transpose_lhs_hint = false} : vector<1280x128xf32>, vector<128x128xf32>, vector<1280x128xf32> -> vector<1280x128xf32>
    %add3A_37 = arith.addf %dot_general3A_28, %dot_general3A_36 : vector<1280x128xf32>
    %get3A_38 = arith.constant 0 : index
    %get3A_39 = arith.constant 0 : index
    %get3A_40 = vector.load %arg6[%get3A_38, %get3A_39] : memref<1x128xf32, #tpu.memory_space<vmem>>, vector<1x128xf32>
    %add3A_41 = vector.broadcast %get3A_40 : vector<1x128xf32> to vector<1280x128xf32>
    %add3A_42 = arith.addf %add3A_37, %add3A_41 : vector<1280x128xf32>
    %swap3A = arith.constant 0 : index
    %swap3A_43 = arith.constant 0 : index
    %swap3A_44 = vector.load %arg7[%swap3A, %swap3A_43] : memref<1280x128xf32, #tpu.memory_space<vmem>>, vector<1280x128xf32>
    tpu.vector_store %arg7[%swap3A, %swap3A_43], %add3A_42 {strides = array<i32>} : memref<1280x128xf32, #tpu.memory_space<vmem>>, vector<1280x128xf32>,
    return
  }
  func.func @transform_0(%arg0: i32) -> (i32, i32, i32) {
    %c0_i32 = arith.constant 0 : i32
    %c0_i32_0 = arith.constant 0 : i32
    %c0_i32_1 = arith.constant 0 : i32
    return %c0_i32, %arg0, %c0_i32_0 : i32, i32, i32
  }
  func.func @transform_1(%arg0: i32) -> (i32, i32, i32) {
    %c0_i32 = arith.constant 0 : i32
    %c0_i32_0 = arith.constant 0 : i32
    %c0_i32_1 = arith.constant 0 : i32
    return %c0_i32, %arg0, %c0_i32_0 : i32, i32, i32
  }
  func.func @transform_2(%arg0: i32) -> (i32, i32) {
    %c0_i32 = arith.constant 0 : i32
    %c0_i32_0 = arith.constant 0 : i32
    return %arg0, %c0_i32 : i32, i32
  }
  func.func @transform_3(%arg0: i32) -> (i32, i32) {
    %c0_i32 = arith.constant 0 : i32
    %c0_i32_0 = arith.constant 0 : i32
    %c0_i32_1 = arith.constant 0 : i32
    return %c0_i32, %c0_i32_0 : i32, i32
  }
  func.func @transform_4(%arg0: i32) -> (i32, i32) {
    %c0_i32 = arith.constant 0 : i32
    %c0_i32_0 = arith.constant 0 : i32
    %c0_i32_1 = arith.constant 0 : i32
    return %c0_i32, %c0_i32_0 : i32, i32
  }
  func.func @transform_5(%arg0: i32) -> (i32, i32) {
    %c0_i32 = arith.constant 0 : i32
    %c0_i32_0 = arith.constant 0 : i32
    %c0_i32_1 = arith.constant 0 : i32
    return %c0_i32, %c0_i32_0 : i32, i32
  }
  func.func @transform_6(%arg0: i32) -> (i32, i32) {
    %c0_i32 = arith.constant 0 : i32
    %c0_i32_0 = arith.constant 0 : i32
    return %arg0, %c0_i32 : i32, i32
  }
}

</mosaic_0001>

<sc_bundles>
// kernel: kernel.12.cloned.1.call-start
scs
__scs_entry_jumppad:
0x0: {  	(pc) =	sbr.rel $0x88, $3  }
0x1: {  	(tag) =	ssettag $0x0;
	lr =	simm.s32 $0x1  }
0x2: {  	[smem:$0x3F95] =	sst lr;
	_ =	strace $0xD0000000  }
0x3: {  	_ = 	snop  }
0x4: {  	_ = 	snop  }
0x5: {  	_ = 	snop  }
0x6: {  	_ = 	snop  }
0x7: {  	_ = 	snop  }
__scs_overlays_trampoline_lowered:
0x8: {  	[smem:$0x3FA4] =	sst s0  }
0x9: {  	[smem:$0x3FA5] =	sst s1  }
0xa: {  	[smem:$0x3FA6] =	sst s2  }
0xb: {  	[smem:$0x3FA7] =	sst s3  }
0xc: {  	[smem:$0x3FA8] =	sst s4  }
0xd: {  	[smem:$0x3FA9] =	sst s5  }
0xe: {  	[smem:$0x3FAA] =	sst s6  }
0xf: {  	[smem:$0x3FAB] =	sst s7  }
0x10: {  	[smem:$0x3FAC] =	sst s8  }
0x11: {  	[smem:$0x3FAD] =	sst s9;
	s0 =	simm.s32 @!p0 $0x0  }
0x12: {  	s1 =	sld [smem:$0x3F93];
	s0 =	simm.s32 @p0 $0x1  }
0x13: {  	[smem:$0x3FAE] =	sst s0;
	s0 =	simm.s32 @!p1 $0x0  }
0x14: {  	s2 =	sld [smem:$0x3F92];
	s0 =	simm.s32 @p1 $0x1  }
0x15: {  	[smem:$0x3FAF] =	sst s0;
	s0 =	simm.s32 @!p2 $0x0  }
0x16: {  	s3 =	sld [smem:$0x3FDB];
	s0 =	simm.s32 @p2 $0x1  }
0x17: {  	s4 =	simm.s32 $0x1BF5;
	[smem:$0x3FB1] =	sst s0  }
0x18: {  	s0 =	sld [smem:$0x3F94];
	_ =	swait.ge [sflag:s4], $0x0  }
0x19: {  	s7 =	sld [smem:$0x3F95]  }
0x1a: {  	s8 =	sadd.s32 $0xFFFFE003, lr  }
0x1b: {  	s9 =	sadd.s32 $0xFFFFFEF7, lr;
	s5 =	simm.s32 $0xFFFFFFFF;
	p2 =	slt.u32 s8, $0xFFFFF086  }
0x1c: {  	p1 =	slt.u32 s9, $0xF7A;
	s5 =	simm.s32 @!p2 $0x0  }
0x1d: {  	s5 =	simm.s32 @p1 $0x1;
	p0 =	seq.s32 s7, s2  }
0x1e: {  	s7 =	smul.u32 @!p0 $0xF7A, s2;
	p2 =	seq.s32 @!p0 s5, $0x0  }
0x1f: {  	s9 =	smul.u32 $0xF7A, s1;
	s8 =	simm.s32 @!p0 $0x1BF5;
	p2 =	por !p2, p0  }
0x20: {  	[sflag:s8] =	ssyncset.s32 @!p0 $0xFFFFF086;
	s6 =	sadd.s32 @!p0 s3, s7;
	s7 =	simm.s32 @!p0 $0x108  }
0x21: {  	s3 =	sadd.s32 s3, s9;
	s6 =	sadd.s32 @!p0 $0x88, s6;
	s7 =	simm.s32 @p2 $0x1082  }
0x22: {  	[simem:s7], [sflag:s8] =	dma.local @!p0 [hbm:s6], $0xF7A  }
0x23: {  	s9 =	sor.u32 $0xD0000000, s2;
	s6 =	simm.s32 $0x108;
	_ =	swait.ge @!p0 [sflag:s8], $0x0  }
0x24: {  	s3 =	sadd.s32 $0x88, s3;
	s6 =	simm.s32 @!p1 $0x1082;
	[sflag:s4] =	ssyncset.s32 $0xFFFFF086  }
0x25: {  	[simem:s6], [sflag:s4] =	dma.local [hbm:s3], $0xF7A  }
0x26: {  	[smem:$0x3F95] =	sst s1;
	(tag) =	ssettag s2;
	_ =	strace s9  }
0x27: {  	s1 =	sld [smem:$0x3FA5]  }
0x28: {  	s2 =	sld [smem:$0x3FA6]  }
0x29: {  	s4 =	sld [smem:$0x3FA8]  }
0x2a: {  	p0 =	seq.s32 s5, $0x0;
	s5 =	sld [smem:$0x3FA9]  }
0x2b: {  	s6 =	sld [smem:$0x3FAA]  }
0x2c: {  	s7 =	sld [smem:$0x3FAB]  }
0x2d: {  	s3 =	simm.s32 $0x108;
	s8 =	sld [smem:$0x3FAC]  }
0x2e: {  	s3 =	simm.s32 @!p0 $0x1082;
	s9 =	sld [smem:$0x3FAD]  }
0x2f: {  	lr =	sadd.s32 s0, s3;
	s0 =	sld [smem:$0x3FA4]  }
0x30: {  	s3 =	sld [smem:$0x3FA7]  }
0x31: {  	[smem:$0x3FB0] =	sst s10  }
0x32: {  	s10 =	sld [smem:$0x3FAE];
	_ =	sdelay $0x3  }
0x33: {  	p0 =	seq.s32 s10, $0x1;
	s10 =	sld [smem:$0x3FB0];
	_ =	sdelay $0x3  }
0x34: {  	[smem:$0x3FB0] =	sst s10  }
0x35: {  	s10 =	sld [smem:$0x3FAF];
	_ =	sdelay $0x3  }
0x36: {  	p1 =	seq.s32 s10, $0x1;
	s10 =	sld [smem:$0x3FB0];
	_ =	sdelay $0x3  }
0x37: {  	[smem:$0x3FB0] =	sst s10  }
0x38: {  	s10 =	sld [smem:$0x3FB1]  }
0x39: {  	_ = 	snop;
	(pc) =	sbr.ind lr, $3  }
0x3a: {  	_ = 	snop  }
0x3b: {  	_ = 	snop  }
0x3c: {  	p2 =	seq.s32 s10, $0x1;
	s10 =	sld [smem:$0x3FB0]  }
0x3d: {  	_ =	shalt  }
0x3e: {  	_ =	shalt  }
0x3f: {  	_ =	shalt  }
0x40: {  	_ =	shalt  }
0x41: {  	_ =	shalt  }
0x42: {  	_ =	shalt  }
0x43: {  	_ =	shalt  }
0x44: {  	_ =	shalt  }
0x45: {  	_ =	shalt  }
0x46: {  	_ =	shalt  }
0x47: {  	_ =	shalt  }
0x48: {  	_ =	shalt  }
0x49: {  	_ =	shalt  }
0x4a: {  	_ =	shalt  }
0x4b: {  	_ =	shalt  }
0x4c: {  	_ =	shalt  }
0x4d: {  	_ =	shalt  }
0x4e: {  	_ =	shalt  }
0x4f: {  	_ =	shalt  }
0x50: {  	_ =	shalt  }
0x51: {  	_ =	shalt  }
0x52: {  	_ =	shalt  }
0x53: {  	_ =	shalt  }
0x54: {  	_ =	shalt  }
0x55: {  	_ =	shalt  }
0x56: {  	_ =	shalt  }
0x57: {  	_ =	shalt  }
0x58: {  	_ =	shalt  }
0x59: {  	_ =	shalt  }
0x5a: {  	_ =	shalt  }
0x5b: {  	_ =	shalt  }
0x5c: {  	_ =	shalt  }
0x5d: {  	_ =	shalt  }
0x5e: {  	_ =	shalt  }
0x5f: {  	_ =	shalt  }
0x60: {  	_ =	shalt  }
0x61: {  	_ =	shalt  }
0x62: {  	_ =	shalt  }
0x63: {  	_ =	shalt  }
0x64: {  	_ =	shalt  }
0x65: {  	_ =	shalt  }
0x66: {  	_ =	shalt  }
0x67: {  	_ =	shalt  }
0x68: {  	_ =	shalt  }
0x69: {  	_ =	shalt  }
0x6a: {  	_ =	shalt  }
0x6b: {  	_ =	shalt  }
0x6c: {  	_ =	shalt  }
0x6d: {  	_ =	shalt  }
0x6e: {  	_ =	shalt  }
0x6f: {  	_ =	shalt  }
0x70: {  	_ =	shalt  }
0x71: {  	_ =	shalt  }
0x72: {  	_ =	shalt  }
0x73: {  	_ =	shalt  }
0x74: {  	_ =	shalt  }
0x75: {  	_ =	shalt  }
0x76: {  	_ =	shalt  }
0x77: {  	_ =	shalt  }
0x78: {  	_ =	shalt  }
0x79: {  	_ =	shalt  }
0x7a: {  	_ =	shalt  }
0x7b: {  	_ =	shalt  }
0x7c: {  	_ =	shalt  }
0x7d: {  	_ =	shalt  }
0x7e: {  	_ =	shalt  }
0x7f: {  	_ =	shalt  }
0x80: {  	_ =	shalt  }
0x81: {  	_ =	shalt  }
0x82: {  	_ =	shalt  }
0x83: {  	_ =	shalt  }
0x84: {  	_ =	shalt  }
0x85: {  	_ =	shalt  }
0x86: {  	_ =	shalt  }
0x87: {  	_ =	shalt  }
.Lfunc_end0:
.L_simem_size_0:
called_computation.1_lowered:
.L_overlay_start_0:
0x88: {  	s2 =	sld [smem:$0x3FD9]  }
0x89: {  	s3 =	sld [smem:$0x3FFE];
	_ =	sdelay $0x1  }
0x8a: {  	s1 =	srdreg.scid  }
0x8b: {  	s0 =	sand.u32 $0x1, s1  }
0x8c: {  	s17 =	sshll.u32 s0, $0xA;
	s2 =	sadd.s32 s3, s2  }
0x8d: {  	s2 =	sadd.s32 s2, s17  }
0x8e: {  	[smem:$0x3FBC] =	sst s2  }
0x8f: {  	_ = 	snop  }
0x90: {  	s2 =	sld [smem:$0x3FD0];
	(tm) =	ssettm $0x1  }
0x91: {  	s18 =	sld [smem:$0x3FFB];
	_ =	sdelay $0x3  }
0x92: {  	_ =	strace s18  }
0x93: {  	s3 =	sld [smem:$0x3FFC];
	_ =	sdelay $0x3  }
0x94: {  	_ =	strace s3  }
0x95: {  	s3 =	sld [smem:$0x3FFD];
	_ =	sdelay $0x3  }
0x96: {  	_ =	strace s3  }
0x97: {  	_ =	strace $0x8FFFFFFF  }
0x98: {  	s19 =	sld [smem:$0x3FDB];
	_ =	sdelay $0x1  }
0x99: {  	s4 =	simm.s32 $_scs_section_size  }
0x9a: {  	s5 =	simm.s32 $_size__tile_overlayer_lowered;
	s6 =	simm.s32 $_tile_overlayer_lowered  }
0x9b: {  	s22 =	simm.s32 $0x1BFF;
	s21 =	sshll.u32 s6, $0x1;
	s3 =	sadd.s32 s4, s19  }
0x9c: {  	s7 =	simm.s32 $0x0;
	s20 =	sshll.u32 s5, $0x1;
	s5 =	sadd.s32 s21, s3  }
0x9d: {  	[timem:s7], [sflag:s22] =	dma.local [hbm:s5], s20  }
0x9e: {  	_ =	swait.ge [sflag:s22], s20  }
0x9f: {  	s4 =	ssub.s32 $0x0, s20;
	[sflag:s22] =	ssyncset.done $0x0  }
0xa0: {  	[sflag:s22] =	ssyncadd.s32 s4;
	_ =	sdelay $0x1  }
0xa1: {  	s23 =	simm.s32 $0x1B8B  }
0xa2: {  	_ =	swait.ge [sflag:s23], $0x1  }
0xa3: {  	[sflag:s23] =	ssyncset.done $0x0  }
0xa4: {  	s25 =	simm.s32 $0x1B8E;
	s24 =	sld [smem:$0x3FFE];
	[sflag:s23] =	ssyncadd.s32 $0xFFFFFFFF  }
0xa5: {  	s26 =	simm.s32 $execute0_lowered;
	[smem:$0x3FD2] =	sst s25  }
0xa6: {  	s5 =	sshll.u32 s26, $0x1;
	_ =	strace $0x80000049;
	[dreg:$0x1] =	wrdreg $0xFFFFFFFF  }
0xa7: {  	s28 =	simm.s32 $_size_execute0_lowered;
	s3 =	sadd.s32 s3, s5;
	[dreg:$0x0] =	wrdreg $0x0  }
0xa8: {  	s5 =	sshll.u32 s28, $0x1;
	[dreg:$0x2] =	wrdreg s3  }
0xa9: {  	[dreg:$0x3] =	wrdreg s5  }
0xaa: {  	[dreg:$0x4] =	wrdreg $0xC0  }
0xab: {  	_ =	task [dreg:s7], $0x5FFFF  }
0xac: {  	[dreg:$0x1] =	wrdreg $0xFFFFFFFF  }
0xad: {  	[dreg:$0x0] =	wrdreg $0x60  }
0xae: {  	[dreg:$0x2] =	wrdreg s24  }
0xaf: {  	[dreg:$0x3] =	wrdreg s2  }
0xb0: {  	[dreg:$0x4] =	wrdreg $0xB8000  }
0xb1: {  	[dreg:$0x5] =	wrdreg $0x9  }
0xb2: {  	_ =	task.clear_ibuf [dreg:s7], $0x6FFFF;
	_ =	strace $0x90000049  }
0xb3: {  	s29 =	simm.s32 $0x9;
	_ =	strace $0x8000004B  }
0xb4: {  	_ =	swait.ge [sflag:s29], $0x1  }
0xb5: {  	[sflag:s29] =	ssyncadd.s32 $0xFFFFFFFF  }
0xb6: {  	_ =	strace $0x9000004B  }
0xb7: {  	_ =	sfence  }
0xb8: {  	s30 =	sld [smem:$0x0];
	_ =	sdelay $0x2  }
0xb9: {  	s31 =	sshll.u32 s1, $0xD;
	s1 =	sshrl.u32 s1, $0x2  }
0xba: {  	s3 =	sand.u32 $0x4000, s31;
	s1 =	sadd.s32 s1, s30  }
0xbb: {  	s0 =	sor.u32 s3, s0;
	s1 =	sshll.u32 s1, $0x11  }
0xbc: {  	s0 =	sor.u32 s1, s0  }
0xbd: {  	s0 =	sadd.s32 $0x8F2B, s0  }
0xbe: {  	[sflag:s0] =	ssyncadd.remote.s32 $0x1  }
0xbf: {  	_ =	sfence.sel $0xFFFF  }
0xc0: {  	[dreg:$0x0] =	wrdreg $0xFFFFFFFF;
	(pc) =	sbr.abs _section_cstart, $3  }
0xc1: {  	[dreg:$0x1] =	wrdreg $0xFFFFFFFF  }
0xc2: {  	_ =	task.clear_ibuf [dreg:s7], $0x2FFFF;
	_ =	strace $0x9FFFFFFF  }
0xc3: {  	(tm) =	ssettm $0x7FFFFFFF  }
tec
execute0_lowered:
.L_overlay_start_1:
0x0: {  	(tag) =	ssettag $0x1  }
0x1: {  	s6 =	rddreg [dreg:$0x0]  }
0x2: {  	s10 =	rddreg [dreg:$0x1]  }
0x3: {  	s0 =	stileid.u32;
	s1 =	srdreg.scid  }
0x4: {  	s2 =	rddreg [dreg:$0x2];
	s3 =	simm.s32 $0x0;
	s11 =	smul.u32 $0x780, s0  }
0x5: {  	s13 =	sand.u32 $0x1, s1;
	s1 =	rddreg [dreg:$0x3];
	s7 =	smul.u32 $0x14000, s0  }
0x6: {  	[smem:$0x7FF] =	sst s3;
	s8 =	smul.u32 $0x280, s0  }
0x7: {  	s4 =	sadd.s32 $0x11A00, s6;
	s12 =	smul.u32 $0x50000, s0;
	s15 =	sshll.u32 s0, $0x6  }
0x8: {  	s5 =	smul.u32 $0x140000, s13;
	_ =	strace $0x8000004A;
	s30 =	ssub.s32 $0x2, s13  }
0x9: {  	p0 =	sne.s32 s13, $0x0;
	s9 =	sadd.s32 s11, s6;
	s8 =	sadd.s32 s8, s6  }
0xa: {  	s31 =	sshrl.u32 s30, $0x1;
	s12 =	sshrl.u32 s12, $0x2;
	s10 =	sadd.s32 s10, s11  }
0xb: {  	s5 =	sadd.s32 s7, s5;
	s16 =	ssub.s32 s30, s31;
	s17 =	sadd.s32 s12, s2  }
.Ltmp0:
0xc: {  	s9 =	sadd.s32 $0x8EA00, s9;
	s7 =	sshrl.u32 s5, $0x3;
	(pc) =	sbr.rel .LBB2_1-.Ltmp0, $4  }
0xd: {  	s5 =	sadd.s32 $0xF200, s6;
	s12 =	smax.u32 s16, $0x1;
	s13 =	sshrl.u32 s17, $0x3  }
0xe: {  	s16 =	simm.s32 $0x80;
	s17 =	simm.s32 $0x7800;
	s14 =	sadd.s32 s7, s6  }
0xf: {  	s6 =	sor.u32 $0x1C01, s15;
	s7 =	sadd.s32 $0x89A00, s8;
	s8 =	sadd.s32 $0x8C200, s8  }
0x10: {  	s15 =	simm.s32 $0x3C00;
	s11 =	sadd.s32 $0x96200, s14;
	s14 =	simm.s32 $0x1  }
.LBB2_7:
0x11: {  	s18 =	sshra.s32 s18, $0x2;
	[sflag:s14] =	ssyncadd.s32 $0xFFFFC000  }
0x12: {  	[tilespmem:s17], [sflag:$0x1] =	stream.indirect.gather [hbm4b:s4+s16], $0x80, s18, s16, $0xb8;
	[tilespmem:$0x1F800] =	vst v63  }
0x13: {  	_ =	swait.ge [sflag:s14], $0x4000  }
0x14: {  	[sflag:s14] =	ssyncset.done $0x0  }
0x15: {  	s18 =	sadd.s32 $0x3C00, s18;
	[sflag:s14] =	ssyncadd.s32 $0xFFFFC000  }
0x16: {  	[spmem:s2] =	stream.indirect.scatter.add.f32 [tilespmem:s17], [sflag:$0x1], $0x80, s18, s16, $0xb8;
	[tilespmem:$0x1F800] =	vst v63  }
0x17: {  	_ =	swait.ge [sflag:s14], $0x4000  }
0x18: {  	[sflag:s14] =	ssyncset.done $0x0  }
0x19: {  	[sflag:s14] =	ssyncadd.s32 $0xFFFFC000  }
.LBB2_8:
0x1a: {  	s3 =	sadd.s32 $0x1, s3  }
0x1b: {  	p1 =	sne.s32 s3, s12  }
.Ltmp1:
0x1c: {  	[bflag:$0x0] =	sbarrier.arrive $0xFFFF;
	(pc) =	sbr.rel @!p1 .LBB2_9-.Ltmp1, $4  }
0x1d: {  	[hbm:s11], [sflag:s6] =	dma.local [spmem:s13], $0x2800  }
0x1e: {  	_ =	swait.ge [sflag:s14], $0x2800  }
0x1f: {  	[sflag:s14] =	ssyncset.done $0x0  }
0x20: {  	[sflag:s14] =	ssyncadd.s32 $0xFFFFD800  }
.LBB2_1:
.Ltmp2:
0x21: {  	(pc) =	sbr.rel @p0 .LBB2_5-.Ltmp2, $4  }
0x22: {  	[spmem:s13], [sflag:s6] =	dma.local [hbm:s5], $0x2800  }
0x23: {  	_ =	swait.ge [sflag:s14], $0x2800  }
0x24: {  	[sflag:s14] =	ssyncset.done $0x0  }
0x25: {  	s18 =	simm.s32 $0x0;
	[sflag:s14] =	ssyncadd.s32 $0xFFFFD800  }
0x26: {  	[tilespmem:s18], [sflag:$0x1] =	stream.linear.gather [hbm4b:s9+s18], $0x3C00, $0x38;
	[tilespmem:$0x1F800] =	vst v63  }
0x27: {  	_ =	swait.ge [sflag:s14], $0x3C00  }
0x28: {  	[sflag:s14] =	ssyncset.done $0x0  }
0x29: {  	[sflag:s14] =	ssyncadd.s32 $0xFFFFC400  }
0x2a: {  	[tilespmem:s15], [sflag:$0x1] =	stream.linear.gather [hbm4b:s10+s18], $0x3C00, $0x38;
	[tilespmem:$0x1F800] =	vst v63  }
0x2b: {  	_ =	swait.ge [sflag:s14], $0x3C00  }
0x2c: {  	[sflag:s14] =	ssyncset.done $0x0  }
0x2d: {  	[sflag:s14] =	ssyncadd.s32 $0xFFFFC400  }
0x2e: {  	s30 =	simm.s32 $0x0;
	[bflag:$0x0] =	sbarrier.arrive $0xFFFF  }
0x2f: {  	[tilespmem:s17], [sflag:$0x1] =	stream.indirect.gather [hbm4b:s4+s16], $0x80, s30, s16, $0xb8;
	[tilespmem:$0x1F800] =	vst v63  }
0x30: {  	_ =	swait.ge [sflag:s14], $0x4000  }
0x31: {  	[sflag:s14] =	ssyncset.done $0x0  }
0x32: {  	s31 =	simm.s32 $0x3C00;
	[sflag:s14] =	ssyncadd.s32 $0xFFFFC000  }
0x33: {  	[spmem:s2] =	stream.indirect.scatter.add.f32 [tilespmem:s17], [sflag:$0x1], $0x80, s31, s16, $0xb8;
	[tilespmem:$0x1F800] =	vst v63  }
0x34: {  	_ =	swait.ge [sflag:s14], $0x4000  }
0x35: {  	s19 =	simm.s32 $0x400;
	s18 =	simm.s32 $0x200;
	[sflag:s14] =	ssyncset.done $0x0  }
.LBB2_3:
0x36: {  	s20 =	sshra.s32 s18, $0x2  }
0x37: {  	[sflag:s14] =	ssyncadd.s32 $0xFFFFC000;
	s18 =	smov.u32 s19;
	s21 =	sadd.s32 $0x200, s19  }
0x38: {  	[tilespmem:s17], [sflag:$0x1] =	stream.indirect.gather [hbm4b:s4+s16], $0x80, s20, s16, $0xb8;
	[tilespmem:$0x1F800] =	vst v63  }
0x39: {  	p1 =	seq.s32 s19, $0xEE00;
	_ =	swait.ge [sflag:s14], $0x4000  }
.Ltmp3:
0x3a: {  	[sflag:s14] =	ssyncset.done $0x0;
	(pc) =	sbr.rel @!p1 .LBB2_3-.Ltmp3, $4  }
0x3b: {  	s19 =	sadd.s32 $0x3C00, s20;
	[sflag:s14] =	ssyncadd.s32 $0xFFFFC000  }
0x3c: {  	[spmem:s2] =	stream.indirect.scatter.add.f32 [tilespmem:s17], [sflag:$0x1], $0x80, s19, s16, $0xb8;
	[tilespmem:$0x1F800] =	vst v63  }
0x3d: {  	_ =	swait.ge [sflag:s14], $0x4000  }
0x3e: {  	s19 =	smov.u32 s21;
	[sflag:s14] =	ssyncset.done $0x0  }
0x3f: {  	s18 =	sshra.s32 s18, $0x2;
	[sflag:s14] =	ssyncadd.s32 $0xFFFFC000  }
0x40: {  	[tilespmem:s17], [sflag:$0x1] =	stream.indirect.gather [hbm4b:s4+s16], $0x80, s18, s16, $0xb8;
	[tilespmem:$0x1F800] =	vst v63  }
0x41: {  	_ =	swait.ge [sflag:s14], $0x4000  }
0x42: {  	[sflag:s14] =	ssyncset.done $0x0  }
.Ltmp4:
0x43: {  	s18 =	sadd.s32 $0x3C00, s18;
	[sflag:s14] =	ssyncadd.s32 $0xFFFFC000;
	(pc) =	sbr.rel .LBB2_8-.Ltmp4, $4  }
0x44: {  	[spmem:s2] =	stream.indirect.scatter.add.f32 [tilespmem:s17], [sflag:$0x1], $0x80, s18, s16, $0xb8;
	[tilespmem:$0x1F800] =	vst v63  }
0x45: {  	_ =	swait.ge [sflag:s14], $0x4000  }
0x46: {  	[sflag:s14] =	ssyncset.done $0x0  }
0x47: {  	[sflag:s14] =	ssyncadd.s32 $0xFFFFC000  }
.LBB2_5:
0x48: {  	[tilespmem:s18], [sflag:$0x1] =	stream.linear.gather [hbm4b:s7+s18], $0x1400, $0x38;
	[tilespmem:$0x1F800] =	vst v63  }
0x49: {  	_ =	swait.ge [sflag:s14], $0x1400  }
0x4a: {  	[sflag:s14] =	ssyncset.done $0x0  }
0x4b: {  	[sflag:s14] =	ssyncadd.s32 $0xFFFFEC00  }
0x4c: {  	[tilespmem:s15], [sflag:$0x1] =	stream.linear.gather [hbm4b:s8+s18], $0x1400, $0x38;
	[tilespmem:$0x1F800] =	vst v63  }
0x4d: {  	_ =	swait.ge [sflag:s14], $0x1400  }
0x4e: {  	[sflag:s14] =	ssyncset.done $0x0  }
0x4f: {  	[sflag:s14] =	ssyncadd.s32 $0xFFFFEC00  }
0x50: {  	s30 =	simm.s32 $0x0;
	[bflag:$0x0] =	sbarrier.arrive $0xFFFF  }
0x51: {  	[tilespmem:s17], [sflag:$0x1] =	stream.indirect.gather [hbm4b:s4+s16], $0x80, s30, s16, $0xb8;
	[tilespmem:$0x1F800] =	vst v63  }
0x52: {  	_ =	swait.ge [sflag:s14], $0x4000  }
0x53: {  	[sflag:s14] =	ssyncset.done $0x0  }
0x54: {  	s31 =	simm.s32 $0x3C00;
	[sflag:s14] =	ssyncadd.s32 $0xFFFFC000  }
0x55: {  	[spmem:s2] =	stream.indirect.scatter.add.f32 [tilespmem:s17], [sflag:$0x1], $0x80, s31, s16, $0xb8;
	[tilespmem:$0x1F800] =	vst v63  }
0x56: {  	_ =	swait.ge [sflag:s14], $0x4000  }
0x57: {  	s19 =	simm.s32 $0x400;
	s18 =	simm.s32 $0x200;
	[sflag:s14] =	ssyncset.done $0x0  }
.LBB2_6:
0x58: {  	s20 =	sshra.s32 s18, $0x2  }
0x59: {  	[sflag:s14] =	ssyncadd.s32 $0xFFFFC000;
	s18 =	smov.u32 s19;
	s21 =	sadd.s32 $0x200, s19  }
0x5a: {  	[tilespmem:s17], [sflag:$0x1] =	stream.indirect.gather [hbm4b:s4+s16], $0x80, s20, s16, $0xb8;
	[tilespmem:$0x1F800] =	vst v63  }
0x5b: {  	p1 =	sne.s32 s19, $0x4E00;
	_ =	swait.ge [sflag:s14], $0x4000  }
.Ltmp5:
0x5c: {  	[sflag:s14] =	ssyncset.done $0x0;
	(pc) =	sbr.rel @p1 .LBB2_6-.Ltmp5, $4  }
0x5d: {  	s19 =	sadd.s32 $0x3C00, s20;
	[sflag:s14] =	ssyncadd.s32 $0xFFFFC000  }
0x5e: {  	[spmem:s2] =	stream.indirect.scatter.add.f32 [tilespmem:s17], [sflag:$0x1], $0x80, s19, s16, $0xb8;
	[tilespmem:$0x1F800] =	vst v63  }
0x5f: {  	_ =	swait.ge [sflag:s14], $0x4000  }
0x60: {  	s19 =	smov.u32 s21;
	[sflag:s14] =	ssyncset.done $0x0  }
.Ltmp6:
0x61: {  	_ = 	snop;
	(pc) =	sbr.rel .LBB2_7-.Ltmp6, $1  }
0x62: {  	_ =	sdelay $0x3  }
.LBB2_9:
0x63: {  	_ =	sfence.sel $0x180000  }
0x64: {  	[bflag:$0x0] =	sbarrier.arrive $0xFFFF  }
0x65: {  	p0 =	sne.s32 s0, $0x0;
	_ =	strace $0x9000004A  }
0x66: {  	s0 =	sadd.s32 @!p0 $0x100000, s1;
	[bflag:$0x2] =	sbarrier.arrive $0xFFFF  }
0x67: {  	[sflag:s0] =	ssyncadd.tile.s32 @!p0 $0x1;
	_ =	shalt  }
.Lfunc_end2:
_tile_overlayer_lowered:
.L_overlay_start_2:
0x68: {  	(tag) =	ssettag $0x2  }
0x69: {  	s0 =	rddreg [dreg:$0x0];
	s2 =	stileid.u32  }
0x6a: {  	s1 =	rddreg [dreg:$0x1];
	p0 =	sne.s32 s2, $0x0  }
0x6b: {  	s3 =	rddreg [dreg:$0x2];
	[bflag:$0x3] =	sbarrier.arrive $0xFFFF;
	s2 =	simm.s32 @!p0 $0x1C01  }
0x6c: {  	[timem:s3], [sflag:s2] =	dma.local @!p0 [hbm:s0], s1  }
0x6d: {  	s0 =	simm.s32 @!p0 $0x1  }
0x6e: {  	_ =	swait.ge @!p0 [sflag:s0], s1  }
0x6f: {  	s1 =	ssub.s32 @!p0 $0x0, s1;
	[sflag:s0] =	ssyncset.done @!p0 $0x0  }
0x70: {  	[sflag:s0] =	ssyncadd.s32 @!p0 s1  }
0x71: {  	[bflag:$0x3] =	sbarrier.arrive $0xFFFF  }
0x72: {  	_ =	shalt  }

// kernel: kernel.15.cloned.1.call-start
scs
__scs_entry_jumppad:
0x0: {  	(pc) =	sbr.rel $0x88, $3  }
0x1: {  	(tag) =	ssettag $0x0;
	lr =	simm.s32 $0x1  }
0x2: {  	[smem:$0x3F95] =	sst lr;
	_ =	strace $0xD0000000  }
0x3: {  	_ = 	snop  }
0x4: {  	_ = 	snop  }
0x5: {  	_ = 	snop  }
0x6: {  	_ = 	snop  }
0x7: {  	_ = 	snop  }
__scs_overlays_trampoline_lowered:
0x8: {  	[smem:$0x3FA4] =	sst s0  }
0x9: {  	[smem:$0x3FA5] =	sst s1  }
0xa: {  	[smem:$0x3FA6] =	sst s2  }
0xb: {  	[smem:$0x3FA7] =	sst s3  }
0xc: {  	[smem:$0x3FA8] =	sst s4  }
0xd: {  	[smem:$0x3FA9] =	sst s5  }
0xe: {  	[smem:$0x3FAA] =	sst s6  }
0xf: {  	[smem:$0x3FAB] =	sst s7  }
0x10: {  	[smem:$0x3FAC] =	sst s8  }
0x11: {  	[smem:$0x3FAD] =	sst s9;
	s0 =	simm.s32 @!p0 $0x0  }
0x12: {  	s1 =	sld [smem:$0x3F93];
	s0 =	simm.s32 @p0 $0x1  }
0x13: {  	[smem:$0x3FAE] =	sst s0;
	s0 =	simm.s32 @!p1 $0x0  }
0x14: {  	s2 =	sld [smem:$0x3F92];
	s0 =	simm.s32 @p1 $0x1  }
0x15: {  	[smem:$0x3FAF] =	sst s0;
	s0 =	simm.s32 @!p2 $0x0  }
0x16: {  	s3 =	sld [smem:$0x3FDB];
	s0 =	simm.s32 @p2 $0x1  }
0x17: {  	s4 =	simm.s32 $0x1BF5;
	[smem:$0x3FB1] =	sst s0  }
0x18: {  	s0 =	sld [smem:$0x3F94];
	_ =	swait.ge [sflag:s4], $0x0  }
0x19: {  	s7 =	sld [smem:$0x3F95]  }
0x1a: {  	s8 =	sadd.s32 $0xFFFFE003, lr  }
0x1b: {  	s9 =	sadd.s32 $0xFFFFFEF7, lr;
	s5 =	simm.s32 $0xFFFFFFFF;
	p2 =	slt.u32 s8, $0xFFFFF086  }
0x1c: {  	p1 =	slt.u32 s9, $0xF7A;
	s5 =	simm.s32 @!p2 $0x0  }
0x1d: {  	s5 =	simm.s32 @p1 $0x1;
	p0 =	seq.s32 s7, s2  }
0x1e: {  	s7 =	smul.u32 @!p0 $0xF7A, s2;
	p2 =	seq.s32 @!p0 s5, $0x0  }
0x1f: {  	s9 =	smul.u32 $0xF7A, s1;
	s8 =	simm.s32 @!p0 $0x1BF5;
	p2 =	por !p2, p0  }
0x20: {  	[sflag:s8] =	ssyncset.s32 @!p0 $0xFFFFF086;
	s6 =	sadd.s32 @!p0 s3, s7;
	s7 =	simm.s32 @!p0 $0x108  }
0x21: {  	s3 =	sadd.s32 s3, s9;
	s6 =	sadd.s32 @!p0 $0x88, s6;
	s7 =	simm.s32 @p2 $0x1082  }
0x22: {  	[simem:s7], [sflag:s8] =	dma.local @!p0 [hbm:s6], $0xF7A  }
0x23: {  	s9 =	sor.u32 $0xD0000000, s2;
	s6 =	simm.s32 $0x108;
	_ =	swait.ge @!p0 [sflag:s8], $0x0  }
0x24: {  	s3 =	sadd.s32 $0x88, s3;
	s6 =	simm.s32 @!p1 $0x1082;
	[sflag:s4] =	ssyncset.s32 $0xFFFFF086  }
0x25: {  	[simem:s6], [sflag:s4] =	dma.local [hbm:s3], $0xF7A  }
0x26: {  	[smem:$0x3F95] =	sst s1;
	(tag) =	ssettag s2;
	_ =	strace s9  }
0x27: {  	s1 =	sld [smem:$0x3FA5]  }
0x28: {  	s2 =	sld [smem:$0x3FA6]  }
0x29: {  	s4 =	sld [smem:$0x3FA8]  }
0x2a: {  	p0 =	seq.s32 s5, $0x0;
	s5 =	sld [smem:$0x3FA9]  }
0x2b: {  	s6 =	sld [smem:$0x3FAA]  }
0x2c: {  	s7 =	sld [smem:$0x3FAB]  }
0x2d: {  	s3 =	simm.s32 $0x108;
	s8 =	sld [smem:$0x3FAC]  }
0x2e: {  	s3 =	simm.s32 @!p0 $0x1082;
	s9 =	sld [smem:$0x3FAD]  }
0x2f: {  	lr =	sadd.s32 s0, s3;
	s0 =	sld [smem:$0x3FA4]  }
0x30: {  	s3 =	sld [smem:$0x3FA7]  }
0x31: {  	[smem:$0x3FB0] =	sst s10  }
0x32: {  	s10 =	sld [smem:$0x3FAE];
	_ =	sdelay $0x3  }
0x33: {  	p0 =	seq.s32 s10, $0x1;
	s10 =	sld [smem:$0x3FB0];
	_ =	sdelay $0x3  }
0x34: {  	[smem:$0x3FB0] =	sst s10  }
0x35: {  	s10 =	sld [smem:$0x3FAF];
	_ =	sdelay $0x3  }
0x36: {  	p1 =	seq.s32 s10, $0x1;
	s10 =	sld [smem:$0x3FB0];
	_ =	sdelay $0x3  }
0x37: {  	[smem:$0x3FB0] =	sst s10  }
0x38: {  	s10 =	sld [smem:$0x3FB1]  }
0x39: {  	_ = 	snop;
	(pc) =	sbr.ind lr, $3  }
0x3a: {  	_ = 	snop  }
0x3b: {  	_ = 	snop  }
0x3c: {  	p2 =	seq.s32 s10, $0x1;
	s10 =	sld [smem:$0x3FB0]  }
0x3d: {  	_ =	shalt  }
0x3e: {  	_ =	shalt  }
0x3f: {  	_ =	shalt  }
0x40: {  	_ =	shalt  }
0x41: {  	_ =	shalt  }
0x42: {  	_ =	shalt  }
0x43: {  	_ =	shalt  }
0x44: {  	_ =	shalt  }
0x45: {  	_ =	shalt  }
0x46: {  	_ =	shalt  }
0x47: {  	_ =	shalt  }
0x48: {  	_ =	shalt  }
0x49: {  	_ =	shalt  }
0x4a: {  	_ =	shalt  }
0x4b: {  	_ =	shalt  }
0x4c: {  	_ =	shalt  }
0x4d: {  	_ =	shalt  }
0x4e: {  	_ =	shalt  }
0x4f: {  	_ =	shalt  }
0x50: {  	_ =	shalt  }
0x51: {  	_ =	shalt  }
0x52: {  	_ =	shalt  }
0x53: {  	_ =	shalt  }
0x54: {  	_ =	shalt  }
0x55: {  	_ =	shalt  }
0x56: {  	_ =	shalt  }
0x57: {  	_ =	shalt  }
0x58: {  	_ =	shalt  }
0x59: {  	_ =	shalt  }
0x5a: {  	_ =	shalt  }
0x5b: {  	_ =	shalt  }
0x5c: {  	_ =	shalt  }
0x5d: {  	_ =	shalt  }
0x5e: {  	_ =	shalt  }
0x5f: {  	_ =	shalt  }
0x60: {  	_ =	shalt  }
0x61: {  	_ =	shalt  }
0x62: {  	_ =	shalt  }
0x63: {  	_ =	shalt  }
0x64: {  	_ =	shalt  }
0x65: {  	_ =	shalt  }
0x66: {  	_ =	shalt  }
0x67: {  	_ =	shalt  }
0x68: {  	_ =	shalt  }
0x69: {  	_ =	shalt  }
0x6a: {  	_ =	shalt  }
0x6b: {  	_ =	shalt  }
0x6c: {  	_ =	shalt  }
0x6d: {  	_ =	shalt  }
0x6e: {  	_ =	shalt  }
0x6f: {  	_ =	shalt  }
0x70: {  	_ =	shalt  }
0x71: {  	_ =	shalt  }
0x72: {  	_ =	shalt  }
0x73: {  	_ =	shalt  }
0x74: {  	_ =	shalt  }
0x75: {  	_ =	shalt  }
0x76: {  	_ =	shalt  }
0x77: {  	_ =	shalt  }
0x78: {  	_ =	shalt  }
0x79: {  	_ =	shalt  }
0x7a: {  	_ =	shalt  }
0x7b: {  	_ =	shalt  }
0x7c: {  	_ =	shalt  }
0x7d: {  	_ =	shalt  }
0x7e: {  	_ =	shalt  }
0x7f: {  	_ =	shalt  }
0x80: {  	_ =	shalt  }
0x81: {  	_ =	shalt  }
0x82: {  	_ =	shalt  }
0x83: {  	_ =	shalt  }
0x84: {  	_ =	shalt  }
0x85: {  	_ =	shalt  }
0x86: {  	_ =	shalt  }
0x87: {  	_ =	shalt  }
.Lfunc_end0:
.L_simem_size_0:
called_computation.2_lowered:
.L_overlay_start_0:
0x88: {  	s2 =	sld [smem:$0x3FD9]  }
0x89: {  	s3 =	sld [smem:$0x3FFE];
	_ =	sdelay $0x1  }
0x8a: {  	s1 =	srdreg.scid  }
0x8b: {  	s0 =	sand.u32 $0x1, s1  }
0x8c: {  	s17 =	sshll.u32 s0, $0xA;
	s2 =	sadd.s32 s3, s2  }
0x8d: {  	s2 =	sadd.s32 s2, s17  }
0x8e: {  	[smem:$0x3FBC] =	sst s2  }
0x8f: {  	_ = 	snop  }
0x90: {  	s2 =	sld [smem:$0x3FD0];
	(tm) =	ssettm $0x1  }
0x91: {  	s18 =	sld [smem:$0x3FFB];
	_ =	sdelay $0x3  }
0x92: {  	_ =	strace s18  }
0x93: {  	s3 =	sld [smem:$0x3FFC];
	_ =	sdelay $0x3  }
0x94: {  	_ =	strace s3  }
0x95: {  	s3 =	sld [smem:$0x3FFD];
	_ =	sdelay $0x3  }
0x96: {  	_ =	strace s3  }
0x97: {  	_ =	strace $0x8FFFFFFF  }
0x98: {  	s19 =	sld [smem:$0x3FDB];
	_ =	sdelay $0x1  }
0x99: {  	s4 =	simm.s32 $_scs_section_size  }
0x9a: {  	s5 =	simm.s32 $_size__tile_overlayer_lowered;
	s6 =	simm.s32 $_tile_overlayer_lowered  }
0x9b: {  	s22 =	simm.s32 $0x1BFF;
	s21 =	sshll.u32 s6, $0x1;
	s3 =	sadd.s32 s4, s19  }
0x9c: {  	s7 =	simm.s32 $0x0;
	s20 =	sshll.u32 s5, $0x1;
	s5 =	sadd.s32 s21, s3  }
0x9d: {  	[timem:s7], [sflag:s22] =	dma.local [hbm:s5], s20  }
0x9e: {  	_ =	swait.ge [sflag:s22], s20  }
0x9f: {  	s4 =	ssub.s32 $0x0, s20;
	[sflag:s22] =	ssyncset.done $0x0  }
0xa0: {  	[sflag:s22] =	ssyncadd.s32 s4;
	_ =	sdelay $0x1  }
0xa1: {  	s23 =	simm.s32 $0x1B8B  }
0xa2: {  	_ =	swait.ge [sflag:s23], $0x1  }
0xa3: {  	[sflag:s23] =	ssyncset.done $0x0  }
0xa4: {  	s25 =	simm.s32 $0x1B8E;
	s24 =	sld [smem:$0x3FFE];
	[sflag:s23] =	ssyncadd.s32 $0xFFFFFFFF  }
0xa5: {  	s26 =	simm.s32 $execute0_lowered;
	[smem:$0x3FD2] =	sst s25  }
0xa6: {  	s5 =	sshll.u32 s26, $0x1;
	_ =	strace $0x8000004C;
	[dreg:$0x1] =	wrdreg $0xFFFFFFFF  }
0xa7: {  	s28 =	simm.s32 $_size_execute0_lowered;
	s3 =	sadd.s32 s3, s5;
	[dreg:$0x0] =	wrdreg $0x0  }
0xa8: {  	s5 =	sshll.u32 s28, $0x1;
	[dreg:$0x2] =	wrdreg s3  }
0xa9: {  	[dreg:$0x3] =	wrdreg s5  }
0xaa: {  	[dreg:$0x4] =	wrdreg $0xC0  }
0xab: {  	_ =	task [dreg:s7], $0x5FFFF  }
0xac: {  	[dreg:$0x1] =	wrdreg $0xFFFFFFFF  }
0xad: {  	[dreg:$0x0] =	wrdreg $0x60  }
0xae: {  	[dreg:$0x2] =	wrdreg s24  }
0xaf: {  	[dreg:$0x3] =	wrdreg s2  }
0xb0: {  	[dreg:$0x4] =	wrdreg $0xB8000  }
0xb1: {  	[dreg:$0x5] =	wrdreg $0x9  }
0xb2: {  	_ =	task.clear_ibuf [dreg:s7], $0x6FFFF;
	_ =	strace $0x9000004C  }
0xb3: {  	s29 =	simm.s32 $0x9;
	_ =	strace $0x8000004E  }
0xb4: {  	_ =	swait.ge [sflag:s29], $0x1  }
0xb5: {  	[sflag:s29] =	ssyncadd.s32 $0xFFFFFFFF  }
0xb6: {  	_ =	strace $0x9000004E  }
0xb7: {  	_ =	sfence  }
0xb8: {  	s30 =	sld [smem:$0x0];
	_ =	sdelay $0x2  }
0xb9: {  	s31 =	sshll.u32 s1, $0xD;
	s1 =	sshrl.u32 s1, $0x2  }
0xba: {  	s3 =	sand.u32 $0x4000, s31;
	s1 =	sadd.s32 s1, s30  }
0xbb: {  	s0 =	sor.u32 s3, s0;
	s1 =	sshll.u32 s1, $0x11  }
0xbc: {  	s0 =	sor.u32 s1, s0  }
0xbd: {  	s0 =	sadd.s32 $0x8F2B, s0  }
0xbe: {  	[sflag:s0] =	ssyncadd.remote.s32 $0x1  }
0xbf: {  	_ =	sfence.sel $0xFFFF  }
0xc0: {  	[dreg:$0x0] =	wrdreg $0xFFFFFFFF;
	(pc) =	sbr.abs _section_cstart, $3  }
0xc1: {  	[dreg:$0x1] =	wrdreg $0xFFFFFFFF  }
0xc2: {  	_ =	task.clear_ibuf [dreg:s7], $0x2FFFF;
	_ =	strace $0x9FFFFFFF  }
0xc3: {  	(tm) =	ssettm $0x7FFFFFFF  }
tec
execute0_lowered:
.L_overlay_start_1:
0x0: {  	(tag) =	ssettag $0x1  }
0x1: {  	s6 =	rddreg [dreg:$0x0]  }
0x2: {  	s10 =	rddreg [dreg:$0x1]  }
0x3: {  	s0 =	stileid.u32;
	s1 =	srdreg.scid  }
0x4: {  	s2 =	rddreg [dreg:$0x2];
	s3 =	simm.s32 $0x0;
	s11 =	smul.u32 $0x780, s0  }
0x5: {  	s13 =	sand.u32 $0x1, s1;
	s1 =	rddreg [dreg:$0x3];
	s7 =	smul.u32 $0x14000, s0  }
0x6: {  	[smem:$0x7FF] =	sst s3;
	s8 =	smul.u32 $0x280, s0  }
0x7: {  	s4 =	sadd.s32 $0x11A00, s6;
	s12 =	smul.u32 $0x50000, s0;
	s15 =	sshll.u32 s0, $0x6  }
0x8: {  	s5 =	smul.u32 $0x140000, s13;
	_ =	strace $0x8000004D;
	s30 =	ssub.s32 $0x2, s13  }
0x9: {  	p0 =	sne.s32 s13, $0x0;
	s9 =	sadd.s32 s11, s6;
	s8 =	sadd.s32 s8, s6  }
0xa: {  	s31 =	sshrl.u32 s30, $0x1;
	s12 =	sshrl.u32 s12, $0x2;
	s10 =	sadd.s32 s10, s11  }
0xb: {  	s5 =	sadd.s32 s7, s5;
	s16 =	ssub.s32 s30, s31;
	s17 =	sadd.s32 s12, s2  }
.Ltmp0:
0xc: {  	s9 =	sadd.s32 $0x8EA00, s9;
	s7 =	sshrl.u32 s5, $0x3;
	(pc) =	sbr.rel .LBB2_1-.Ltmp0, $4  }
0xd: {  	s5 =	sadd.s32 $0xF200, s6;
	s12 =	smax.u32 s16, $0x1;
	s13 =	sshrl.u32 s17, $0x3  }
0xe: {  	s16 =	simm.s32 $0x80;
	s17 =	simm.s32 $0x7800;
	s14 =	sadd.s32 s7, s6  }
0xf: {  	s6 =	sor.u32 $0x1C01, s15;
	s7 =	sadd.s32 $0x89A00, s8;
	s8 =	sadd.s32 $0x8C200, s8  }
0x10: {  	s15 =	simm.s32 $0x3C00;
	s11 =	sadd.s32 $0x96200, s14;
	s14 =	simm.s32 $0x1  }
.LBB2_7:
0x11: {  	s18 =	sshra.s32 s18, $0x2;
	[sflag:s14] =	ssyncadd.s32 $0xFFFFC000  }
0x12: {  	[tilespmem:s17], [sflag:$0x1] =	stream.indirect.gather [hbm4b:s4+s16], $0x80, s18, s16, $0xb8;
	[tilespmem:$0x1F800] =	vst v63  }
0x13: {  	_ =	swait.ge [sflag:s14], $0x4000  }
0x14: {  	[sflag:s14] =	ssyncset.done $0x0  }
0x15: {  	s18 =	sadd.s32 $0x3C00, s18;
	[sflag:s14] =	ssyncadd.s32 $0xFFFFC000  }
0x16: {  	[spmem:s2] =	stream.indirect.scatter.add.f32 [tilespmem:s17], [sflag:$0x1], $0x80, s18, s16, $0xb8;
	[tilespmem:$0x1F800] =	vst v63  }
0x17: {  	_ =	swait.ge [sflag:s14], $0x4000  }
0x18: {  	[sflag:s14] =	ssyncset.done $0x0  }
0x19: {  	[sflag:s14] =	ssyncadd.s32 $0xFFFFC000  }
.LBB2_8:
0x1a: {  	s3 =	sadd.s32 $0x1, s3  }
0x1b: {  	p1 =	sne.s32 s3, s12  }
.Ltmp1:
0x1c: {  	[bflag:$0x0] =	sbarrier.arrive $0xFFFF;
	(pc) =	sbr.rel @!p1 .LBB2_9-.Ltmp1, $4  }
0x1d: {  	[hbm:s11], [sflag:s6] =	dma.local [spmem:s13], $0x2800  }
0x1e: {  	_ =	swait.ge [sflag:s14], $0x2800  }
0x1f: {  	[sflag:s14] =	ssyncset.done $0x0  }
0x20: {  	[sflag:s14] =	ssyncadd.s32 $0xFFFFD800  }
.LBB2_1:
.Ltmp2:
0x21: {  	(pc) =	sbr.rel @p0 .LBB2_5-.Ltmp2, $4  }
0x22: {  	[spmem:s13], [sflag:s6] =	dma.local [hbm:s5], $0x2800  }
0x23: {  	_ =	swait.ge [sflag:s14], $0x2800  }
0x24: {  	[sflag:s14] =	ssyncset.done $0x0  }
0x25: {  	s18 =	simm.s32 $0x0;
	[sflag:s14] =	ssyncadd.s32 $0xFFFFD800  }
0x26: {  	[tilespmem:s18], [sflag:$0x1] =	stream.linear.gather [hbm4b:s9+s18], $0x3C00, $0x38;
	[tilespmem:$0x1F800] =	vst v63  }
0x27: {  	_ =	swait.ge [sflag:s14], $0x3C00  }
0x28: {  	[sflag:s14] =	ssyncset.done $0x0  }
0x29: {  	[sflag:s14] =	ssyncadd.s32 $0xFFFFC400  }
0x2a: {  	[tilespmem:s15], [sflag:$0x1] =	stream.linear.gather [hbm4b:s10+s18], $0x3C00, $0x38;
	[tilespmem:$0x1F800] =	vst v63  }
0x2b: {  	_ =	swait.ge [sflag:s14], $0x3C00  }
0x2c: {  	[sflag:s14] =	ssyncset.done $0x0  }
0x2d: {  	[sflag:s14] =	ssyncadd.s32 $0xFFFFC400  }
0x2e: {  	s30 =	simm.s32 $0x0;
	[bflag:$0x0] =	sbarrier.arrive $0xFFFF  }
0x2f: {  	[tilespmem:s17], [sflag:$0x1] =	stream.indirect.gather [hbm4b:s4+s16], $0x80, s30, s16, $0xb8;
	[tilespmem:$0x1F800] =	vst v63  }
0x30: {  	_ =	swait.ge [sflag:s14], $0x4000  }
0x31: {  	[sflag:s14] =	ssyncset.done $0x0  }
0x32: {  	s31 =	simm.s32 $0x3C00;
	[sflag:s14] =	ssyncadd.s32 $0xFFFFC000  }
0x33: {  	[spmem:s2] =	stream.indirect.scatter.add.f32 [tilespmem:s17], [sflag:$0x1], $0x80, s31, s16, $0xb8;
	[tilespmem:$0x1F800] =	vst v63  }
0x34: {  	_ =	swait.ge [sflag:s14], $0x4000  }
0x35: {  	s19 =	simm.s32 $0x400;
	s18 =	simm.s32 $0x200;
	[sflag:s14] =	ssyncset.done $0x0  }
.LBB2_3:
0x36: {  	s20 =	sshra.s32 s18, $0x2  }
0x37: {  	[sflag:s14] =	ssyncadd.s32 $0xFFFFC000;
	s18 =	smov.u32 s19;
	s21 =	sadd.s32 $0x200, s19  }
0x38: {  	[tilespmem:s17], [sflag:$0x1] =	stream.indirect.gather [hbm4b:s4+s16], $0x80, s20, s16, $0xb8;
	[tilespmem:$0x1F800] =	vst v63  }
0x39: {  	p1 =	seq.s32 s19, $0xEE00;
	_ =	swait.ge [sflag:s14], $0x4000  }
.Ltmp3:
0x3a: {  	[sflag:s14] =	ssyncset.done $0x0;
	(pc) =	sbr.rel @!p1 .LBB2_3-.Ltmp3, $4  }
0x3b: {  	s19 =	sadd.s32 $0x3C00, s20;
	[sflag:s14] =	ssyncadd.s32 $0xFFFFC000  }
0x3c: {  	[spmem:s2] =	stream.indirect.scatter.add.f32 [tilespmem:s17], [sflag:$0x1], $0x80, s19, s16, $0xb8;
	[tilespmem:$0x1F800] =	vst v63  }
0x3d: {  	_ =	swait.ge [sflag:s14], $0x4000  }
0x3e: {  	s19 =	smov.u32 s21;
	[sflag:s14] =	ssyncset.done $0x0  }
0x3f: {  	s18 =	sshra.s32 s18, $0x2;
	[sflag:s14] =	ssyncadd.s32 $0xFFFFC000  }
0x40: {  	[tilespmem:s17], [sflag:$0x1] =	stream.indirect.gather [hbm4b:s4+s16], $0x80, s18, s16, $0xb8;
	[tilespmem:$0x1F800] =	vst v63  }
0x41: {  	_ =	swait.ge [sflag:s14], $0x4000  }
0x42: {  	[sflag:s14] =	ssyncset.done $0x0  }
.Ltmp4:
0x43: {  	s18 =	sadd.s32 $0x3C00, s18;
	[sflag:s14] =	ssyncadd.s32 $0xFFFFC000;
	(pc) =	sbr.rel .LBB2_8-.Ltmp4, $4  }
0x44: {  	[spmem:s2] =	stream.indirect.scatter.add.f32 [tilespmem:s17], [sflag:$0x1], $0x80, s18, s16, $0xb8;
	[tilespmem:$0x1F800] =	vst v63  }
0x45: {  	_ =	swait.ge [sflag:s14], $0x4000  }
0x46: {  	[sflag:s14] =	ssyncset.done $0x0  }
0x47: {  	[sflag:s14] =	ssyncadd.s32 $0xFFFFC000  }
.LBB2_5:
0x48: {  	[tilespmem:s18], [sflag:$0x1] =	stream.linear.gather [hbm4b:s7+s18], $0x1400, $0x38;
	[tilespmem:$0x1F800] =	vst v63  }
0x49: {  	_ =	swait.ge [sflag:s14], $0x1400  }
0x4a: {  	[sflag:s14] =	ssyncset.done $0x0  }
0x4b: {  	[sflag:s14] =	ssyncadd.s32 $0xFFFFEC00  }
0x4c: {  	[tilespmem:s15], [sflag:$0x1] =	stream.linear.gather [hbm4b:s8+s18], $0x1400, $0x38;
	[tilespmem:$0x1F800] =	vst v63  }
0x4d: {  	_ =	swait.ge [sflag:s14], $0x1400  }
0x4e: {  	[sflag:s14] =	ssyncset.done $0x0  }
0x4f: {  	[sflag:s14] =	ssyncadd.s32 $0xFFFFEC00  }
0x50: {  	s30 =	simm.s32 $0x0;
	[bflag:$0x0] =	sbarrier.arrive $0xFFFF  }
0x51: {  	[tilespmem:s17], [sflag:$0x1] =	stream.indirect.gather [hbm4b:s4+s16], $0x80, s30, s16, $0xb8;
	[tilespmem:$0x1F800] =	vst v63  }
0x52: {  	_ =	swait.ge [sflag:s14], $0x4000  }
0x53: {  	[sflag:s14] =	ssyncset.done $0x0  }
0x54: {  	s31 =	simm.s32 $0x3C00;
	[sflag:s14] =	ssyncadd.s32 $0xFFFFC000  }
0x55: {  	[spmem:s2] =	stream.indirect.scatter.add.f32 [tilespmem:s17], [sflag:$0x1], $0x80, s31, s16, $0xb8;
	[tilespmem:$0x1F800] =	vst v63  }
0x56: {  	_ =	swait.ge [sflag:s14], $0x4000  }
0x57: {  	s19 =	simm.s32 $0x400;
	s18 =	simm.s32 $0x200;
	[sflag:s14] =	ssyncset.done $0x0  }
.LBB2_6:
0x58: {  	s20 =	sshra.s32 s18, $0x2  }
0x59: {  	[sflag:s14] =	ssyncadd.s32 $0xFFFFC000;
	s18 =	smov.u32 s19;
	s21 =	sadd.s32 $0x200, s19  }
0x5a: {  	[tilespmem:s17], [sflag:$0x1] =	stream.indirect.gather [hbm4b:s4+s16], $0x80, s20, s16, $0xb8;
	[tilespmem:$0x1F800] =	vst v63  }
0x5b: {  	p1 =	sne.s32 s19, $0x4E00;
	_ =	swait.ge [sflag:s14], $0x4000  }
.Ltmp5:
0x5c: {  	[sflag:s14] =	ssyncset.done $0x0;
	(pc) =	sbr.rel @p1 .LBB2_6-.Ltmp5, $4  }
0x5d: {  	s19 =	sadd.s32 $0x3C00, s20;
	[sflag:s14] =	ssyncadd.s32 $0xFFFFC000  }
0x5e: {  	[spmem:s2] =	stream.indirect.scatter.add.f32 [tilespmem:s17], [sflag:$0x1], $0x80, s19, s16, $0xb8;
	[tilespmem:$0x1F800] =	vst v63  }
0x5f: {  	_ =	swait.ge [sflag:s14], $0x4000  }
0x60: {  	s19 =	smov.u32 s21;
	[sflag:s14] =	ssyncset.done $0x0  }
.Ltmp6:
0x61: {  	_ = 	snop;
	(pc) =	sbr.rel .LBB2_7-.Ltmp6, $1  }
0x62: {  	_ =	sdelay $0x3  }
.LBB2_9:
0x63: {  	_ =	sfence.sel $0x180000  }
0x64: {  	[bflag:$0x0] =	sbarrier.arrive $0xFFFF  }
0x65: {  	p0 =	sne.s32 s0, $0x0;
	_ =	strace $0x9000004D  }
0x66: {  	s0 =	sadd.s32 @!p0 $0x100000, s1;
	[bflag:$0x2] =	sbarrier.arrive $0xFFFF  }
0x67: {  	[sflag:s0] =	ssyncadd.tile.s32 @!p0 $0x1;
	_ =	shalt  }
.Lfunc_end2:
_tile_overlayer_lowered:
.L_overlay_start_2:
0x68: {  	(tag) =	ssettag $0x2  }
0x69: {  	s0 =	rddreg [dreg:$0x0];
	s2 =	stileid.u32  }
0x6a: {  	s1 =	rddreg [dreg:$0x1];
	p0 =	sne.s32 s2, $0x0  }
0x6b: {  	s3 =	rddreg [dreg:$0x2];
	[bflag:$0x3] =	sbarrier.arrive $0xFFFF;
	s2 =	simm.s32 @!p0 $0x1C01  }
0x6c: {  	[timem:s3], [sflag:s2] =	dma.local @!p0 [hbm:s0], s1  }
0x6d: {  	s0 =	simm.s32 @!p0 $0x1  }
0x6e: {  	_ =	swait.ge @!p0 [sflag:s0], s1  }
0x6f: {  	s1 =	ssub.s32 @!p0 $0x0, s1;
	[sflag:s0] =	ssyncset.done @!p0 $0x0  }
0x70: {  	[sflag:s0] =	ssyncadd.s32 @!p0 s1  }
0x71: {  	[bflag:$0x3] =	sbarrier.arrive $0xFFFF  }
0x72: {  	_ =	shalt  }

// kernel: kernel.18.cloned.1.call-start
scs
__scs_entry_jumppad:
0x0: {  	(pc) =	sbr.rel $0x88, $3  }
0x1: {  	(tag) =	ssettag $0x0;
	lr =	simm.s32 $0x1  }
0x2: {  	[smem:$0x3F95] =	sst lr;
	_ =	strace $0xD0000000  }
0x3: {  	_ = 	snop  }
0x4: {  	_ = 	snop  }
0x5: {  	_ = 	snop  }
0x6: {  	_ = 	snop  }
0x7: {  	_ = 	snop  }
__scs_overlays_trampoline_lowered:
0x8: {  	[smem:$0x3FA4] =	sst s0  }
0x9: {  	[smem:$0x3FA5] =	sst s1  }
0xa: {  	[smem:$0x3FA6] =	sst s2  }
0xb: {  	[smem:$0x3FA7] =	sst s3  }
0xc: {  	[smem:$0x3FA8] =	sst s4  }
0xd: {  	[smem:$0x3FA9] =	sst s5  }
0xe: {  	[smem:$0x3FAA] =	sst s6  }
0xf: {  	[smem:$0x3FAB] =	sst s7  }
0x10: {  	[smem:$0x3FAC] =	sst s8  }
0x11: {  	[smem:$0x3FAD] =	sst s9;
	s0 =	simm.s32 @!p0 $0x0  }
0x12: {  	s1 =	sld [smem:$0x3F93];
	s0 =	simm.s32 @p0 $0x1  }
0x13: {  	[smem:$0x3FAE] =	sst s0;
	s0 =	simm.s32 @!p1 $0x0  }
0x14: {  	s2 =	sld [smem:$0x3F92];
	s0 =	simm.s32 @p1 $0x1  }
0x15: {  	[smem:$0x3FAF] =	sst s0;
	s0 =	simm.s32 @!p2 $0x0  }
0x16: {  	s3 =	sld [smem:$0x3FDB];
	s0 =	simm.s32 @p2 $0x1  }
0x17: {  	s4 =	simm.s32 $0x1BF5;
	[smem:$0x3FB1] =	sst s0  }
0x18: {  	s0 =	sld [smem:$0x3F94];
	_ =	swait.ge [sflag:s4], $0x0  }
0x19: {  	s7 =	sld [smem:$0x3F95]  }
0x1a: {  	s8 =	sadd.s32 $0xFFFFE003, lr  }
0x1b: {  	s9 =	sadd.s32 $0xFFFFFEF7, lr;
	s5 =	simm.s32 $0xFFFFFFFF;
	p2 =	slt.u32 s8, $0xFFFFF086  }
0x1c: {  	p1 =	slt.u32 s9, $0xF7A;
	s5 =	simm.s32 @!p2 $0x0  }
0x1d: {  	s5 =	simm.s32 @p1 $0x1;
	p0 =	seq.s32 s7, s2  }
0x1e: {  	s7 =	smul.u32 @!p0 $0xF7A, s2;
	p2 =	seq.s32 @!p0 s5, $0x0  }
0x1f: {  	s9 =	smul.u32 $0xF7A, s1;
	s8 =	simm.s32 @!p0 $0x1BF5;
	p2 =	por !p2, p0  }
0x20: {  	[sflag:s8] =	ssyncset.s32 @!p0 $0xFFFFF086;
	s6 =	sadd.s32 @!p0 s3, s7;
	s7 =	simm.s32 @!p0 $0x108  }
0x21: {  	s3 =	sadd.s32 s3, s9;
	s6 =	sadd.s32 @!p0 $0x88, s6;
	s7 =	simm.s32 @p2 $0x1082  }
0x22: {  	[simem:s7], [sflag:s8] =	dma.local @!p0 [hbm:s6], $0xF7A  }
0x23: {  	s9 =	sor.u32 $0xD0000000, s2;
	s6 =	simm.s32 $0x108;
	_ =	swait.ge @!p0 [sflag:s8], $0x0  }
0x24: {  	s3 =	sadd.s32 $0x88, s3;
	s6 =	simm.s32 @!p1 $0x1082;
	[sflag:s4] =	ssyncset.s32 $0xFFFFF086  }
0x25: {  	[simem:s6], [sflag:s4] =	dma.local [hbm:s3], $0xF7A  }
0x26: {  	[smem:$0x3F95] =	sst s1;
	(tag) =	ssettag s2;
	_ =	strace s9  }
0x27: {  	s1 =	sld [smem:$0x3FA5]  }
0x28: {  	s2 =	sld [smem:$0x3FA6]  }
0x29: {  	s4 =	sld [smem:$0x3FA8]  }
0x2a: {  	p0 =	seq.s32 s5, $0x0;
	s5 =	sld [smem:$0x3FA9]  }
0x2b: {  	s6 =	sld [smem:$0x3FAA]  }
0x2c: {  	s7 =	sld [smem:$0x3FAB]  }
0x2d: {  	s3 =	simm.s32 $0x108;
	s8 =	sld [smem:$0x3FAC]  }
0x2e: {  	s3 =	simm.s32 @!p0 $0x1082;
	s9 =	sld [smem:$0x3FAD]  }
0x2f: {  	lr =	sadd.s32 s0, s3;
	s0 =	sld [smem:$0x3FA4]  }
0x30: {  	s3 =	sld [smem:$0x3FA7]  }
0x31: {  	[smem:$0x3FB0] =	sst s10  }
0x32: {  	s10 =	sld [smem:$0x3FAE];
	_ =	sdelay $0x3  }
0x33: {  	p0 =	seq.s32 s10, $0x1;
	s10 =	sld [smem:$0x3FB0];
	_ =	sdelay $0x3  }
0x34: {  	[smem:$0x3FB0] =	sst s10  }
0x35: {  	s10 =	sld [smem:$0x3FAF];
	_ =	sdelay $0x3  }
0x36: {  	p1 =	seq.s32 s10, $0x1;
	s10 =	sld [smem:$0x3FB0];
	_ =	sdelay $0x3  }
0x37: {  	[smem:$0x3FB0] =	sst s10  }
0x38: {  	s10 =	sld [smem:$0x3FB1]  }
0x39: {  	_ = 	snop;
	(pc) =	sbr.ind lr, $3  }
0x3a: {  	_ = 	snop  }
0x3b: {  	_ = 	snop  }
0x3c: {  	p2 =	seq.s32 s10, $0x1;
	s10 =	sld [smem:$0x3FB0]  }
0x3d: {  	_ =	shalt  }
0x3e: {  	_ =	shalt  }
0x3f: {  	_ =	shalt  }
0x40: {  	_ =	shalt  }
0x41: {  	_ =	shalt  }
0x42: {  	_ =	shalt  }
0x43: {  	_ =	shalt  }
0x44: {  	_ =	shalt  }
0x45: {  	_ =	shalt  }
0x46: {  	_ =	shalt  }
0x47: {  	_ =	shalt  }
0x48: {  	_ =	shalt  }
0x49: {  	_ =	shalt  }
0x4a: {  	_ =	shalt  }
0x4b: {  	_ =	shalt  }
0x4c: {  	_ =	shalt  }
0x4d: {  	_ =	shalt  }
0x4e: {  	_ =	shalt  }
0x4f: {  	_ =	shalt  }
0x50: {  	_ =	shalt  }
0x51: {  	_ =	shalt  }
0x52: {  	_ =	shalt  }
0x53: {  	_ =	shalt  }
0x54: {  	_ =	shalt  }
0x55: {  	_ =	shalt  }
0x56: {  	_ =	shalt  }
0x57: {  	_ =	shalt  }
0x58: {  	_ =	shalt  }
0x59: {  	_ =	shalt  }
0x5a: {  	_ =	shalt  }
0x5b: {  	_ =	shalt  }
0x5c: {  	_ =	shalt  }
0x5d: {  	_ =	shalt  }
0x5e: {  	_ =	shalt  }
0x5f: {  	_ =	shalt  }
0x60: {  	_ =	shalt  }
0x61: {  	_ =	shalt  }
0x62: {  	_ =	shalt  }
0x63: {  	_ =	shalt  }
0x64: {  	_ =	shalt  }
0x65: {  	_ =	shalt  }
0x66: {  	_ =	shalt  }
0x67: {  	_ =	shalt  }
0x68: {  	_ =	shalt  }
0x69: {  	_ =	shalt  }
0x6a: {  	_ =	shalt  }
0x6b: {  	_ =	shalt  }
0x6c: {  	_ =	shalt  }
0x6d: {  	_ =	shalt  }
0x6e: {  	_ =	shalt  }
0x6f: {  	_ =	shalt  }
0x70: {  	_ =	shalt  }
0x71: {  	_ =	shalt  }
0x72: {  	_ =	shalt  }
0x73: {  	_ =	shalt  }
0x74: {  	_ =	shalt  }
0x75: {  	_ =	shalt  }
0x76: {  	_ =	shalt  }
0x77: {  	_ =	shalt  }
0x78: {  	_ =	shalt  }
0x79: {  	_ =	shalt  }
0x7a: {  	_ =	shalt  }
0x7b: {  	_ =	shalt  }
0x7c: {  	_ =	shalt  }
0x7d: {  	_ =	shalt  }
0x7e: {  	_ =	shalt  }
0x7f: {  	_ =	shalt  }
0x80: {  	_ =	shalt  }
0x81: {  	_ =	shalt  }
0x82: {  	_ =	shalt  }
0x83: {  	_ =	shalt  }
0x84: {  	_ =	shalt  }
0x85: {  	_ =	shalt  }
0x86: {  	_ =	shalt  }
0x87: {  	_ =	shalt  }
.Lfunc_end0:
.L_simem_size_0:
called_computation.3_lowered:
.L_overlay_start_0:
0x88: {  	s2 =	sld [smem:$0x3FD9]  }
0x89: {  	s3 =	sld [smem:$0x3FFE];
	_ =	sdelay $0x1  }
0x8a: {  	s1 =	srdreg.scid  }
0x8b: {  	s0 =	sand.u32 $0x1, s1  }
0x8c: {  	s17 =	sshll.u32 s0, $0xA;
	s2 =	sadd.s32 s3, s2  }
0x8d: {  	s2 =	sadd.s32 s2, s17  }
0x8e: {  	[smem:$0x3FBC] =	sst s2  }
0x8f: {  	_ = 	snop  }
0x90: {  	s2 =	sld [smem:$0x3FD0];
	(tm) =	ssettm $0x1  }
0x91: {  	s18 =	sld [smem:$0x3FFB];
	_ =	sdelay $0x3  }
0x92: {  	_ =	strace s18  }
0x93: {  	s3 =	sld [smem:$0x3FFC];
	_ =	sdelay $0x3  }
0x94: {  	_ =	strace s3  }
0x95: {  	s3 =	sld [smem:$0x3FFD];
	_ =	sdelay $0x3  }
0x96: {  	_ =	strace s3  }
0x97: {  	_ =	strace $0x8FFFFFFF  }
0x98: {  	s19 =	sld [smem:$0x3FDB];
	_ =	sdelay $0x1  }
0x99: {  	s4 =	simm.s32 $_scs_section_size  }
0x9a: {  	s5 =	simm.s32 $_size__tile_overlayer_lowered;
	s6 =	simm.s32 $_tile_overlayer_lowered  }
0x9b: {  	s22 =	simm.s32 $0x1BFF;
	s21 =	sshll.u32 s6, $0x1;
	s3 =	sadd.s32 s4, s19  }
0x9c: {  	s7 =	simm.s32 $0x0;
	s20 =	sshll.u32 s5, $0x1;
	s5 =	sadd.s32 s21, s3  }
0x9d: {  	[timem:s7], [sflag:s22] =	dma.local [hbm:s5], s20  }
0x9e: {  	_ =	swait.ge [sflag:s22], s20  }
0x9f: {  	s4 =	ssub.s32 $0x0, s20;
	[sflag:s22] =	ssyncset.done $0x0  }
0xa0: {  	[sflag:s22] =	ssyncadd.s32 s4;
	_ =	sdelay $0x1  }
0xa1: {  	s23 =	simm.s32 $0x1B8B  }
0xa2: {  	_ =	swait.ge [sflag:s23], $0x1  }
0xa3: {  	[sflag:s23] =	ssyncset.done $0x0  }
0xa4: {  	s25 =	simm.s32 $0x1B8E;
	s24 =	sld [smem:$0x3FFE];
	[sflag:s23] =	ssyncadd.s32 $0xFFFFFFFF  }
0xa5: {  	s26 =	simm.s32 $execute0_lowered;
	[smem:$0x3FD2] =	sst s25  }
0xa6: {  	s5 =	sshll.u32 s26, $0x1;
	_ =	strace $0x8000004F;
	[dreg:$0x1] =	wrdreg $0xFFFFFFFF  }
0xa7: {  	s28 =	simm.s32 $_size_execute0_lowered;
	s3 =	sadd.s32 s3, s5;
	[dreg:$0x0] =	wrdreg $0x0  }
0xa8: {  	s5 =	sshll.u32 s28, $0x1;
	[dreg:$0x2] =	wrdreg s3  }
0xa9: {  	[dreg:$0x3] =	wrdreg s5  }
0xaa: {  	[dreg:$0x4] =	wrdreg $0xC0  }
0xab: {  	_ =	task [dreg:s7], $0x5FFFF  }
0xac: {  	[dreg:$0x1] =	wrdreg $0xFFFFFFFF  }
0xad: {  	[dreg:$0x0] =	wrdreg $0x60  }
0xae: {  	[dreg:$0x2] =	wrdreg s24  }
0xaf: {  	[dreg:$0x3] =	wrdreg s2  }
0xb0: {  	[dreg:$0x4] =	wrdreg $0xB8000  }
0xb1: {  	[dreg:$0x5] =	wrdreg $0x9  }
0xb2: {  	_ =	task.clear_ibuf [dreg:s7], $0x6FFFF;
	_ =	strace $0x9000004F  }
0xb3: {  	s29 =	simm.s32 $0x9;
	_ =	strace $0x80000051  }
0xb4: {  	_ =	swait.ge [sflag:s29], $0x1  }
0xb5: {  	[sflag:s29] =	ssyncadd.s32 $0xFFFFFFFF  }
0xb6: {  	_ =	strace $0x90000051  }
0xb7: {  	_ =	sfence  }
0xb8: {  	s30 =	sld [smem:$0x0];
	_ =	sdelay $0x2  }
0xb9: {  	s31 =	sshll.u32 s1, $0xD;
	s1 =	sshrl.u32 s1, $0x2  }
0xba: {  	s3 =	sand.u32 $0x4000, s31;
	s1 =	sadd.s32 s1, s30  }
0xbb: {  	s0 =	sor.u32 s3, s0;
	s1 =	sshll.u32 s1, $0x11  }
0xbc: {  	s0 =	sor.u32 s1, s0  }
0xbd: {  	s0 =	sadd.s32 $0x8F2B, s0  }
0xbe: {  	[sflag:s0] =	ssyncadd.remote.s32 $0x1  }
0xbf: {  	_ =	sfence.sel $0xFFFF  }
0xc0: {  	[dreg:$0x0] =	wrdreg $0xFFFFFFFF;
	(pc) =	sbr.abs _section_cstart, $3  }
0xc1: {  	[dreg:$0x1] =	wrdreg $0xFFFFFFFF  }
0xc2: {  	_ =	task.clear_ibuf [dreg:s7], $0x2FFFF;
	_ =	strace $0x9FFFFFFF  }
0xc3: {  	(tm) =	ssettm $0x7FFFFFFF  }
tec
execute0_lowered:
.L_overlay_start_1:
0x0: {  	(tag) =	ssettag $0x1  }
0x1: {  	s6 =	rddreg [dreg:$0x0]  }
0x2: {  	s10 =	rddreg [dreg:$0x1]  }
0x3: {  	s0 =	stileid.u32;
	s1 =	srdreg.scid  }
0x4: {  	s2 =	rddreg [dreg:$0x2];
	s3 =	simm.s32 $0x0;
	s11 =	smul.u32 $0x780, s0  }
0x5: {  	s13 =	sand.u32 $0x1, s1;
	s1 =	rddreg [dreg:$0x3];
	s7 =	smul.u32 $0x14000, s0  }
0x6: {  	[smem:$0x7FF] =	sst s3;
	s8 =	smul.u32 $0x280, s0  }
0x7: {  	s4 =	sadd.s32 $0x11A00, s6;
	s12 =	smul.u32 $0x50000, s0;
	s15 =	sshll.u32 s0, $0x6  }
0x8: {  	s5 =	smul.u32 $0x140000, s13;
	_ =	strace $0x80000050;
	s30 =	ssub.s32 $0x2, s13  }
0x9: {  	p0 =	sne.s32 s13, $0x0;
	s9 =	sadd.s32 s11, s6;
	s8 =	sadd.s32 s8, s6  }
0xa: {  	s31 =	sshrl.u32 s30, $0x1;
	s12 =	sshrl.u32 s12, $0x2;
	s10 =	sadd.s32 s10, s11  }
0xb: {  	s5 =	sadd.s32 s7, s5;
	s16 =	ssub.s32 s30, s31;
	s17 =	sadd.s32 s12, s2  }
.Ltmp0:
0xc: {  	s9 =	sadd.s32 $0x8EA00, s9;
	s7 =	sshrl.u32 s5, $0x3;
	(pc) =	sbr.rel .LBB2_1-.Ltmp0, $4  }
0xd: {  	s5 =	sadd.s32 $0xF200, s6;
	s12 =	smax.u32 s16, $0x1;
	s13 =	sshrl.u32 s17, $0x3  }
0xe: {  	s16 =	simm.s32 $0x80;
	s17 =	simm.s32 $0x7800;
	s14 =	sadd.s32 s7, s6  }
0xf: {  	s6 =	sor.u32 $0x1C01, s15;
	s7 =	sadd.s32 $0x89A00, s8;
	s8 =	sadd.s32 $0x8C200, s8  }
0x10: {  	s15 =	simm.s32 $0x3C00;
	s11 =	sadd.s32 $0x96200, s14;
	s14 =	simm.s32 $0x1  }
.LBB2_7:
0x11: {  	s18 =	sshra.s32 s18, $0x2;
	[sflag:s14] =	ssyncadd.s32 $0xFFFFC000  }
0x12: {  	[tilespmem:s17], [sflag:$0x1] =	stream.indirect.gather [hbm4b:s4+s16], $0x80, s18, s16, $0xb8;
	[tilespmem:$0x1F800] =	vst v63  }
0x13: {  	_ =	swait.ge [sflag:s14], $0x4000  }
0x14: {  	[sflag:s14] =	ssyncset.done $0x0  }
0x15: {  	s18 =	sadd.s32 $0x3C00, s18;
	[sflag:s14] =	ssyncadd.s32 $0xFFFFC000  }
0x16: {  	[spmem:s2] =	stream.indirect.scatter.add.f32 [tilespmem:s17], [sflag:$0x1], $0x80, s18, s16, $0xb8;
	[tilespmem:$0x1F800] =	vst v63  }
0x17: {  	_ =	swait.ge [sflag:s14], $0x4000  }
0x18: {  	[sflag:s14] =	ssyncset.done $0x0  }
0x19: {  	[sflag:s14] =	ssyncadd.s32 $0xFFFFC000  }
.LBB2_8:
0x1a: {  	s3 =	sadd.s32 $0x1, s3  }
0x1b: {  	p1 =	sne.s32 s3, s12  }
.Ltmp1:
0x1c: {  	[bflag:$0x0] =	sbarrier.arrive $0xFFFF;
	(pc) =	sbr.rel @!p1 .LBB2_9-.Ltmp1, $4  }
0x1d: {  	[hbm:s11], [sflag:s6] =	dma.local [spmem:s13], $0x2800  }
0x1e: {  	_ =	swait.ge [sflag:s14], $0x2800  }
0x1f: {  	[sflag:s14] =	ssyncset.done $0x0  }
0x20: {  	[sflag:s14] =	ssyncadd.s32 $0xFFFFD800  }
.LBB2_1:
.Ltmp2:
0x21: {  	(pc) =	sbr.rel @p0 .LBB2_5-.Ltmp2, $4  }
0x22: {  	[spmem:s13], [sflag:s6] =	dma.local [hbm:s5], $0x2800  }
0x23: {  	_ =	swait.ge [sflag:s14], $0x2800  }
0x24: {  	[sflag:s14] =	ssyncset.done $0x0  }
0x25: {  	s18 =	simm.s32 $0x0;
	[sflag:s14] =	ssyncadd.s32 $0xFFFFD800  }
0x26: {  	[tilespmem:s18], [sflag:$0x1] =	stream.linear.gather [hbm4b:s9+s18], $0x3C00, $0x38;
	[tilespmem:$0x1F800] =	vst v63  }
0x27: {  	_ =	swait.ge [sflag:s14], $0x3C00  }
0x28: {  	[sflag:s14] =	ssyncset.done $0x0  }
0x29: {  	[sflag:s14] =	ssyncadd.s32 $0xFFFFC400  }
0x2a: {  	[tilespmem:s15], [sflag:$0x1] =	stream.linear.gather [hbm4b:s10+s18], $0x3C00, $0x38;
	[tilespmem:$0x1F800] =	vst v63  }
0x2b: {  	_ =	swait.ge [sflag:s14], $0x3C00  }
0x2c: {  	[sflag:s14] =	ssyncset.done $0x0  }
0x2d: {  	[sflag:s14] =	ssyncadd.s32 $0xFFFFC400  }
0x2e: {  	s30 =	simm.s32 $0x0;
	[bflag:$0x0] =	sbarrier.arrive $0xFFFF  }
0x2f: {  	[tilespmem:s17], [sflag:$0x1] =	stream.indirect.gather [hbm4b:s4+s16], $0x80, s30, s16, $0xb8;
	[tilespmem:$0x1F800] =	vst v63  }
0x30: {  	_ =	swait.ge [sflag:s14], $0x4000  }
0x31: {  	[sflag:s14] =	ssyncset.done $0x0  }
0x32: {  	s31 =	simm.s32 $0x3C00;
	[sflag:s14] =	ssyncadd.s32 $0xFFFFC000  }
0x33: {  	[spmem:s2] =	stream.indirect.scatter.add.f32 [tilespmem:s17], [sflag:$0x1], $0x80, s31, s16, $0xb8;
	[tilespmem:$0x1F800] =	vst v63  }
0x34: {  	_ =	swait.ge [sflag:s14], $0x4000  }
0x35: {  	s19 =	simm.s32 $0x400;
	s18 =	simm.s32 $0x200;
	[sflag:s14] =	ssyncset.done $0x0  }
.LBB2_3:
0x36: {  	s20 =	sshra.s32 s18, $0x2  }
0x37: {  	[sflag:s14] =	ssyncadd.s32 $0xFFFFC000;
	s18 =	smov.u32 s19;
	s21 =	sadd.s32 $0x200, s19  }
0x38: {  	[tilespmem:s17], [sflag:$0x1] =	stream.indirect.gather [hbm4b:s4+s16], $0x80, s20, s16, $0xb8;
	[tilespmem:$0x1F800] =	vst v63  }
0x39: {  	p1 =	seq.s32 s19, $0xEE00;
	_ =	swait.ge [sflag:s14], $0x4000  }
.Ltmp3:
0x3a: {  	[sflag:s14] =	ssyncset.done $0x0;
	(pc) =	sbr.rel @!p1 .LBB2_3-.Ltmp3, $4  }
0x3b: {  	s19 =	sadd.s32 $0x3C00, s20;
	[sflag:s14] =	ssyncadd.s32 $0xFFFFC000  }
0x3c: {  	[spmem:s2] =	stream.indirect.scatter.add.f32 [tilespmem:s17], [sflag:$0x1], $0x80, s19, s16, $0xb8;
	[tilespmem:$0x1F800] =	vst v63  }
0x3d: {  	_ =	swait.ge [sflag:s14], $0x4000  }
0x3e: {  	s19 =	smov.u32 s21;
	[sflag:s14] =	ssyncset.done $0x0  }
0x3f: {  	s18 =	sshra.s32 s18, $0x2;
	[sflag:s14] =	ssyncadd.s32 $0xFFFFC000  }
0x40: {  	[tilespmem:s17], [sflag:$0x1] =	stream.indirect.gather [hbm4b:s4+s16], $0x80, s18, s16, $0xb8;
	[tilespmem:$0x1F800] =	vst v63  }
0x41: {  	_ =	swait.ge [sflag:s14], $0x4000  }
0x42: {  	[sflag:s14] =	ssyncset.done $0x0  }
.Ltmp4:
0x43: {  	s18 =	sadd.s32 $0x3C00, s18;
	[sflag:s14] =	ssyncadd.s32 $0xFFFFC000;
	(pc) =	sbr.rel .LBB2_8-.Ltmp4, $4  }
0x44: {  	[spmem:s2] =	stream.indirect.scatter.add.f32 [tilespmem:s17], [sflag:$0x1], $0x80, s18, s16, $0xb8;
	[tilespmem:$0x1F800] =	vst v63  }
0x45: {  	_ =	swait.ge [sflag:s14], $0x4000  }
0x46: {  	[sflag:s14] =	ssyncset.done $0x0  }
0x47: {  	[sflag:s14] =	ssyncadd.s32 $0xFFFFC000  }
.LBB2_5:
0x48: {  	[tilespmem:s18], [sflag:$0x1] =	stream.linear.gather [hbm4b:s7+s18], $0x1400, $0x38;
	[tilespmem:$0x1F800] =	vst v63  }
0x49: {  	_ =	swait.ge [sflag:s14], $0x1400  }
0x4a: {  	[sflag:s14] =	ssyncset.done $0x0  }
0x4b: {  	[sflag:s14] =	ssyncadd.s32 $0xFFFFEC00  }
0x4c: {  	[tilespmem:s15], [sflag:$0x1] =	stream.linear.gather [hbm4b:s8+s18], $0x1400, $0x38;
	[tilespmem:$0x1F800] =	vst v63  }
0x4d: {  	_ =	swait.ge [sflag:s14], $0x1400  }
0x4e: {  	[sflag:s14] =	ssyncset.done $0x0  }
0x4f: {  	[sflag:s14] =	ssyncadd.s32 $0xFFFFEC00  }
0x50: {  	s30 =	simm.s32 $0x0;
	[bflag:$0x0] =	sbarrier.arrive $0xFFFF  }
0x51: {  	[tilespmem:s17], [sflag:$0x1] =	stream.indirect.gather [hbm4b:s4+s16], $0x80, s30, s16, $0xb8;
	[tilespmem:$0x1F800] =	vst v63  }
0x52: {  	_ =	swait.ge [sflag:s14], $0x4000  }
0x53: {  	[sflag:s14] =	ssyncset.done $0x0  }
0x54: {  	s31 =	simm.s32 $0x3C00;
	[sflag:s14] =	ssyncadd.s32 $0xFFFFC000  }
0x55: {  	[spmem:s2] =	stream.indirect.scatter.add.f32 [tilespmem:s17], [sflag:$0x1], $0x80, s31, s16, $0xb8;
	[tilespmem:$0x1F800] =	vst v63  }
0x56: {  	_ =	swait.ge [sflag:s14], $0x4000  }
0x57: {  	s19 =	simm.s32 $0x400;
	s18 =	simm.s32 $0x200;
	[sflag:s14] =	ssyncset.done $0x0  }
.LBB2_6:
0x58: {  	s20 =	sshra.s32 s18, $0x2  }
0x59: {  	[sflag:s14] =	ssyncadd.s32 $0xFFFFC000;
	s18 =	smov.u32 s19;
	s21 =	sadd.s32 $0x200, s19  }
0x5a: {  	[tilespmem:s17], [sflag:$0x1] =	stream.indirect.gather [hbm4b:s4+s16], $0x80, s20, s16, $0xb8;
	[tilespmem:$0x1F800] =	vst v63  }
0x5b: {  	p1 =	sne.s32 s19, $0x4E00;
	_ =	swait.ge [sflag:s14], $0x4000  }
.Ltmp5:
0x5c: {  	[sflag:s14] =	ssyncset.done $0x0;
	(pc) =	sbr.rel @p1 .LBB2_6-.Ltmp5, $4  }
0x5d: {  	s19 =	sadd.s32 $0x3C00, s20;
	[sflag:s14] =	ssyncadd.s32 $0xFFFFC000  }
0x5e: {  	[spmem:s2] =	stream.indirect.scatter.add.f32 [tilespmem:s17], [sflag:$0x1], $0x80, s19, s16, $0xb8;
	[tilespmem:$0x1F800] =	vst v63  }
0x5f: {  	_ =	swait.ge [sflag:s14], $0x4000  }
0x60: {  	s19 =	smov.u32 s21;
	[sflag:s14] =	ssyncset.done $0x0  }
.Ltmp6:
0x61: {  	_ = 	snop;
	(pc) =	sbr.rel .LBB2_7-.Ltmp6, $1  }
0x62: {  	_ =	sdelay $0x3  }
.LBB2_9:
0x63: {  	_ =	sfence.sel $0x180000  }
0x64: {  	[bflag:$0x0] =	sbarrier.arrive $0xFFFF  }
0x65: {  	p0 =	sne.s32 s0, $0x0;
	_ =	strace $0x90000050  }
0x66: {  	s0 =	sadd.s32 @!p0 $0x100000, s1;
	[bflag:$0x2] =	sbarrier.arrive $0xFFFF  }
0x67: {  	[sflag:s0] =	ssyncadd.tile.s32 @!p0 $0x1;
	_ =	shalt  }
.Lfunc_end2:
_tile_overlayer_lowered:
.L_overlay_start_2:
0x68: {  	(tag) =	ssettag $0x2  }
0x69: {  	s0 =	rddreg [dreg:$0x0];
	s2 =	stileid.u32  }
0x6a: {  	s1 =	rddreg [dreg:$0x1];
	p0 =	sne.s32 s2, $0x0  }
0x6b: {  	s3 =	rddreg [dreg:$0x2];
	[bflag:$0x3] =	sbarrier.arrive $0xFFFF;
	s2 =	simm.s32 @!p0 $0x1C01  }
0x6c: {  	[timem:s3], [sflag:s2] =	dma.local @!p0 [hbm:s0], s1  }
0x6d: {  	s0 =	simm.s32 @!p0 $0x1  }
0x6e: {  	_ =	swait.ge @!p0 [sflag:s0], s1  }
0x6f: {  	s1 =	ssub.s32 @!p0 $0x0, s1;
	[sflag:s0] =	ssyncset.done @!p0 $0x0  }
0x70: {  	[sflag:s0] =	ssyncadd.s32 @!p0 s1  }
0x71: {  	[bflag:$0x3] =	sbarrier.arrive $0xFFFF  }
0x72: {  	_ =	shalt  }

// kernel: kernel.9.cloned.1.call-start
scs
__scs_entry_jumppad:
0x0: {  	(pc) =	sbr.rel $0x88, $3  }
0x1: {  	(tag) =	ssettag $0x0;
	lr =	simm.s32 $0x1  }
0x2: {  	[smem:$0x3F95] =	sst lr;
	_ =	strace $0xD0000000  }
0x3: {  	_ = 	snop  }
0x4: {  	_ = 	snop  }
0x5: {  	_ = 	snop  }
0x6: {  	_ = 	snop  }
0x7: {  	_ = 	snop  }
__scs_overlays_trampoline_lowered:
0x8: {  	[smem:$0x3FA4] =	sst s0  }
0x9: {  	[smem:$0x3FA5] =	sst s1  }
0xa: {  	[smem:$0x3FA6] =	sst s2  }
0xb: {  	[smem:$0x3FA7] =	sst s3  }
0xc: {  	[smem:$0x3FA8] =	sst s4  }
0xd: {  	[smem:$0x3FA9] =	sst s5  }
0xe: {  	[smem:$0x3FAA] =	sst s6  }
0xf: {  	[smem:$0x3FAB] =	sst s7  }
0x10: {  	[smem:$0x3FAC] =	sst s8  }
0x11: {  	[smem:$0x3FAD] =	sst s9;
	s0 =	simm.s32 @!p0 $0x0  }
0x12: {  	s1 =	sld [smem:$0x3F93];
	s0 =	simm.s32 @p0 $0x1  }
0x13: {  	[smem:$0x3FAE] =	sst s0;
	s0 =	simm.s32 @!p1 $0x0  }
0x14: {  	s2 =	sld [smem:$0x3F92];
	s0 =	simm.s32 @p1 $0x1  }
0x15: {  	[smem:$0x3FAF] =	sst s0;
	s0 =	simm.s32 @!p2 $0x0  }
0x16: {  	s3 =	sld [smem:$0x3FDB];
	s0 =	simm.s32 @p2 $0x1  }
0x17: {  	s4 =	simm.s32 $0x1BF5;
	[smem:$0x3FB1] =	sst s0  }
0x18: {  	s0 =	sld [smem:$0x3F94];
	_ =	swait.ge [sflag:s4], $0x0  }
0x19: {  	s7 =	sld [smem:$0x3F95]  }
0x1a: {  	s8 =	sadd.s32 $0xFFFFE003, lr  }
0x1b: {  	s9 =	sadd.s32 $0xFFFFFEF7, lr;
	s5 =	simm.s32 $0xFFFFFFFF;
	p2 =	slt.u32 s8, $0xFFFFF086  }
0x1c: {  	p1 =	slt.u32 s9, $0xF7A;
	s5 =	simm.s32 @!p2 $0x0  }
0x1d: {  	s5 =	simm.s32 @p1 $0x1;
	p0 =	seq.s32 s7, s2  }
0x1e: {  	s7 =	smul.u32 @!p0 $0xF7A, s2;
	p2 =	seq.s32 @!p0 s5, $0x0  }
0x1f: {  	s9 =	smul.u32 $0xF7A, s1;
	s8 =	simm.s32 @!p0 $0x1BF5;
	p2 =	por !p2, p0  }
0x20: {  	[sflag:s8] =	ssyncset.s32 @!p0 $0xFFFFF086;
	s6 =	sadd.s32 @!p0 s3, s7;
	s7 =	simm.s32 @!p0 $0x108  }
0x21: {  	s3 =	sadd.s32 s3, s9;
	s6 =	sadd.s32 @!p0 $0x88, s6;
	s7 =	simm.s32 @p2 $0x1082  }
0x22: {  	[simem:s7], [sflag:s8] =	dma.local @!p0 [hbm:s6], $0xF7A  }
0x23: {  	s9 =	sor.u32 $0xD0000000, s2;
	s6 =	simm.s32 $0x108;
	_ =	swait.ge @!p0 [sflag:s8], $0x0  }
0x24: {  	s3 =	sadd.s32 $0x88, s3;
	s6 =	simm.s32 @!p1 $0x1082;
	[sflag:s4] =	ssyncset.s32 $0xFFFFF086  }
0x25: {  	[simem:s6], [sflag:s4] =	dma.local [hbm:s3], $0xF7A  }
0x26: {  	[smem:$0x3F95] =	sst s1;
	(tag) =	ssettag s2;
	_ =	strace s9  }
0x27: {  	s1 =	sld [smem:$0x3FA5]  }
0x28: {  	s2 =	sld [smem:$0x3FA6]  }
0x29: {  	s4 =	sld [smem:$0x3FA8]  }
0x2a: {  	p0 =	seq.s32 s5, $0x0;
	s5 =	sld [smem:$0x3FA9]  }
0x2b: {  	s6 =	sld [smem:$0x3FAA]  }
0x2c: {  	s7 =	sld [smem:$0x3FAB]  }
0x2d: {  	s3 =	simm.s32 $0x108;
	s8 =	sld [smem:$0x3FAC]  }
0x2e: {  	s3 =	simm.s32 @!p0 $0x1082;
	s9 =	sld [smem:$0x3FAD]  }
0x2f: {  	lr =	sadd.s32 s0, s3;
	s0 =	sld [smem:$0x3FA4]  }
0x30: {  	s3 =	sld [smem:$0x3FA7]  }
0x31: {  	[smem:$0x3FB0] =	sst s10  }
0x32: {  	s10 =	sld [smem:$0x3FAE];
	_ =	sdelay $0x3  }
0x33: {  	p0 =	seq.s32 s10, $0x1;
	s10 =	sld [smem:$0x3FB0];
	_ =	sdelay $0x3  }
0x34: {  	[smem:$0x3FB0] =	sst s10  }
0x35: {  	s10 =	sld [smem:$0x3FAF];
	_ =	sdelay $0x3  }
0x36: {  	p1 =	seq.s32 s10, $0x1;
	s10 =	sld [smem:$0x3FB0];
	_ =	sdelay $0x3  }
0x37: {  	[smem:$0x3FB0] =	sst s10  }
0x38: {  	s10 =	sld [smem:$0x3FB1]  }
0x39: {  	_ = 	snop;
	(pc) =	sbr.ind lr, $3  }
0x3a: {  	_ = 	snop  }
0x3b: {  	_ = 	snop  }
0x3c: {  	p2 =	seq.s32 s10, $0x1;
	s10 =	sld [smem:$0x3FB0]  }
0x3d: {  	_ =	shalt  }
0x3e: {  	_ =	shalt  }
0x3f: {  	_ =	shalt  }
0x40: {  	_ =	shalt  }
0x41: {  	_ =	shalt  }
0x42: {  	_ =	shalt  }
0x43: {  	_ =	shalt  }
0x44: {  	_ =	shalt  }
0x45: {  	_ =	shalt  }
0x46: {  	_ =	shalt  }
0x47: {  	_ =	shalt  }
0x48: {  	_ =	shalt  }
0x49: {  	_ =	shalt  }
0x4a: {  	_ =	shalt  }
0x4b: {  	_ =	shalt  }
0x4c: {  	_ =	shalt  }
0x4d: {  	_ =	shalt  }
0x4e: {  	_ =	shalt  }
0x4f: {  	_ =	shalt  }
0x50: {  	_ =	shalt  }
0x51: {  	_ =	shalt  }
0x52: {  	_ =	shalt  }
0x53: {  	_ =	shalt  }
0x54: {  	_ =	shalt  }
0x55: {  	_ =	shalt  }
0x56: {  	_ =	shalt  }
0x57: {  	_ =	shalt  }
0x58: {  	_ =	shalt  }
0x59: {  	_ =	shalt  }
0x5a: {  	_ =	shalt  }
0x5b: {  	_ =	shalt  }
0x5c: {  	_ =	shalt  }
0x5d: {  	_ =	shalt  }
0x5e: {  	_ =	shalt  }
0x5f: {  	_ =	shalt  }
0x60: {  	_ =	shalt  }
0x61: {  	_ =	shalt  }
0x62: {  	_ =	shalt  }
0x63: {  	_ =	shalt  }
0x64: {  	_ =	shalt  }
0x65: {  	_ =	shalt  }
0x66: {  	_ =	shalt  }
0x67: {  	_ =	shalt  }
0x68: {  	_ =	shalt  }
0x69: {  	_ =	shalt  }
0x6a: {  	_ =	shalt  }
0x6b: {  	_ =	shalt  }
0x6c: {  	_ =	shalt  }
0x6d: {  	_ =	shalt  }
0x6e: {  	_ =	shalt  }
0x6f: {  	_ =	shalt  }
0x70: {  	_ =	shalt  }
0x71: {  	_ =	shalt  }
0x72: {  	_ =	shalt  }
0x73: {  	_ =	shalt  }
0x74: {  	_ =	shalt  }
0x75: {  	_ =	shalt  }
0x76: {  	_ =	shalt  }
0x77: {  	_ =	shalt  }
0x78: {  	_ =	shalt  }
0x79: {  	_ =	shalt  }
0x7a: {  	_ =	shalt  }
0x7b: {  	_ =	shalt  }
0x7c: {  	_ =	shalt  }
0x7d: {  	_ =	shalt  }
0x7e: {  	_ =	shalt  }
0x7f: {  	_ =	shalt  }
0x80: {  	_ =	shalt  }
0x81: {  	_ =	shalt  }
0x82: {  	_ =	shalt  }
0x83: {  	_ =	shalt  }
0x84: {  	_ =	shalt  }
0x85: {  	_ =	shalt  }
0x86: {  	_ =	shalt  }
0x87: {  	_ =	shalt  }
.Lfunc_end0:
.L_simem_size_0:
called_computation_lowered:
.L_overlay_start_0:
0x88: {  	s2 =	sld [smem:$0x3FD9]  }
0x89: {  	s3 =	sld [smem:$0x3FFE];
	_ =	sdelay $0x1  }
0x8a: {  	s1 =	srdreg.scid  }
0x8b: {  	s0 =	sand.u32 $0x1, s1  }
0x8c: {  	s17 =	sshll.u32 s0, $0xA;
	s2 =	sadd.s32 s3, s2  }
0x8d: {  	s2 =	sadd.s32 s2, s17  }
0x8e: {  	[smem:$0x3FBC] =	sst s2  }
0x8f: {  	_ = 	snop  }
0x90: {  	s2 =	sld [smem:$0x3FC7];
	(tm) =	ssettm $0x1  }
0x91: {  	s18 =	sld [smem:$0x3FFB];
	_ =	sdelay $0x3  }
0x92: {  	_ =	strace s18  }
0x93: {  	s3 =	sld [smem:$0x3FFC];
	_ =	sdelay $0x3  }
0x94: {  	_ =	strace s3  }
0x95: {  	s3 =	sld [smem:$0x3FFD];
	_ =	sdelay $0x3  }
0x96: {  	_ =	strace s3  }
0x97: {  	_ =	strace $0x8FFFFFFF  }
0x98: {  	s19 =	sld [smem:$0x3FDB];
	_ =	sdelay $0x1  }
0x99: {  	s4 =	simm.s32 $_scs_section_size  }
0x9a: {  	s5 =	simm.s32 $_size__tile_overlayer_lowered;
	s6 =	simm.s32 $_tile_overlayer_lowered  }
0x9b: {  	s22 =	simm.s32 $0x1BFF;
	s21 =	sshll.u32 s6, $0x1;
	s3 =	sadd.s32 s4, s19  }
0x9c: {  	s7 =	simm.s32 $0x0;
	s20 =	sshll.u32 s5, $0x1;
	s5 =	sadd.s32 s21, s3  }
0x9d: {  	[timem:s7], [sflag:s22] =	dma.local [hbm:s5], s20  }
0x9e: {  	_ =	swait.ge [sflag:s22], s20  }
0x9f: {  	s4 =	ssub.s32 $0x0, s20;
	[sflag:s22] =	ssyncset.done $0x0  }
0xa0: {  	[sflag:s22] =	ssyncadd.s32 s4;
	_ =	sdelay $0x1  }
0xa1: {  	s23 =	simm.s32 $0x1B8B  }
0xa2: {  	_ =	swait.ge [sflag:s23], $0x1  }
0xa3: {  	[sflag:s23] =	ssyncset.done $0x0  }
0xa4: {  	s25 =	simm.s32 $0x1B8E;
	s24 =	sld [smem:$0x3FFE];
	[sflag:s23] =	ssyncadd.s32 $0xFFFFFFFF  }
0xa5: {  	s26 =	simm.s32 $execute0_lowered;
	[smem:$0x3FD2] =	sst s25  }
0xa6: {  	s5 =	sshll.u32 s26, $0x1;
	_ =	strace $0x80000046;
	[dreg:$0x1] =	wrdreg $0xFFFFFFFF  }
0xa7: {  	s28 =	simm.s32 $_size_execute0_lowered;
	s3 =	sadd.s32 s3, s5;
	[dreg:$0x0] =	wrdreg $0x0  }
0xa8: {  	s5 =	sshll.u32 s28, $0x1;
	[dreg:$0x2] =	wrdreg s3  }
0xa9: {  	[dreg:$0x3] =	wrdreg s5  }
0xaa: {  	[dreg:$0x4] =	wrdreg $0xC0  }
0xab: {  	_ =	task [dreg:s7], $0x5FFFF  }
0xac: {  	[dreg:$0x1] =	wrdreg $0xFFFFFFFF  }
0xad: {  	[dreg:$0x0] =	wrdreg $0x60  }
0xae: {  	[dreg:$0x2] =	wrdreg s2  }
0xaf: {  	[dreg:$0x3] =	wrdreg s24  }
0xb0: {  	[dreg:$0x4] =	wrdreg $0xA0000  }
0xb1: {  	[dreg:$0x5] =	wrdreg $0x9  }
0xb2: {  	_ =	task.clear_ibuf [dreg:s7], $0x6FFFF;
	_ =	strace $0x90000046  }
0xb3: {  	s29 =	simm.s32 $0x9;
	_ =	strace $0x80000048  }
0xb4: {  	_ =	swait.ge [sflag:s29], $0x1  }
0xb5: {  	[sflag:s29] =	ssyncadd.s32 $0xFFFFFFFF  }
0xb6: {  	_ =	strace $0x90000048  }
0xb7: {  	_ =	sfence  }
0xb8: {  	s30 =	sld [smem:$0x0];
	_ =	sdelay $0x2  }
0xb9: {  	s31 =	sshll.u32 s1, $0xD;
	s1 =	sshrl.u32 s1, $0x2  }
0xba: {  	s3 =	sand.u32 $0x4000, s31;
	s1 =	sadd.s32 s1, s30  }
0xbb: {  	s0 =	sor.u32 s3, s0;
	s1 =	sshll.u32 s1, $0x11  }
0xbc: {  	s0 =	sor.u32 s1, s0  }
0xbd: {  	s0 =	sadd.s32 $0x8F2B, s0  }
0xbe: {  	[sflag:s0] =	ssyncadd.remote.s32 $0x1  }
0xbf: {  	_ =	sfence.sel $0xFFFF  }
0xc0: {  	[dreg:$0x0] =	wrdreg $0xFFFFFFFF;
	(pc) =	sbr.abs _section_cstart, $3  }
0xc1: {  	[dreg:$0x1] =	wrdreg $0xFFFFFFFF  }
0xc2: {  	_ =	task.clear_ibuf [dreg:s7], $0x2FFFF;
	_ =	strace $0x9FFFFFFF  }
0xc3: {  	(tm) =	ssettm $0x7FFFFFFF  }
tec
execute0_lowered:
.L_overlay_start_1:
0x0: {  	(tag) =	ssettag $0x1  }
0x1: {  	s1 =	rddreg [dreg:$0x0]  }
0x2: {  	s15 =	rddreg [dreg:$0x1]  }
0x3: {  	s2 =	rddreg [dreg:$0x2]  }
0x4: {  	s3 =	srdreg.scid;
	s0 =	rddreg [dreg:$0x3];
	s4 =	simm.s32 $0x0  }
0x5: {  	s20 =	simm.s32 $0x3A00;
	s21 =	simm.s32 $0x40;
	s28 =	simm.s32 $0x0  }
0x6: {  	s16 =	sand.u32 $0x1, s3;
	s3 =	stileid.u32;
	[smem:$0x7FF] =	sst s4  }
0x7: {  	s6 =	sadd.s32 $0xEA00, s15;
	s10 =	sadd.s32 $0x11A00, s15;
	s7 =	smul.u32 $0x140000, s16  }
0x8: {  	s5 =	sshll.u32 s3, $0x7;
	s8 =	smul.u32 $0x14000, s3;
	_ =	strace $0x80000047  }
0x9: {  	s22 =	ssub.s32 $0x2, s16;
	s11 =	sshll.u32 s16, $0x4;
	s14 =	smul.u32 $0x50000, s3  }
0xa: {  	s12 =	sshll.u32 s16, $0xB;
	p0 =	seq.s32 s16, $0x0;
	s18 =	smul.u32 $0x500, s3  }
0xb: {  	s31 =	sshll.u32 s3, $0x6;
	s9 =	sadd.s32 s5, s15;
	s5 =	sadd.s32 $0xF200, s15  }
0xc: {  	s23 =	sshrl.u32 s22, $0x1;
	s11 =	sor.u32 s3, s11;
	s20 =	simm.s32 @!p0 $0x9A00  }
0xd: {  	p0 =	sne.s32 s16, $0x0;
	s16 =	simm.s32 $0x1;
	s7 =	sadd.s32 s8, s7  }
0xe: {  	s17 =	ssub.s32 s22, s23;
	s24 =	sadd.s32 s12, s9;
	s25 =	smul.u32 $0xA000, s11  }
0xf: {  	s26 =	sshrl.u32 s14, $0x2;
	s11 =	smul.u32 $0x1400, s11;
	s22 =	simm.s32 $0x400  }
0x10: {  	s23 =	simm.s32 $0x80;
	s7 =	sshrl.u32 s7, $0x3;
	s19 =	sadd.s32 s26, s2  }
0x11: {  	s14 =	smax.u32 s17, $0x1;
	s17 =	simm.s32 $0x6000;
	s26 =	simm.s32 $0x200  }
0x12: {  	s13 =	sadd.s32 s7, s15;
	s7 =	sadd.s32 $0x8A00, s24;
	s29 =	sshrl.u32 s25, $0x3  }
.Ltmp0:
0x13: {  	s8 =	sadd.s32 s10, s11;
	s15 =	sadd.s32 s20, s15;
	(pc) =	sbr.rel .LBB2_1-.Ltmp0, $4  }
0x14: {  	s19 =	sshrl.u32 s19, $0x3;
	s20 =	simm.s32 $0x2400;
	s24 =	simm.s32 $0x100  }
0x15: {  	s25 =	simm.s32 $0x180;
	s30 =	sadd.s32 s10, s29;
	s13 =	sadd.s32 $0x39A00, s13  }
0x16: {  	s15 =	sadd.s32 s15, s18;
	s18 =	sor.u32 $0x1C01, s31;
	s9 =	sadd.s32 $0x400, s30  }
0x17: {  	s10 =	sadd.s32 $0x800, s30;
	s11 =	sadd.s32 $0xC00, s30;
	s12 =	sadd.s32 $0x1000, s30  }
.LBB2_7:
0x18: {  	[sflag:s16] =	ssyncset.done $0x0  }
0x19: {  	[sflag:s16] =	ssyncadd.s32 $0xFFFFC000  }
.LBB2_8:
0x1a: {  	s28 =	sadd.s32 $0x1, s28  }
0x1b: {  	p1 =	sne.s32 s28, s14  }
.Ltmp1:
0x1c: {  	[bflag:$0x0] =	sbarrier.arrive $0xFFFF;
	(pc) =	sbr.rel @!p1 .LBB2_9-.Ltmp1, $4  }
0x1d: {  	[hbm:s13], [sflag:s18] =	dma.local [spmem:s19], $0x2800  }
0x1e: {  	_ =	swait.ge [sflag:s16], $0x2800  }
0x1f: {  	[sflag:s16] =	ssyncset.done $0x0  }
0x20: {  	[sflag:s16] =	ssyncadd.s32 $0xFFFFD800  }
.LBB2_1:
0x21: {  	[tilespmem:s4], [sflag:$0x1] =	stream.linear.gather [hbm4b:s7+s4], $0x280, $0x38;
	[tilespmem:$0x1E000] =	vst v63  }
0x22: {  	_ =	swait.ge [sflag:s16], $0x280  }
0x23: {  	[sflag:s16] =	ssyncset.done $0x0  }
0x24: {  	[sflag:s16] =	ssyncadd.s32 $0xFFFFFD80  }
0x25: {  	[tilespmem:s17], [sflag:$0x1] =	stream.linear.gather [hbm4b:s6+s4], $0x4000, $0x38;
	[tilespmem:$0x1E000] =	vst v63  }
0x26: {  	_ =	swait.ge [sflag:s16], $0x4000  }
0x27: {  	[sflag:s16] =	ssyncset.done $0x0  }
0x28: {  	[sflag:s16] =	ssyncadd.s32 $0xFFFFC000  }
0x29: {  	[spmem:s19], [sflag:s18] =	dma.local [hbm:s5], $0x2800  }
0x2a: {  	_ =	swait.ge [sflag:s16], $0x2800  }
0x2b: {  	[sflag:s16] =	ssyncset.done $0x0  }
0x2c: {  	[sflag:s16] =	ssyncadd.s32 $0xFFFFD800  }
0x2d: {  	[tilespmem:s20], [sflag:$0x1] =	stream.linear.gather [hbm4b:s15+s4], $0x2800, $0x38;
	[tilespmem:$0x1E000] =	vst v63  }
0x2e: {  	_ =	swait.ge [sflag:s16], $0x2800  }
0x2f: {  	[sflag:s16] =	ssyncset.done $0x0  }
0x30: {  	[sflag:s16] =	ssyncadd.s32 $0xFFFFD800  }
0x31: {  	[bflag:$0x0] =	sbarrier.arrive $0xFFFF  }
0x32: {  	[tilespmem:s22], [sflag:$0x1] =	stream.indirect.gather [hbm4b:s1+s21], $0x80, s4, s21, $0xb8;
	[tilespmem:$0x1E000] =	vst v63  }
0x33: {  	_ =	swait.ge [sflag:s16], $0x2000  }
0x34: {  	[sflag:s16] =	ssyncset.done $0x0  }
0x35: {  	[sflag:s16] =	ssyncadd.s32 $0xFFFFE000  }
0x36: {  	[hbm4b:s8+s4] =	stream.linear.scatter [tilespmem:s22], [sflag:$0x1], $0x2000, $0x38;
	[tilespmem:$0x1E000] =	vst v63  }
0x37: {  	_ =	swait.ge [sflag:s16], $0x2000  }
0x38: {  	[sflag:s16] =	ssyncset.done $0x0  }
0x39: {  	[sflag:s16] =	ssyncadd.s32 $0xFFFFE000  }
0x3a: {  	[tilespmem:s22], [sflag:$0x1] =	stream.indirect.gather [hbm4b:s1+s21], $0x80, s23, s21, $0xb8;
	[tilespmem:$0x1E000] =	vst v63  }
0x3b: {  	_ =	swait.ge [sflag:s16], $0x2000  }
0x3c: {  	[sflag:s16] =	ssyncset.done $0x0  }
0x3d: {  	[sflag:s16] =	ssyncadd.s32 $0xFFFFE000  }
0x3e: {  	[hbm4b:s9+s4] =	stream.linear.scatter [tilespmem:s22], [sflag:$0x1], $0x2000, $0x38;
	[tilespmem:$0x1E000] =	vst v63  }
0x3f: {  	_ =	swait.ge [sflag:s16], $0x2000  }
0x40: {  	[sflag:s16] =	ssyncset.done $0x0  }
0x41: {  	[sflag:s16] =	ssyncadd.s32 $0xFFFFE000  }
0x42: {  	[tilespmem:s22], [sflag:$0x1] =	stream.indirect.gather [hbm4b:s1+s21], $0x80, s24, s21, $0xb8;
	[tilespmem:$0x1E000] =	vst v63  }
0x43: {  	_ =	swait.ge [sflag:s16], $0x2000  }
0x44: {  	[sflag:s16] =	ssyncset.done $0x0  }
0x45: {  	[sflag:s16] =	ssyncadd.s32 $0xFFFFE000  }
0x46: {  	[hbm4b:s10+s4] =	stream.linear.scatter [tilespmem:s22], [sflag:$0x1], $0x2000, $0x38;
	[tilespmem:$0x1E000] =	vst v63  }
0x47: {  	_ =	swait.ge [sflag:s16], $0x2000  }
0x48: {  	[sflag:s16] =	ssyncset.done $0x0  }
0x49: {  	[sflag:s16] =	ssyncadd.s32 $0xFFFFE000  }
0x4a: {  	[tilespmem:s22], [sflag:$0x1] =	stream.indirect.gather [hbm4b:s1+s21], $0x80, s25, s21, $0xb8;
	[tilespmem:$0x1E000] =	vst v63  }
0x4b: {  	_ =	swait.ge [sflag:s16], $0x2000  }
0x4c: {  	[sflag:s16] =	ssyncset.done $0x0  }
0x4d: {  	[sflag:s16] =	ssyncadd.s32 $0xFFFFE000  }
0x4e: {  	[hbm4b:s11+s4] =	stream.linear.scatter [tilespmem:s22], [sflag:$0x1], $0x2000, $0x38;
	[tilespmem:$0x1E000] =	vst v63  }
0x4f: {  	_ =	swait.ge [sflag:s16], $0x2000  }
0x50: {  	[sflag:s16] =	ssyncset.done $0x0  }
0x51: {  	[sflag:s16] =	ssyncadd.s32 $0xFFFFE000  }
0x52: {  	[tilespmem:s22], [sflag:$0x1] =	stream.indirect.gather [hbm4b:s1+s21], $0x80, s26, s21, $0xb8;
	[tilespmem:$0x1E000] =	vst v63  }
0x53: {  	_ =	swait.ge [sflag:s16], $0x2000  }
0x54: {  	[sflag:s16] =	ssyncset.done $0x0  }
.Ltmp2:
0x55: {  	[sflag:s16] =	ssyncadd.s32 $0xFFFFE000;
	(pc) =	sbr.rel @p0 .LBB2_5-.Ltmp2, $4  }
0x56: {  	[hbm4b:s12+s4] =	stream.linear.scatter [tilespmem:s22], [sflag:$0x1], $0x2000, $0x38;
	[tilespmem:$0x1E000] =	vst v63  }
0x57: {  	_ =	swait.ge [sflag:s16], $0x2000  }
0x58: {  	s29 =	sshra.s32 s4, $0x2;
	[sflag:s16] =	ssyncset.done $0x0  }
0x59: {  	s29 =	sadd.s32 $0x2400, s29;
	[sflag:s16] =	ssyncadd.s32 $0xFFFFE000  }
0x5a: {  	[spmem:s2] =	stream.indirect.scatter.add.f32 [tilespmem:s17], [sflag:$0x1], $0x80, s29, s23, $0xb8;
	[tilespmem:$0x1E000] =	vst v63  }
0x5b: {  	s29 =	sadd.s32 $0x200, s4;
	_ =	swait.ge [sflag:s16], $0x4000  }
.LBB2_3:
0x5c: {  	s30 =	sshra.s32 s29, $0x2;
	[sflag:s16] =	ssyncset.done $0x0;
	p1 =	seq.s32 s29, $0x9E00  }
.Ltmp3:
0x5d: {  	s30 =	sadd.s32 $0x2400, s30;
	[sflag:s16] =	ssyncadd.s32 $0xFFFFC000;
	(pc) =	sbr.rel @!p1 .LBB2_3-.Ltmp3, $3  }
0x5e: {  	[spmem:s2] =	stream.indirect.scatter.add.f32 [tilespmem:s17], [sflag:$0x1], $0x80, s30, s23, $0xb8;
	[tilespmem:$0x1E000] =	vst v63  }
0x5f: {  	s29 =	sadd.s32 $0x200, s29;
	_ =	sdelay $0x1  }
0x60: {  	_ =	swait.ge [sflag:s16], $0x4000  }
.Ltmp4:
0x61: {  	(pc) =	sbr.rel .LBB2_8-.Ltmp4, $3  }
0x62: {  	_ =	sdelay $0x1  }
0x63: {  	[sflag:s16] =	ssyncset.done $0x0  }
0x64: {  	[sflag:s16] =	ssyncadd.s32 $0xFFFFC000  }
.LBB2_5:
0x65: {  	[spmem:s2] =	stream.indirect.scatter.add.f32 [tilespmem:s17], [sflag:$0x1], $0x80, s29, s23, $0xb8;
	[tilespmem:$0x1E000] =	vst v63  }
0x66: {  	s29 =	sadd.s32 $0x200, s4;
	_ =	swait.ge [sflag:s16], $0x4000  }
.LBB2_6:
0x67: {  	s30 =	sshra.s32 s29, $0x2;
	[sflag:s16] =	ssyncset.done $0x0;
	p1 =	sne.s32 s29, $0x9E00  }
.Ltmp5:
0x68: {  	s30 =	sadd.s32 $0x2400, s30;
	[sflag:s16] =	ssyncadd.s32 $0xFFFFC000;
	(pc) =	sbr.rel @p1 .LBB2_6-.Ltmp5, $3  }
0x69: {  	[spmem:s2] =	stream.indirect.scatter.add.f32 [tilespmem:s17], [sflag:$0x1], $0x80, s30, s23, $0xb8;
	[tilespmem:$0x1E000] =	vst v63  }
0x6a: {  	s29 =	sadd.s32 $0x200, s29;
	_ =	sdelay $0x1  }
0x6b: {  	_ =	swait.ge [sflag:s16], $0x4000  }
.Ltmp6:
0x6c: {  	_ = 	snop;
	(pc) =	sbr.rel .LBB2_7-.Ltmp6, $1  }
0x6d: {  	_ =	sdelay $0x3  }
.LBB2_9:
0x6e: {  	_ =	sfence.sel $0x180000  }
0x6f: {  	[bflag:$0x0] =	sbarrier.arrive $0xFFFF  }
0x70: {  	p0 =	sne.s32 s3, $0x0;
	_ =	strace $0x90000047  }
0x71: {  	s0 =	sadd.s32 @!p0 $0x100000, s0;
	[bflag:$0x2] =	sbarrier.arrive $0xFFFF  }
0x72: {  	[sflag:s0] =	ssyncadd.tile.s32 @!p0 $0x1;
	_ =	shalt  }
.Lfunc_end2:
_tile_overlayer_lowered:
.L_overlay_start_2:
0x73: {  	(tag) =	ssettag $0x2  }
0x74: {  	s0 =	rddreg [dreg:$0x0];
	s2 =	stileid.u32  }
0x75: {  	s1 =	rddreg [dreg:$0x1];
	p0 =	sne.s32 s2, $0x0  }
0x76: {  	s3 =	rddreg [dreg:$0x2];
	[bflag:$0x3] =	sbarrier.arrive $0xFFFF;
	s2 =	simm.s32 @!p0 $0x1C01  }
0x77: {  	[timem:s3], [sflag:s2] =	dma.local @!p0 [hbm:s0], s1  }
0x78: {  	s0 =	simm.s32 @!p0 $0x1  }
0x79: {  	_ =	swait.ge @!p0 [sflag:s0], s1  }
0x7a: {  	s1 =	ssub.s32 @!p0 $0x0, s1;
	[sflag:s0] =	ssyncset.done @!p0 $0x0  }
0x7b: {  	[sflag:s0] =	ssyncadd.s32 @!p0 s1  }
0x7c: {  	[bflag:$0x3] =	sbarrier.arrive $0xFFFF  }
0x7d: {  	_ =	shalt  }

</sc_bundles>
